<compile_context>
chip_gen: v7x
topology: tpu7x:2x2x1
jax: 0.10.2.dev20260603
libtpu: 0.0.44.dev20260713+nightly
codegen_flags: <defaults>
</compile_context>

<pallas_src>
import functools

import jax
import jax.numpy as jnp
from jax import lax
from jax.experimental import pallas as pl
from jax.experimental.pallas import tpu as pltpu
from jax.experimental.pallas import tpu_sc as plsc

D = 64
L = 50
B = 1024
BL = B * L
NW = 32
ROWS_W = BL // NW
CHUNK = 80
NCHUNK = ROWS_W // CHUNK
UROWS_W = B // NW

BN = 64
RB2 = BN * (L // 2)


def _sc_gather(v2e_w, u2e_w, idx2d, nodes):
  mesh = plsc.VectorSubcoreMesh(core_axis_name="c", subcore_axis_name="s")

  @functools.partial(
      pl.kernel,
      mesh=mesh,
      compiler_params=pltpu.CompilerParams(use_tc_tiling_on_sc=False),
      out_type=(
          jax.ShapeDtypeStruct((BL, D), jnp.float32),
          jax.ShapeDtypeStruct((B, D), jnp.float32),
      ),
      scratch_types=[
          pltpu.VMEM((NCHUNK, CHUNK), jnp.int32),
          pltpu.VMEM((ROWS_W, D), jnp.float32),
          pltpu.VMEM((UROWS_W,), jnp.int32),
          pltpu.VMEM((UROWS_W, D), jnp.float32),
          pltpu.SemaphoreType.DMA((NCHUNK,)),
          pltpu.SemaphoreType.DMA,
          pltpu.SemaphoreType.DMA,
      ],
  )
  def k(v2e_hbm, u2e_hbm, idx_hbm, nodes_hbm, euv_out, uv_out,
        idx_v, rows_v, nidx_v, urows_v, sems, wsem, usem):
    wid = lax.axis_index("s") * 2 + lax.axis_index("c")

    pltpu.sync_copy(idx_hbm.at[wid], idx_v)
    copies = []
    for j in range(NCHUNK):
      copies.append(pltpu.async_copy(
          v2e_hbm.at[idx_v.at[j]],
          rows_v.at[pl.ds(j * CHUNK, CHUNK)], sems.at[j]))
    pltpu.sync_copy(nodes_hbm.at[pl.ds(wid * UROWS_W, UROWS_W)], nidx_v)
    ucopy = pltpu.async_copy(u2e_hbm.at[nidx_v], urows_v, usem)
    wcopies = []
    for j in range(NCHUNK):
      copies[j].wait()
      wcopies.append(pltpu.async_copy(
          rows_v.at[pl.ds(j * CHUNK, CHUNK)],
          euv_out.at[pl.ds(wid * ROWS_W + j * CHUNK, CHUNK)], wsem))
    ucopy.wait()
    pltpu.sync_copy(urows_v, uv_out.at[pl.ds(wid * UROWS_W, UROWS_W)])
    for w in wcopies:
      w.wait()

  return k(v2e_w, u2e_w, idx2d, nodes)


def _mm(a, b):
  return jnp.dot(a, b, preferred_element_type=jnp.float32)


def _mm_tl(a, b):
  return lax.dot_general(a, b, (((0,), (0,)), ((), ())),
                         preferred_element_type=jnp.float32)


def _tc_body(euv_ref, rt_ref, uv_ref, r2e_ref, w1b_ref,
             w1bd_ref, w2bd_ref, a1bd_ref, a2bd_ref, a1b_ref,
             a3l_ref, a3r_ref, bias_ref,
             pt_ref, ptt_ref, out_ref):
  eu2 = euv_ref[...]
  rt = rt_ref[0]
  uv = uv_ref[...]

  proj = _mm(r2e_ref[...], w1b_ref[...])
  ohL = jnp.concatenate(
      [jnp.where(rt[0:1, :] == k, 1.0, 0.0) for k in range(8)], axis=0)
  ohR = jnp.concatenate(
      [jnp.where(rt[1:2, :] == k, 1.0, 0.0) for k in range(8)], axis=0)
  rsel2 = jnp.concatenate([_mm_tl(ohL, proj), _mm_tl(ohR, proj)], axis=1)

  bias = bias_ref[...]
  h2 = jax.nn.relu(_mm(eu2, w1bd_ref[...]) + rsel2 + bias[0:1, :])
  o2 = jax.nn.relu(_mm(h2, w2bd_ref[...]) + bias[1:2, :])

  g = _mm(uv, a1b_ref[...])
  g2 = jnp.concatenate([g, g], axis=1)
  pt = pt_ref[...]
  q2 = _mm(pt, g2) + bias[2:3, :]
  t2 = jax.nn.relu(_mm(o2, a1bd_ref[...]) + q2)
  a22 = jax.nn.relu(_mm(t2, a2bd_ref[...]) + bias[3:4, :])

  lgL = jnp.sum(a22 * a3l_ref[...], axis=1, keepdims=True)
  lgR = jnp.sum(a22 * a3r_ref[...], axis=1, keepdims=True)
  m = jnp.maximum(jnp.max(lgL), jnp.max(lgR))
  expL = jnp.exp(lgL - m)
  expR = jnp.exp(lgR - m)
  esc = jnp.concatenate([jnp.broadcast_to(expL, (RB2, D)),
                         jnp.broadcast_to(expR, (RB2, D))], axis=1)
  w2s = o2 * esc
  numer = w2s[:, :D] + w2s[:, D:]
  st = jnp.concatenate(
      [numer, jnp.broadcast_to(expL + expR, (RB2, D))], axis=1)
  seg = _mm(ptt_ref[...], st)
  out_ref[0] = seg[:, :D] / seg[:, D:]


def _tc_aggregate(euv128, rt, uv_rep, r2e_pad, w1b_t, w1bd, w2bd, a1bd, a2bd,
                  a1b_t, a3l, a3r, bias, pt, ptt, interpret=False):
  grid = B // BN
  blk = lambda shape: pl.BlockSpec(shape, lambda i: (0, 0))
  return pl.pallas_call(
      _tc_body,
      grid=(grid,),
      in_specs=[
          pl.BlockSpec((RB2, 2 * D), lambda i: (i, 0)),
          pl.BlockSpec((1, 8, RB2), lambda i: (i, 0, 0)),
          pl.BlockSpec((BN, D), lambda i: (i, 0)),
          blk((8, D)), blk((D, D)),
          blk((2 * D, 2 * D)), blk((2 * D, 2 * D)),
          blk((2 * D, 2 * D)), blk((2 * D, 2 * D)),
          blk((D, D)),
          blk((1, 2 * D)), blk((1, 2 * D)), blk((8, 2 * D)),
          blk((RB2, BN)), blk((BN, RB2)),
      ],
      out_specs=pl.BlockSpec((1, BN, D), lambda i: (i, 0, 0)),
      out_shape=jax.ShapeDtypeStruct((B // BN, BN, D), jnp.float32),
      interpret=interpret,
  )(euv128, rt, uv_rep, r2e_pad, w1b_t, w1bd, w2bd, a1bd, a2bd,
    a1b_t, a3l, a3r, bias, pt, ptt)


def kernel(nodes, history_uv, history_r, v2e_w, u2e_w, r2e_w,
           w_r1_W, w_r1_b, w_r2_W, w_r2_b,
           att1_W, att1_b, att2_W, att2_b, att3_W, att3_b):
  idx2d = history_uv.reshape(NW, NCHUNK, CHUNK)
  euv_flat, uv_rep = _sc_gather(v2e_w, u2e_w, idx2d, nodes)

  euv128 = euv_flat.reshape(BL // 2, 2 * D)
  rt = jnp.pad(
      jnp.transpose(history_r.reshape(B // BN, RB2, 2), (0, 2, 1)),
      ((0, 0), (0, 6), (0, 0))).astype(jnp.float32)
  r2e_pad = jnp.zeros((8, D), jnp.float32).at[:5].set(r2e_w)

  def bd(w):
    z = jnp.zeros((D, D), jnp.float32)
    return jnp.block([[w, z], [z, w]])

  w1b_t = w_r1_W[:, D:].T
  w1bd = bd(w_r1_W[:, :D].T)
  w2bd = bd(w_r2_W.T)
  a1bd = bd(att1_W[:, :D].T)
  a2bd = bd(att2_W.T)
  a1b_t = att1_W[:, D:].T
  a3row = att3_W.reshape(1, D)
  zrow = jnp.zeros((1, D), jnp.float32)
  a3l = jnp.concatenate([a3row, zrow], axis=1)
  a3r = jnp.concatenate([zrow, a3row], axis=1)
  bias = jnp.zeros((8, 2 * D), jnp.float32)
  for i, bvec in enumerate((w_r1_b, w_r2_b, att1_b, att2_b)):
    bias = bias.at[i].set(jnp.tile(bvec, 2))
  pair_ids = jnp.arange(RB2)[:, None] // (L // 2)
  pt = (pair_ids == jnp.arange(BN)[None, :]).astype(jnp.float32)
  ptt = pt.T

  out3 = _tc_aggregate(euv128, rt, uv_rep, r2e_pad, w1b_t, w1bd, w2bd,
                       a1bd, a2bd, a1b_t, a3l, a3r, bias, pt, ptt)
  return out3.reshape(B, D)

# --- scband reference (transcript-rebuilt; emitter-appended) ---
"""Pipeline reference for scband-uv-aggregator-31069793419778 (READ-ONLY COPY).

The authoritative reference and input builder live on the scoring server;
editing this copy changes nothing except your own understanding.
"""

import jax, jax.numpy as jnp
import numpy as np

EMBED_DIM = 64
N_USERS = 100000
N_ITEMS = 100000
N_RATINGS = 5
B = 1024
L = 50


def setup_inputs(seed: int = 0) -> dict:
    key = jax.random.key(seed)
    ks = jax.random.split(key, 16)
    d = EMBED_DIM
    inp = {}
    inp["nodes"] = jax.random.randint(ks[0], (B,), 0, N_USERS, dtype=jnp.int32)
    inp["history_uv"] = jax.random.randint(ks[1], (B, L), 0, N_ITEMS, dtype=jnp.int32)
    inp["history_r"] = jax.random.randint(ks[2], (B, L), 0, N_RATINGS, dtype=jnp.int32)
    inp["v2e_w"] = jax.random.normal(ks[3], (N_ITEMS, d), dtype=jnp.float32) * 0.05
    inp["u2e_w"] = jax.random.normal(ks[4], (N_USERS, d), dtype=jnp.float32) * 0.05
    inp["r2e_w"] = jax.random.normal(ks[5], (N_RATINGS, d), dtype=jnp.float32) * 0.05
    inp["w_r1_W"] = jax.random.normal(ks[6], (d, 2 * d), dtype=jnp.float32) * 0.05
    inp["w_r1_b"] = jnp.zeros((d,), dtype=jnp.float32)
    inp["w_r2_W"] = jax.random.normal(ks[7], (d, d), dtype=jnp.float32) * 0.05
    inp["w_r2_b"] = jnp.zeros((d,), dtype=jnp.float32)
    inp["att1_W"] = jax.random.normal(ks[8], (d, 2 * d), dtype=jnp.float32) * 0.05
    inp["att1_b"] = jnp.zeros((d,), dtype=jnp.float32)
    inp["att2_W"] = jax.random.normal(ks[9], (d, d), dtype=jnp.float32) * 0.05
    inp["att2_b"] = jnp.zeros((d,), dtype=jnp.float32)
    inp["att3_W"] = jax.random.normal(ks[10], (1, d), dtype=jnp.float32) * 0.05
    inp["att3_b"] = jnp.zeros((1,), dtype=jnp.float32)
    return inp


def reference(nodes, history_uv, history_r, v2e_w, u2e_w, r2e_w,
              w_r1_W, w_r1_b, w_r2_W, w_r2_b,
              att1_W, att1_b, att2_W, att2_b, att3_W, att3_b):
    # uv=True branch: e_uv from item table, uv_rep from user table (gathers)
    e_uv = jnp.take(v2e_w, history_uv, axis=0)      # [B, L, d]
    uv_rep = jnp.take(u2e_w, nodes, axis=0)          # [B, d]
    e_r = jnp.take(r2e_w, history_r, axis=0)         # [B, L, d]
    # opinion-aware history encoding
    x = jnp.concatenate([e_uv, e_r], axis=-1)        # [B, L, 2d]
    x = jax.nn.relu(jnp.einsum('bli,oi->blo', x, w_r1_W) + w_r1_b)
    o_history = jax.nn.relu(jnp.einsum('bli,oi->blo', x, w_r2_W) + w_r2_b)  # [B, L, d]
    # attention over history (softmax along history dim, per node)
    q_rep = jnp.broadcast_to(uv_rep[:, None, :], o_history.shape)
    a = jnp.concatenate([o_history, q_rep], axis=-1)  # [B, L, 2d]
    a = jax.nn.relu(jnp.einsum('bli,oi->blo', a, att1_W) + att1_b)
    a = jax.nn.relu(jnp.einsum('bli,oi->blo', a, att2_W) + att2_b)
    a = jnp.einsum('bli,oi->blo', a, att3_W) + att3_b  # [B, L, 1]
    att_w = jax.nn.softmax(a, axis=1)                  # softmax over L
    # att_history = o_history^T @ att_w, per node -> [B, d]
    to_feats = jnp.sum(o_history * att_w, axis=1)
    return to_feats

if __name__ == "__main__":
    import jax
    _d = setup_inputs()
    print(jax.jit(kernel)(*tuple(_d.values())))

</pallas_src>

<mosaic_0001>
#map = affine_map<(d0, d1) -> (0, 0)>
#map1 = affine_map<(d0, d1) -> (0, 0, 0)>
#map2 = affine_map<(d0, d1) -> (0)>
module attributes {stable_mosaic.version = 14 : i64} {
  func.func @k(%arg0: i32, %arg1: i32, %arg2: memref<100000x64xf32, #tpu.memory_space<hbm>>, %arg3: memref<100000x64xf32, #tpu.memory_space<hbm>>, %arg4: memref<32x20x80xi32, #tpu.memory_space<hbm>>, %arg5: memref<1024xi32, #tpu.memory_space<hbm>>, %arg6: memref<51200x64xf32, #tpu.memory_space<hbm>>, %arg7: memref<1024x64xf32, #tpu.memory_space<hbm>>, %arg8: memref<20x80xi32, #tpu.memory_space<vmem>>, %arg9: memref<1600x64xf32, #tpu.memory_space<vmem>>, %arg10: memref<32xi32, #tpu.memory_space<vmem>>, %arg11: memref<32x64xf32, #tpu.memory_space<vmem>>, %arg12: memref<20x!tpu.dma_semaphore, #tpu.memory_space<semaphore_mem>>, %arg13: memref<!tpu.dma_semaphore, #tpu.memory_space<semaphore_mem>>, %arg14: memref<!tpu.dma_semaphore, #tpu.memory_space<semaphore_mem>>) attributes {dimension_semantics = [#tpu.dimension_semantics<core_parallel>, #tpu.dimension_semantics<subcore_parallel>], iteration_bounds = array<i64: 2, 16>, scalar_prefetch = 0 : i64, scratch_operands = 7 : i64, tpu.core_type = #tpu.core_type<sc_vector_subcore>, window_params = [{transform_indices = #map}, {transform_indices = #map}, {transform_indices = #map1}, {transform_indices = #map2}, {transform_indices = #map}, {transform_indices = #map}]} {
    %mul3A = arith.constant 2 : i32
    %mul3A_0 = arith.muli %arg1, %mul3A : i32
    %add3A = arith.addi %mul3A_0, %arg0 : i32
    "tpu.region"() ({
      %run_scoped3A = tpu.sem_alloc : memref<!tpu.dma_semaphore, #tpu.memory_space<semaphore_mem>>
      %dma_start3A_1009 = arith.constant 0 : i32
      %dma_start3A_1010 = arith.constant 0 : i32
      %dma_start3A_1011 = tpu.memref_slice %arg4[%add3A, %dma_start3A_1009, %dma_start3A_1010] : memref<32x20x80xi32, #tpu.memory_space<hbm>> -> memref<1x20x80xi32, #tpu.memory_space<hbm>>
      %dma_start3A_1012 = tpu.memref_squeeze %dma_start3A_1011 : memref<1x20x80xi32, #tpu.memory_space<hbm>> -> memref<20x80xi32, #tpu.memory_space<hbm>>
      %dma_start3A_1013 = arith.constant 0 : i32
      %dma_start3A_1014 = arith.constant 0 : i32
      %dma_start3A_1015 = tpu.memref_slice %arg4[%add3A, %dma_start3A_1013, %dma_start3A_1014] : memref<32x20x80xi32, #tpu.memory_space<hbm>> -> memref<1x20x80xi32, #tpu.memory_space<hbm>>
      %dma_start3A_1016 = tpu.memref_squeeze %dma_start3A_1015 : memref<1x20x80xi32, #tpu.memory_space<hbm>> -> memref<20x80xi32, #tpu.memory_space<hbm>>
      tpu.enqueue_dma source(%dma_start3A_1016 : memref<20x80xi32, #tpu.memory_space<hbm>>) target(%arg8 : memref<20x80xi32, #tpu.memory_space<vmem>>) target_semaphore(%run_scoped3A : memref<!tpu.dma_semaphore, #tpu.memory_space<semaphore_mem>>)
      %dma_wait3A_1017 = arith.constant 0 : i32
      %dma_wait3A_1018 = arith.constant 0 : i32
      %dma_wait3A_1019 = tpu.memref_slice %arg4[%add3A, %dma_wait3A_1017, %dma_wait3A_1018] : memref<32x20x80xi32, #tpu.memory_space<hbm>> -> memref<1x20x80xi32, #tpu.memory_space<hbm>>
      %dma_wait3A_1020 = tpu.memref_squeeze %dma_wait3A_1019 : memref<1x20x80xi32, #tpu.memory_space<hbm>> -> memref<20x80xi32, #tpu.memory_space<hbm>>
      %dma_wait3A_1021 = arith.constant 0 : i32
      %dma_wait3A_1022 = arith.constant 0 : i32
      %dma_wait3A_1023 = tpu.memref_slice %arg4[%add3A, %dma_wait3A_1021, %dma_wait3A_1022] : memref<32x20x80xi32, #tpu.memory_space<hbm>> -> memref<1x20x80xi32, #tpu.memory_space<hbm>>
      %dma_wait3A_1024 = tpu.memref_squeeze %dma_wait3A_1023 : memref<1x20x80xi32, #tpu.memory_space<hbm>> -> memref<20x80xi32, #tpu.memory_space<hbm>>
      tpu.wait_dma2 semaphore(%run_scoped3A : memref<!tpu.dma_semaphore, #tpu.memory_space<semaphore_mem>>) src(%dma_wait3A_1024 : memref<20x80xi32, #tpu.memory_space<hbm>>) dst(%arg8 : memref<20x80xi32, #tpu.memory_space<vmem>>)
      tpu.yield
    }) : () -> ()
    %dma_start3A = arith.constant 0 : i32
    %dma_start3A_1 = arith.constant 0 : i32
    %dma_start3A_2 = arith.constant 0 : i32
    %dma_start3A_3 = arith.constant 0 : i32
    %dma_start3A_4 = tpu.memref_slice %arg9[%dma_start3A_2, %dma_start3A_3] : memref<1600x64xf32, #tpu.memory_space<vmem>> -> memref<80x64xf32, #tpu.memory_space<vmem>>
    %dma_start3A_5 = arith.constant 0 : i32
    %dma_start3A_6 = tpu.memref_slice %arg8[%dma_start3A, %dma_start3A_5] : memref<20x80xi32, #tpu.memory_space<vmem>> -> memref<1x80xi32, #tpu.memory_space<vmem>>
    %dma_start3A_7 = tpu.memref_squeeze %dma_start3A_6 : memref<1x80xi32, #tpu.memory_space<vmem>> -> memref<80xi32, #tpu.memory_space<vmem>>
    %dma_start3A_8 = arith.constant 0 : i32
    %dma_start3A_9 = arith.constant 0 : i32
    %dma_start3A_10 = tpu.memref_slice %arg2[%dma_start3A_8, %dma_start3A_9] : memref<100000x64xf32, #tpu.memory_space<hbm>> -> memref<100000x64xf32, #tpu.memory_space<hbm>>
    %dma_start3A_11 = tpu.memref_slice %arg12[%dma_start3A_1] : memref<20x!tpu.dma_semaphore, #tpu.memory_space<semaphore_mem>> -> memref<1x!tpu.dma_semaphore, #tpu.memory_space<semaphore_mem>>
    %dma_start3A_12 = tpu.memref_squeeze %dma_start3A_11 : memref<1x!tpu.dma_semaphore, #tpu.memory_space<semaphore_mem>> -> memref<!tpu.dma_semaphore, #tpu.memory_space<semaphore_mem>>
    tpu.enqueue_indirect_dma source(%dma_start3A_10 : memref<100000x64xf32, #tpu.memory_space<hbm>>) target(%dma_start3A_4 : memref<80x64xf32, #tpu.memory_space<vmem>>) offsets(%dma_start3A_7 : memref<80xi32, #tpu.memory_space<vmem>>) semaphore(%dma_start3A_12 : memref<!tpu.dma_semaphore, #tpu.memory_space<semaphore_mem>>)
    %dma_start3A_13 = arith.constant 1 : i32
    %dma_start3A_14 = arith.constant 1 : i32
    %dma_start3A_15 = arith.constant 80 : i32
    %dma_start3A_16 = arith.constant 0 : i32
    %dma_start3A_17 = tpu.memref_slice %arg9[%dma_start3A_15, %dma_start3A_16] : memref<1600x64xf32, #tpu.memory_space<vmem>> -> memref<80x64xf32, #tpu.memory_space<vmem>>
    %dma_start3A_18 = arith.constant 0 : i32
    %dma_start3A_19 = tpu.memref_slice %arg8[%dma_start3A_13, %dma_start3A_18] : memref<20x80xi32, #tpu.memory_space<vmem>> -> memref<1x80xi32, #tpu.memory_space<vmem>>
    %dma_start3A_20 = tpu.memref_squeeze %dma_start3A_19 : memref<1x80xi32, #tpu.memory_space<vmem>> -> memref<80xi32, #tpu.memory_space<vmem>>
    %dma_start3A_21 = arith.constant 0 : i32
    %dma_start3A_22 = arith.constant 0 : i32
    %dma_start3A_23 = tpu.memref_slice %arg2[%dma_start3A_21, %dma_start3A_22] : memref<100000x64xf32, #tpu.memory_space<hbm>> -> memref<100000x64xf32, #tpu.memory_space<hbm>>
    %dma_start3A_24 = tpu.memref_slice %arg12[%dma_start3A_14] : memref<20x!tpu.dma_semaphore, #tpu.memory_space<semaphore_mem>> -> memref<1x!tpu.dma_semaphore, #tpu.memory_space<semaphore_mem>>
    %dma_start3A_25 = tpu.memref_squeeze %dma_start3A_24 : memref<1x!tpu.dma_semaphore, #tpu.memory_space<semaphore_mem>> -> memref<!tpu.dma_semaphore, #tpu.memory_space<semaphore_mem>>
    tpu.enqueue_indirect_dma source(%dma_start3A_23 : memref<100000x64xf32, #tpu.memory_space<hbm>>) target(%dma_start3A_17 : memref<80x64xf32, #tpu.memory_space<vmem>>) offsets(%dma_start3A_20 : memref<80xi32, #tpu.memory_space<vmem>>) semaphore(%dma_start3A_25 : memref<!tpu.dma_semaphore, #tpu.memory_space<semaphore_mem>>)
    %dma_start3A_26 = arith.constant 2 : i32
    %dma_start3A_27 = arith.constant 2 : i32
    %dma_start3A_28 = arith.constant 160 : i32
    %dma_start3A_29 = arith.constant 0 : i32
    %dma_start3A_30 = tpu.memref_slice %arg9[%dma_start3A_28, %dma_start3A_29] : memref<1600x64xf32, #tpu.memory_space<vmem>> -> memref<80x64xf32, #tpu.memory_space<vmem>>
    %dma_start3A_31 = arith.constant 0 : i32
    %dma_start3A_32 = tpu.memref_slice %arg8[%dma_start3A_26, %dma_start3A_31] : memref<20x80xi32, #tpu.memory_space<vmem>> -> memref<1x80xi32, #tpu.memory_space<vmem>>
    %dma_start3A_33 = tpu.memref_squeeze %dma_start3A_32 : memref<1x80xi32, #tpu.memory_space<vmem>> -> memref<80xi32, #tpu.memory_space<vmem>>
    %dma_start3A_34 = arith.constant 0 : i32
    %dma_start3A_35 = arith.constant 0 : i32
    %dma_start3A_36 = tpu.memref_slice %arg2[%dma_start3A_34, %dma_start3A_35] : memref<100000x64xf32, #tpu.memory_space<hbm>> -> memref<100000x64xf32, #tpu.memory_space<hbm>>
    %dma_start3A_37 = tpu.memref_slice %arg12[%dma_start3A_27] : memref<20x!tpu.dma_semaphore, #tpu.memory_space<semaphore_mem>> -> memref<1x!tpu.dma_semaphore, #tpu.memory_space<semaphore_mem>>
    %dma_start3A_38 = tpu.memref_squeeze %dma_start3A_37 : memref<1x!tpu.dma_semaphore, #tpu.memory_space<semaphore_mem>> -> memref<!tpu.dma_semaphore, #tpu.memory_space<semaphore_mem>>
    tpu.enqueue_indirect_dma source(%dma_start3A_36 : memref<100000x64xf32, #tpu.memory_space<hbm>>) target(%dma_start3A_30 : memref<80x64xf32, #tpu.memory_space<vmem>>) offsets(%dma_start3A_33 : memref<80xi32, #tpu.memory_space<vmem>>) semaphore(%dma_start3A_38 : memref<!tpu.dma_semaphore, #tpu.memory_space<semaphore_mem>>)
    %dma_start3A_39 = arith.constant 3 : i32
    %dma_start3A_40 = arith.constant 3 : i32
    %dma_start3A_41 = arith.constant 240 : i32
    %dma_start3A_42 = arith.constant 0 : i32
    %dma_start3A_43 = tpu.memref_slice %arg9[%dma_start3A_41, %dma_start3A_42] : memref<1600x64xf32, #tpu.memory_space<vmem>> -> memref<80x64xf32, #tpu.memory_space<vmem>>
    %dma_start3A_44 = arith.constant 0 : i32
    %dma_start3A_45 = tpu.memref_slice %arg8[%dma_start3A_39, %dma_start3A_44] : memref<20x80xi32, #tpu.memory_space<vmem>> -> memref<1x80xi32, #tpu.memory_space<vmem>>
    %dma_start3A_46 = tpu.memref_squeeze %dma_start3A_45 : memref<1x80xi32, #tpu.memory_space<vmem>> -> memref<80xi32, #tpu.memory_space<vmem>>
    %dma_start3A_47 = arith.constant 0 : i32
    %dma_start3A_48 = arith.constant 0 : i32
    %dma_start3A_49 = tpu.memref_slice %arg2[%dma_start3A_47, %dma_start3A_48] : memref<100000x64xf32, #tpu.memory_space<hbm>> -> memref<100000x64xf32, #tpu.memory_space<hbm>>
    %dma_start3A_50 = tpu.memref_slice %arg12[%dma_start3A_40] : memref<20x!tpu.dma_semaphore, #tpu.memory_space<semaphore_mem>> -> memref<1x!tpu.dma_semaphore, #tpu.memory_space<semaphore_mem>>
    %dma_start3A_51 = tpu.memref_squeeze %dma_start3A_50 : memref<1x!tpu.dma_semaphore, #tpu.memory_space<semaphore_mem>> -> memref<!tpu.dma_semaphore, #tpu.memory_space<semaphore_mem>>
    tpu.enqueue_indirect_dma source(%dma_start3A_49 : memref<100000x64xf32, #tpu.memory_space<hbm>>) target(%dma_start3A_43 : memref<80x64xf32, #tpu.memory_space<vmem>>) offsets(%dma_start3A_46 : memref<80xi32, #tpu.memory_space<vmem>>) semaphore(%dma_start3A_51 : memref<!tpu.dma_semaphore, #tpu.memory_space<semaphore_mem>>)
    %dma_start3A_52 = arith.constant 4 : i32
    %dma_start3A_53 = arith.constant 4 : i32
    %dma_start3A_54 = arith.constant 320 : i32
    %dma_start3A_55 = arith.constant 0 : i32
    %dma_start3A_56 = tpu.memref_slice %arg9[%dma_start3A_54, %dma_start3A_55] : memref<1600x64xf32, #tpu.memory_space<vmem>> -> memref<80x64xf32, #tpu.memory_space<vmem>>
    %dma_start3A_57 = arith.constant 0 : i32
    %dma_start3A_58 = tpu.memref_slice %arg8[%dma_start3A_52, %dma_start3A_57] : memref<20x80xi32, #tpu.memory_space<vmem>> -> memref<1x80xi32, #tpu.memory_space<vmem>>
    %dma_start3A_59 = tpu.memref_squeeze %dma_start3A_58 : memref<1x80xi32, #tpu.memory_space<vmem>> -> memref<80xi32, #tpu.memory_space<vmem>>
    %dma_start3A_60 = arith.constant 0 : i32
    %dma_start3A_61 = arith.constant 0 : i32
    %dma_start3A_62 = tpu.memref_slice %arg2[%dma_start3A_60, %dma_start3A_61] : memref<100000x64xf32, #tpu.memory_space<hbm>> -> memref<100000x64xf32, #tpu.memory_space<hbm>>
    %dma_start3A_63 = tpu.memref_slice %arg12[%dma_start3A_53] : memref<20x!tpu.dma_semaphore, #tpu.memory_space<semaphore_mem>> -> memref<1x!tpu.dma_semaphore, #tpu.memory_space<semaphore_mem>>
    %dma_start3A_64 = tpu.memref_squeeze %dma_start3A_63 : memref<1x!tpu.dma_semaphore, #tpu.memory_space<semaphore_mem>> -> memref<!tpu.dma_semaphore, #tpu.memory_space<semaphore_mem>>
    tpu.enqueue_indirect_dma source(%dma_start3A_62 : memref<100000x64xf32, #tpu.memory_space<hbm>>) target(%dma_start3A_56 : memref<80x64xf32, #tpu.memory_space<vmem>>) offsets(%dma_start3A_59 : memref<80xi32, #tpu.memory_space<vmem>>) semaphore(%dma_start3A_64 : memref<!tpu.dma_semaphore, #tpu.memory_space<semaphore_mem>>)
    %dma_start3A_65 = arith.constant 5 : i32
    %dma_start3A_66 = arith.constant 5 : i32
    %dma_start3A_67 = arith.constant 400 : i32
    %dma_start3A_68 = arith.constant 0 : i32
    %dma_start3A_69 = tpu.memref_slice %arg9[%dma_start3A_67, %dma_start3A_68] : memref<1600x64xf32, #tpu.memory_space<vmem>> -> memref<80x64xf32, #tpu.memory_space<vmem>>
    %dma_start3A_70 = arith.constant 0 : i32
    %dma_start3A_71 = tpu.memref_slice %arg8[%dma_start3A_65, %dma_start3A_70] : memref<20x80xi32, #tpu.memory_space<vmem>> -> memref<1x80xi32, #tpu.memory_space<vmem>>
    %dma_start3A_72 = tpu.memref_squeeze %dma_start3A_71 : memref<1x80xi32, #tpu.memory_space<vmem>> -> memref<80xi32, #tpu.memory_space<vmem>>
    %dma_start3A_73 = arith.constant 0 : i32
    %dma_start3A_74 = arith.constant 0 : i32
    %dma_start3A_75 = tpu.memref_slice %arg2[%dma_start3A_73, %dma_start3A_74] : memref<100000x64xf32, #tpu.memory_space<hbm>> -> memref<100000x64xf32, #tpu.memory_space<hbm>>
    %dma_start3A_76 = tpu.memref_slice %arg12[%dma_start3A_66] : memref<20x!tpu.dma_semaphore, #tpu.memory_space<semaphore_mem>> -> memref<1x!tpu.dma_semaphore, #tpu.memory_space<semaphore_mem>>
    %dma_start3A_77 = tpu.memref_squeeze %dma_start3A_76 : memref<1x!tpu.dma_semaphore, #tpu.memory_space<semaphore_mem>> -> memref<!tpu.dma_semaphore, #tpu.memory_space<semaphore_mem>>
    tpu.enqueue_indirect_dma source(%dma_start3A_75 : memref<100000x64xf32, #tpu.memory_space<hbm>>) target(%dma_start3A_69 : memref<80x64xf32, #tpu.memory_space<vmem>>) offsets(%dma_start3A_72 : memref<80xi32, #tpu.memory_space<vmem>>) semaphore(%dma_start3A_77 : memref<!tpu.dma_semaphore, #tpu.memory_space<semaphore_mem>>)
    %dma_start3A_78 = arith.constant 6 : i32
    %dma_start3A_79 = arith.constant 6 : i32
    %dma_start3A_80 = arith.constant 480 : i32
    %dma_start3A_81 = arith.constant 0 : i32
    %dma_start3A_82 = tpu.memref_slice %arg9[%dma_start3A_80, %dma_start3A_81] : memref<1600x64xf32, #tpu.memory_space<vmem>> -> memref<80x64xf32, #tpu.memory_space<vmem>>
    %dma_start3A_83 = arith.constant 0 : i32
    %dma_start3A_84 = tpu.memref_slice %arg8[%dma_start3A_78, %dma_start3A_83] : memref<20x80xi32, #tpu.memory_space<vmem>> -> memref<1x80xi32, #tpu.memory_space<vmem>>
    %dma_start3A_85 = tpu.memref_squeeze %dma_start3A_84 : memref<1x80xi32, #tpu.memory_space<vmem>> -> memref<80xi32, #tpu.memory_space<vmem>>
    %dma_start3A_86 = arith.constant 0 : i32
    %dma_start3A_87 = arith.constant 0 : i32
    %dma_start3A_88 = tpu.memref_slice %arg2[%dma_start3A_86, %dma_start3A_87] : memref<100000x64xf32, #tpu.memory_space<hbm>> -> memref<100000x64xf32, #tpu.memory_space<hbm>>
    %dma_start3A_89 = tpu.memref_slice %arg12[%dma_start3A_79] : memref<20x!tpu.dma_semaphore, #tpu.memory_space<semaphore_mem>> -> memref<1x!tpu.dma_semaphore, #tpu.memory_space<semaphore_mem>>
    %dma_start3A_90 = tpu.memref_squeeze %dma_start3A_89 : memref<1x!tpu.dma_semaphore, #tpu.memory_space<semaphore_mem>> -> memref<!tpu.dma_semaphore, #tpu.memory_space<semaphore_mem>>
    tpu.enqueue_indirect_dma source(%dma_start3A_88 : memref<100000x64xf32, #tpu.memory_space<hbm>>) target(%dma_start3A_82 : memref<80x64xf32, #tpu.memory_space<vmem>>) offsets(%dma_start3A_85 : memref<80xi32, #tpu.memory_space<vmem>>) semaphore(%dma_start3A_90 : memref<!tpu.dma_semaphore, #tpu.memory_space<semaphore_mem>>)
    %dma_start3A_91 = arith.constant 7 : i32
    %dma_start3A_92 = arith.constant 7 : i32
    %dma_start3A_93 = arith.constant 560 : i32
    %dma_start3A_94 = arith.constant 0 : i32
    %dma_start3A_95 = tpu.memref_slice %arg9[%dma_start3A_93, %dma_start3A_94] : memref<1600x64xf32, #tpu.memory_space<vmem>> -> memref<80x64xf32, #tpu.memory_space<vmem>>
    %dma_start3A_96 = arith.constant 0 : i32
    %dma_start3A_97 = tpu.memref_slice %arg8[%dma_start3A_91, %dma_start3A_96] : memref<20x80xi32, #tpu.memory_space<vmem>> -> memref<1x80xi32, #tpu.memory_space<vmem>>
    %dma_start3A_98 = tpu.memref_squeeze %dma_start3A_97 : memref<1x80xi32, #tpu.memory_space<vmem>> -> memref<80xi32, #tpu.memory_space<vmem>>
    %dma_start3A_99 = arith.constant 0 : i32
    %dma_start3A_100 = arith.constant 0 : i32
    %dma_start3A_101 = tpu.memref_slice %arg2[%dma_start3A_99, %dma_start3A_100] : memref<100000x64xf32, #tpu.memory_space<hbm>> -> memref<100000x64xf32, #tpu.memory_space<hbm>>
    %dma_start3A_102 = tpu.memref_slice %arg12[%dma_start3A_92] : memref<20x!tpu.dma_semaphore, #tpu.memory_space<semaphore_mem>> -> memref<1x!tpu.dma_semaphore, #tpu.memory_space<semaphore_mem>>
    %dma_start3A_103 = tpu.memref_squeeze %dma_start3A_102 : memref<1x!tpu.dma_semaphore, #tpu.memory_space<semaphore_mem>> -> memref<!tpu.dma_semaphore, #tpu.memory_space<semaphore_mem>>
    tpu.enqueue_indirect_dma source(%dma_start3A_101 : memref<100000x64xf32, #tpu.memory_space<hbm>>) target(%dma_start3A_95 : memref<80x64xf32, #tpu.memory_space<vmem>>) offsets(%dma_start3A_98 : memref<80xi32, #tpu.memory_space<vmem>>) semaphore(%dma_start3A_103 : memref<!tpu.dma_semaphore, #tpu.memory_space<semaphore_mem>>)
    %dma_start3A_104 = arith.constant 8 : i32
    %dma_start3A_105 = arith.constant 8 : i32
    %dma_start3A_106 = arith.constant 640 : i32
    %dma_start3A_107 = arith.constant 0 : i32
    %dma_start3A_108 = tpu.memref_slice %arg9[%dma_start3A_106, %dma_start3A_107] : memref<1600x64xf32, #tpu.memory_space<vmem>> -> memref<80x64xf32, #tpu.memory_space<vmem>>
    %dma_start3A_109 = arith.constant 0 : i32
    %dma_start3A_110 = tpu.memref_slice %arg8[%dma_start3A_104, %dma_start3A_109] : memref<20x80xi32, #tpu.memory_space<vmem>> -> memref<1x80xi32, #tpu.memory_space<vmem>>
    %dma_start3A_111 = tpu.memref_squeeze %dma_start3A_110 : memref<1x80xi32, #tpu.memory_space<vmem>> -> memref<80xi32, #tpu.memory_space<vmem>>
    %dma_start3A_112 = arith.constant 0 : i32
    %dma_start3A_113 = arith.constant 0 : i32
    %dma_start3A_114 = tpu.memref_slice %arg2[%dma_start3A_112, %dma_start3A_113] : memref<100000x64xf32, #tpu.memory_space<hbm>> -> memref<100000x64xf32, #tpu.memory_space<hbm>>
    %dma_start3A_115 = tpu.memref_slice %arg12[%dma_start3A_105] : memref<20x!tpu.dma_semaphore, #tpu.memory_space<semaphore_mem>> -> memref<1x!tpu.dma_semaphore, #tpu.memory_space<semaphore_mem>>
    %dma_start3A_116 = tpu.memref_squeeze %dma_start3A_115 : memref<1x!tpu.dma_semaphore, #tpu.memory_space<semaphore_mem>> -> memref<!tpu.dma_semaphore, #tpu.memory_space<semaphore_mem>>
    tpu.enqueue_indirect_dma source(%dma_start3A_114 : memref<100000x64xf32, #tpu.memory_space<hbm>>) target(%dma_start3A_108 : memref<80x64xf32, #tpu.memory_space<vmem>>) offsets(%dma_start3A_111 : memref<80xi32, #tpu.memory_space<vmem>>) semaphore(%dma_start3A_116 : memref<!tpu.dma_semaphore, #tpu.memory_space<semaphore_mem>>)
    %dma_start3A_117 = arith.constant 9 : i32
    %dma_start3A_118 = arith.constant 9 : i32
    %dma_start3A_119 = arith.constant 720 : i32
    %dma_start3A_120 = arith.constant 0 : i32
    %dma_start3A_121 = tpu.memref_slice %arg9[%dma_start3A_119, %dma_start3A_120] : memref<1600x64xf32, #tpu.memory_space<vmem>> -> memref<80x64xf32, #tpu.memory_space<vmem>>
    %dma_start3A_122 = arith.constant 0 : i32
    %dma_start3A_123 = tpu.memref_slice %arg8[%dma_start3A_117, %dma_start3A_122] : memref<20x80xi32, #tpu.memory_space<vmem>> -> memref<1x80xi32, #tpu.memory_space<vmem>>
    %dma_start3A_124 = tpu.memref_squeeze %dma_start3A_123 : memref<1x80xi32, #tpu.memory_space<vmem>> -> memref<80xi32, #tpu.memory_space<vmem>>
    %dma_start3A_125 = arith.constant 0 : i32
    %dma_start3A_126 = arith.constant 0 : i32
    %dma_start3A_127 = tpu.memref_slice %arg2[%dma_start3A_125, %dma_start3A_126] : memref<100000x64xf32, #tpu.memory_space<hbm>> -> memref<100000x64xf32, #tpu.memory_space<hbm>>
    %dma_start3A_128 = tpu.memref_slice %arg12[%dma_start3A_118] : memref<20x!tpu.dma_semaphore, #tpu.memory_space<semaphore_mem>> -> memref<1x!tpu.dma_semaphore, #tpu.memory_space<semaphore_mem>>
    %dma_start3A_129 = tpu.memref_squeeze %dma_start3A_128 : memref<1x!tpu.dma_semaphore, #tpu.memory_space<semaphore_mem>> -> memref<!tpu.dma_semaphore, #tpu.memory_space<semaphore_mem>>
    tpu.enqueue_indirect_dma source(%dma_start3A_127 : memref<100000x64xf32, #tpu.memory_space<hbm>>) target(%dma_start3A_121 : memref<80x64xf32, #tpu.memory_space<vmem>>) offsets(%dma_start3A_124 : memref<80xi32, #tpu.memory_space<vmem>>) semaphore(%dma_start3A_129 : memref<!tpu.dma_semaphore, #tpu.memory_space<semaphore_mem>>)
    %dma_start3A_130 = arith.constant 10 : i32
    %dma_start3A_131 = arith.constant 10 : i32
    %dma_start3A_132 = arith.constant 800 : i32
    %dma_start3A_133 = arith.constant 0 : i32
    %dma_start3A_134 = tpu.memref_slice %arg9[%dma_start3A_132, %dma_start3A_133] : memref<1600x64xf32, #tpu.memory_space<vmem>> -> memref<80x64xf32, #tpu.memory_space<vmem>>
    %dma_start3A_135 = arith.constant 0 : i32
    %dma_start3A_136 = tpu.memref_slice %arg8[%dma_start3A_130, %dma_start3A_135] : memref<20x80xi32, #tpu.memory_space<vmem>> -> memref<1x80xi32, #tpu.memory_space<vmem>>
    %dma_start3A_137 = tpu.memref_squeeze %dma_start3A_136 : memref<1x80xi32, #tpu.memory_space<vmem>> -> memref<80xi32, #tpu.memory_space<vmem>>
    %dma_start3A_138 = arith.constant 0 : i32
    %dma_start3A_139 = arith.constant 0 : i32
    %dma_start3A_140 = tpu.memref_slice %arg2[%dma_start3A_138, %dma_start3A_139] : memref<100000x64xf32, #tpu.memory_space<hbm>> -> memref<100000x64xf32, #tpu.memory_space<hbm>>
    %dma_start3A_141 = tpu.memref_slice %arg12[%dma_start3A_131] : memref<20x!tpu.dma_semaphore, #tpu.memory_space<semaphore_mem>> -> memref<1x!tpu.dma_semaphore, #tpu.memory_space<semaphore_mem>>
    %dma_start3A_142 = tpu.memref_squeeze %dma_start3A_141 : memref<1x!tpu.dma_semaphore, #tpu.memory_space<semaphore_mem>> -> memref<!tpu.dma_semaphore, #tpu.memory_space<semaphore_mem>>
    tpu.enqueue_indirect_dma source(%dma_start3A_140 : memref<100000x64xf32, #tpu.memory_space<hbm>>) target(%dma_start3A_134 : memref<80x64xf32, #tpu.memory_space<vmem>>) offsets(%dma_start3A_137 : memref<80xi32, #tpu.memory_space<vmem>>) semaphore(%dma_start3A_142 : memref<!tpu.dma_semaphore, #tpu.memory_space<semaphore_mem>>)
    %dma_start3A_143 = arith.constant 11 : i32
    %dma_start3A_144 = arith.constant 11 : i32
    %dma_start3A_145 = arith.constant 880 : i32
    %dma_start3A_146 = arith.constant 0 : i32
    %dma_start3A_147 = tpu.memref_slice %arg9[%dma_start3A_145, %dma_start3A_146] : memref<1600x64xf32, #tpu.memory_space<vmem>> -> memref<80x64xf32, #tpu.memory_space<vmem>>
    %dma_start3A_148 = arith.constant 0 : i32
    %dma_start3A_149 = tpu.memref_slice %arg8[%dma_start3A_143, %dma_start3A_148] : memref<20x80xi32, #tpu.memory_space<vmem>> -> memref<1x80xi32, #tpu.memory_space<vmem>>
    %dma_start3A_150 = tpu.memref_squeeze %dma_start3A_149 : memref<1x80xi32, #tpu.memory_space<vmem>> -> memref<80xi32, #tpu.memory_space<vmem>>
    %dma_start3A_151 = arith.constant 0 : i32
    %dma_start3A_152 = arith.constant 0 : i32
    %dma_start3A_153 = tpu.memref_slice %arg2[%dma_start3A_151, %dma_start3A_152] : memref<100000x64xf32, #tpu.memory_space<hbm>> -> memref<100000x64xf32, #tpu.memory_space<hbm>>
    %dma_start3A_154 = tpu.memref_slice %arg12[%dma_start3A_144] : memref<20x!tpu.dma_semaphore, #tpu.memory_space<semaphore_mem>> -> memref<1x!tpu.dma_semaphore, #tpu.memory_space<semaphore_mem>>
    %dma_start3A_155 = tpu.memref_squeeze %dma_start3A_154 : memref<1x!tpu.dma_semaphore, #tpu.memory_space<semaphore_mem>> -> memref<!tpu.dma_semaphore, #tpu.memory_space<semaphore_mem>>
    tpu.enqueue_indirect_dma source(%dma_start3A_153 : memref<100000x64xf32, #tpu.memory_space<hbm>>) target(%dma_start3A_147 : memref<80x64xf32, #tpu.memory_space<vmem>>) offsets(%dma_start3A_150 : memref<80xi32, #tpu.memory_space<vmem>>) semaphore(%dma_start3A_155 : memref<!tpu.dma_semaphore, #tpu.memory_space<semaphore_mem>>)
    %dma_start3A_156 = arith.constant 12 : i32
    %dma_start3A_157 = arith.constant 12 : i32
    %dma_start3A_158 = arith.constant 960 : i32
    %dma_start3A_159 = arith.constant 0 : i32
    %dma_start3A_160 = tpu.memref_slice %arg9[%dma_start3A_158, %dma_start3A_159] : memref<1600x64xf32, #tpu.memory_space<vmem>> -> memref<80x64xf32, #tpu.memory_space<vmem>>
    %dma_start3A_161 = arith.constant 0 : i32
    %dma_start3A_162 = tpu.memref_slice %arg8[%dma_start3A_156, %dma_start3A_161] : memref<20x80xi32, #tpu.memory_space<vmem>> -> memref<1x80xi32, #tpu.memory_space<vmem>>
    %dma_start3A_163 = tpu.memref_squeeze %dma_start3A_162 : memref<1x80xi32, #tpu.memory_space<vmem>> -> memref<80xi32, #tpu.memory_space<vmem>>
    %dma_start3A_164 = arith.constant 0 : i32
    %dma_start3A_165 = arith.constant 0 : i32
    %dma_start3A_166 = tpu.memref_slice %arg2[%dma_start3A_164, %dma_start3A_165] : memref<100000x64xf32, #tpu.memory_space<hbm>> -> memref<100000x64xf32, #tpu.memory_space<hbm>>
    %dma_start3A_167 = tpu.memref_slice %arg12[%dma_start3A_157] : memref<20x!tpu.dma_semaphore, #tpu.memory_space<semaphore_mem>> -> memref<1x!tpu.dma_semaphore, #tpu.memory_space<semaphore_mem>>
    %dma_start3A_168 = tpu.memref_squeeze %dma_start3A_167 : memref<1x!tpu.dma_semaphore, #tpu.memory_space<semaphore_mem>> -> memref<!tpu.dma_semaphore, #tpu.memory_space<semaphore_mem>>
    tpu.enqueue_indirect_dma source(%dma_start3A_166 : memref<100000x64xf32, #tpu.memory_space<hbm>>) target(%dma_start3A_160 : memref<80x64xf32, #tpu.memory_space<vmem>>) offsets(%dma_start3A_163 : memref<80xi32, #tpu.memory_space<vmem>>) semaphore(%dma_start3A_168 : memref<!tpu.dma_semaphore, #tpu.memory_space<semaphore_mem>>)
    %dma_start3A_169 = arith.constant 13 : i32
    %dma_start3A_170 = arith.constant 13 : i32
    %dma_start3A_171 = arith.constant 1040 : i32
    %dma_start3A_172 = arith.constant 0 : i32
    %dma_start3A_173 = tpu.memref_slice %arg9[%dma_start3A_171, %dma_start3A_172] : memref<1600x64xf32, #tpu.memory_space<vmem>> -> memref<80x64xf32, #tpu.memory_space<vmem>>
    %dma_start3A_174 = arith.constant 0 : i32
    %dma_start3A_175 = tpu.memref_slice %arg8[%dma_start3A_169, %dma_start3A_174] : memref<20x80xi32, #tpu.memory_space<vmem>> -> memref<1x80xi32, #tpu.memory_space<vmem>>
    %dma_start3A_176 = tpu.memref_squeeze %dma_start3A_175 : memref<1x80xi32, #tpu.memory_space<vmem>> -> memref<80xi32, #tpu.memory_space<vmem>>
    %dma_start3A_177 = arith.constant 0 : i32
    %dma_start3A_178 = arith.constant 0 : i32
    %dma_start3A_179 = tpu.memref_slice %arg2[%dma_start3A_177, %dma_start3A_178] : memref<100000x64xf32, #tpu.memory_space<hbm>> -> memref<100000x64xf32, #tpu.memory_space<hbm>>
    %dma_start3A_180 = tpu.memref_slice %arg12[%dma_start3A_170] : memref<20x!tpu.dma_semaphore, #tpu.memory_space<semaphore_mem>> -> memref<1x!tpu.dma_semaphore, #tpu.memory_space<semaphore_mem>>
    %dma_start3A_181 = tpu.memref_squeeze %dma_start3A_180 : memref<1x!tpu.dma_semaphore, #tpu.memory_space<semaphore_mem>> -> memref<!tpu.dma_semaphore, #tpu.memory_space<semaphore_mem>>
    tpu.enqueue_indirect_dma source(%dma_start3A_179 : memref<100000x64xf32, #tpu.memory_space<hbm>>) target(%dma_start3A_173 : memref<80x64xf32, #tpu.memory_space<vmem>>) offsets(%dma_start3A_176 : memref<80xi32, #tpu.memory_space<vmem>>) semaphore(%dma_start3A_181 : memref<!tpu.dma_semaphore, #tpu.memory_space<semaphore_mem>>)
    %dma_start3A_182 = arith.constant 14 : i32
    %dma_start3A_183 = arith.constant 14 : i32
    %dma_start3A_184 = arith.constant 1120 : i32
    %dma_start3A_185 = arith.constant 0 : i32
    %dma_start3A_186 = tpu.memref_slice %arg9[%dma_start3A_184, %dma_start3A_185] : memref<1600x64xf32, #tpu.memory_space<vmem>> -> memref<80x64xf32, #tpu.memory_space<vmem>>
    %dma_start3A_187 = arith.constant 0 : i32
    %dma_start3A_188 = tpu.memref_slice %arg8[%dma_start3A_182, %dma_start3A_187] : memref<20x80xi32, #tpu.memory_space<vmem>> -> memref<1x80xi32, #tpu.memory_space<vmem>>
    %dma_start3A_189 = tpu.memref_squeeze %dma_start3A_188 : memref<1x80xi32, #tpu.memory_space<vmem>> -> memref<80xi32, #tpu.memory_space<vmem>>
    %dma_start3A_190 = arith.constant 0 : i32
    %dma_start3A_191 = arith.constant 0 : i32
    %dma_start3A_192 = tpu.memref_slice %arg2[%dma_start3A_190, %dma_start3A_191] : memref<100000x64xf32, #tpu.memory_space<hbm>> -> memref<100000x64xf32, #tpu.memory_space<hbm>>
    %dma_start3A_193 = tpu.memref_slice %arg12[%dma_start3A_183] : memref<20x!tpu.dma_semaphore, #tpu.memory_space<semaphore_mem>> -> memref<1x!tpu.dma_semaphore, #tpu.memory_space<semaphore_mem>>
    %dma_start3A_194 = tpu.memref_squeeze %dma_start3A_193 : memref<1x!tpu.dma_semaphore, #tpu.memory_space<semaphore_mem>> -> memref<!tpu.dma_semaphore, #tpu.memory_space<semaphore_mem>>
    tpu.enqueue_indirect_dma source(%dma_start3A_192 : memref<100000x64xf32, #tpu.memory_space<hbm>>) target(%dma_start3A_186 : memref<80x64xf32, #tpu.memory_space<vmem>>) offsets(%dma_start3A_189 : memref<80xi32, #tpu.memory_space<vmem>>) semaphore(%dma_start3A_194 : memref<!tpu.dma_semaphore, #tpu.memory_space<semaphore_mem>>)
    %dma_start3A_195 = arith.constant 15 : i32
    %dma_start3A_196 = arith.constant 15 : i32
    %dma_start3A_197 = arith.constant 1200 : i32
    %dma_start3A_198 = arith.constant 0 : i32
    %dma_start3A_199 = tpu.memref_slice %arg9[%dma_start3A_197, %dma_start3A_198] : memref<1600x64xf32, #tpu.memory_space<vmem>> -> memref<80x64xf32, #tpu.memory_space<vmem>>
    %dma_start3A_200 = arith.constant 0 : i32
    %dma_start3A_201 = tpu.memref_slice %arg8[%dma_start3A_195, %dma_start3A_200] : memref<20x80xi32, #tpu.memory_space<vmem>> -> memref<1x80xi32, #tpu.memory_space<vmem>>
    %dma_start3A_202 = tpu.memref_squeeze %dma_start3A_201 : memref<1x80xi32, #tpu.memory_space<vmem>> -> memref<80xi32, #tpu.memory_space<vmem>>
    %dma_start3A_203 = arith.constant 0 : i32
    %dma_start3A_204 = arith.constant 0 : i32
    %dma_start3A_205 = tpu.memref_slice %arg2[%dma_start3A_203, %dma_start3A_204] : memref<100000x64xf32, #tpu.memory_space<hbm>> -> memref<100000x64xf32, #tpu.memory_space<hbm>>
    %dma_start3A_206 = tpu.memref_slice %arg12[%dma_start3A_196] : memref<20x!tpu.dma_semaphore, #tpu.memory_space<semaphore_mem>> -> memref<1x!tpu.dma_semaphore, #tpu.memory_space<semaphore_mem>>
    %dma_start3A_207 = tpu.memref_squeeze %dma_start3A_206 : memref<1x!tpu.dma_semaphore, #tpu.memory_space<semaphore_mem>> -> memref<!tpu.dma_semaphore, #tpu.memory_space<semaphore_mem>>
    tpu.enqueue_indirect_dma source(%dma_start3A_205 : memref<100000x64xf32, #tpu.memory_space<hbm>>) target(%dma_start3A_199 : memref<80x64xf32, #tpu.memory_space<vmem>>) offsets(%dma_start3A_202 : memref<80xi32, #tpu.memory_space<vmem>>) semaphore(%dma_start3A_207 : memref<!tpu.dma_semaphore, #tpu.memory_space<semaphore_mem>>)
    %dma_start3A_208 = arith.constant 16 : i32
    %dma_start3A_209 = arith.constant 16 : i32
    %dma_start3A_210 = arith.constant 1280 : i32
    %dma_start3A_211 = arith.constant 0 : i32
    %dma_start3A_212 = tpu.memref_slice %arg9[%dma_start3A_210, %dma_start3A_211] : memref<1600x64xf32, #tpu.memory_space<vmem>> -> memref<80x64xf32, #tpu.memory_space<vmem>>
    %dma_start3A_213 = arith.constant 0 : i32
    %dma_start3A_214 = tpu.memref_slice %arg8[%dma_start3A_208, %dma_start3A_213] : memref<20x80xi32, #tpu.memory_space<vmem>> -> memref<1x80xi32, #tpu.memory_space<vmem>>
    %dma_start3A_215 = tpu.memref_squeeze %dma_start3A_214 : memref<1x80xi32, #tpu.memory_space<vmem>> -> memref<80xi32, #tpu.memory_space<vmem>>
    %dma_start3A_216 = arith.constant 0 : i32
    %dma_start3A_217 = arith.constant 0 : i32
    %dma_start3A_218 = tpu.memref_slice %arg2[%dma_start3A_216, %dma_start3A_217] : memref<100000x64xf32, #tpu.memory_space<hbm>> -> memref<100000x64xf32, #tpu.memory_space<hbm>>
    %dma_start3A_219 = tpu.memref_slice %arg12[%dma_start3A_209] : memref<20x!tpu.dma_semaphore, #tpu.memory_space<semaphore_mem>> -> memref<1x!tpu.dma_semaphore, #tpu.memory_space<semaphore_mem>>
    %dma_start3A_220 = tpu.memref_squeeze %dma_start3A_219 : memref<1x!tpu.dma_semaphore, #tpu.memory_space<semaphore_mem>> -> memref<!tpu.dma_semaphore, #tpu.memory_space<semaphore_mem>>
    tpu.enqueue_indirect_dma source(%dma_start3A_218 : memref<100000x64xf32, #tpu.memory_space<hbm>>) target(%dma_start3A_212 : memref<80x64xf32, #tpu.memory_space<vmem>>) offsets(%dma_start3A_215 : memref<80xi32, #tpu.memory_space<vmem>>) semaphore(%dma_start3A_220 : memref<!tpu.dma_semaphore, #tpu.memory_space<semaphore_mem>>)
    %dma_start3A_221 = arith.constant 17 : i32
    %dma_start3A_222 = arith.constant 17 : i32
    %dma_start3A_223 = arith.constant 1360 : i32
    %dma_start3A_224 = arith.constant 0 : i32
    %dma_start3A_225 = tpu.memref_slice %arg9[%dma_start3A_223, %dma_start3A_224] : memref<1600x64xf32, #tpu.memory_space<vmem>> -> memref<80x64xf32, #tpu.memory_space<vmem>>
    %dma_start3A_226 = arith.constant 0 : i32
    %dma_start3A_227 = tpu.memref_slice %arg8[%dma_start3A_221, %dma_start3A_226] : memref<20x80xi32, #tpu.memory_space<vmem>> -> memref<1x80xi32, #tpu.memory_space<vmem>>
    %dma_start3A_228 = tpu.memref_squeeze %dma_start3A_227 : memref<1x80xi32, #tpu.memory_space<vmem>> -> memref<80xi32, #tpu.memory_space<vmem>>
    %dma_start3A_229 = arith.constant 0 : i32
    %dma_start3A_230 = arith.constant 0 : i32
    %dma_start3A_231 = tpu.memref_slice %arg2[%dma_start3A_229, %dma_start3A_230] : memref<100000x64xf32, #tpu.memory_space<hbm>> -> memref<100000x64xf32, #tpu.memory_space<hbm>>
    %dma_start3A_232 = tpu.memref_slice %arg12[%dma_start3A_222] : memref<20x!tpu.dma_semaphore, #tpu.memory_space<semaphore_mem>> -> memref<1x!tpu.dma_semaphore, #tpu.memory_space<semaphore_mem>>
    %dma_start3A_233 = tpu.memref_squeeze %dma_start3A_232 : memref<1x!tpu.dma_semaphore, #tpu.memory_space<semaphore_mem>> -> memref<!tpu.dma_semaphore, #tpu.memory_space<semaphore_mem>>
    tpu.enqueue_indirect_dma source(%dma_start3A_231 : memref<100000x64xf32, #tpu.memory_space<hbm>>) target(%dma_start3A_225 : memref<80x64xf32, #tpu.memory_space<vmem>>) offsets(%dma_start3A_228 : memref<80xi32, #tpu.memory_space<vmem>>) semaphore(%dma_start3A_233 : memref<!tpu.dma_semaphore, #tpu.memory_space<semaphore_mem>>)
    %dma_start3A_234 = arith.constant 18 : i32
    %dma_start3A_235 = arith.constant 18 : i32
    %dma_start3A_236 = arith.constant 1440 : i32
    %dma_start3A_237 = arith.constant 0 : i32
    %dma_start3A_238 = tpu.memref_slice %arg9[%dma_start3A_236, %dma_start3A_237] : memref<1600x64xf32, #tpu.memory_space<vmem>> -> memref<80x64xf32, #tpu.memory_space<vmem>>
    %dma_start3A_239 = arith.constant 0 : i32
    %dma_start3A_240 = tpu.memref_slice %arg8[%dma_start3A_234, %dma_start3A_239] : memref<20x80xi32, #tpu.memory_space<vmem>> -> memref<1x80xi32, #tpu.memory_space<vmem>>
    %dma_start3A_241 = tpu.memref_squeeze %dma_start3A_240 : memref<1x80xi32, #tpu.memory_space<vmem>> -> memref<80xi32, #tpu.memory_space<vmem>>
    %dma_start3A_242 = arith.constant 0 : i32
    %dma_start3A_243 = arith.constant 0 : i32
    %dma_start3A_244 = tpu.memref_slice %arg2[%dma_start3A_242, %dma_start3A_243] : memref<100000x64xf32, #tpu.memory_space<hbm>> -> memref<100000x64xf32, #tpu.memory_space<hbm>>
    %dma_start3A_245 = tpu.memref_slice %arg12[%dma_start3A_235] : memref<20x!tpu.dma_semaphore, #tpu.memory_space<semaphore_mem>> -> memref<1x!tpu.dma_semaphore, #tpu.memory_space<semaphore_mem>>
    %dma_start3A_246 = tpu.memref_squeeze %dma_start3A_245 : memref<1x!tpu.dma_semaphore, #tpu.memory_space<semaphore_mem>> -> memref<!tpu.dma_semaphore, #tpu.memory_space<semaphore_mem>>
    tpu.enqueue_indirect_dma source(%dma_start3A_244 : memref<100000x64xf32, #tpu.memory_space<hbm>>) target(%dma_start3A_238 : memref<80x64xf32, #tpu.memory_space<vmem>>) offsets(%dma_start3A_241 : memref<80xi32, #tpu.memory_space<vmem>>) semaphore(%dma_start3A_246 : memref<!tpu.dma_semaphore, #tpu.memory_space<semaphore_mem>>)
    %dma_start3A_247 = arith.constant 19 : i32
    %dma_start3A_248 = arith.constant 19 : i32
    %dma_start3A_249 = arith.constant 1520 : i32
    %dma_start3A_250 = arith.constant 0 : i32
    %dma_start3A_251 = tpu.memref_slice %arg9[%dma_start3A_249, %dma_start3A_250] : memref<1600x64xf32, #tpu.memory_space<vmem>> -> memref<80x64xf32, #tpu.memory_space<vmem>>
    %dma_start3A_252 = arith.constant 0 : i32
    %dma_start3A_253 = tpu.memref_slice %arg8[%dma_start3A_247, %dma_start3A_252] : memref<20x80xi32, #tpu.memory_space<vmem>> -> memref<1x80xi32, #tpu.memory_space<vmem>>
    %dma_start3A_254 = tpu.memref_squeeze %dma_start3A_253 : memref<1x80xi32, #tpu.memory_space<vmem>> -> memref<80xi32, #tpu.memory_space<vmem>>
    %dma_start3A_255 = arith.constant 0 : i32
    %dma_start3A_256 = arith.constant 0 : i32
    %dma_start3A_257 = tpu.memref_slice %arg2[%dma_start3A_255, %dma_start3A_256] : memref<100000x64xf32, #tpu.memory_space<hbm>> -> memref<100000x64xf32, #tpu.memory_space<hbm>>
    %dma_start3A_258 = tpu.memref_slice %arg12[%dma_start3A_248] : memref<20x!tpu.dma_semaphore, #tpu.memory_space<semaphore_mem>> -> memref<1x!tpu.dma_semaphore, #tpu.memory_space<semaphore_mem>>
    %dma_start3A_259 = tpu.memref_squeeze %dma_start3A_258 : memref<1x!tpu.dma_semaphore, #tpu.memory_space<semaphore_mem>> -> memref<!tpu.dma_semaphore, #tpu.memory_space<semaphore_mem>>
    tpu.enqueue_indirect_dma source(%dma_start3A_257 : memref<100000x64xf32, #tpu.memory_space<hbm>>) target(%dma_start3A_251 : memref<80x64xf32, #tpu.memory_space<vmem>>) offsets(%dma_start3A_254 : memref<80xi32, #tpu.memory_space<vmem>>) semaphore(%dma_start3A_259 : memref<!tpu.dma_semaphore, #tpu.memory_space<semaphore_mem>>)
    %mul3A_260 = arith.constant 32 : i32
    %mul3A_261 = arith.muli %add3A, %mul3A_260 : i32
    "tpu.region"() ({
      %run_scoped3A = tpu.sem_alloc : memref<!tpu.dma_semaphore, #tpu.memory_space<semaphore_mem>>
      %dma_start3A_1009 = tpu.memref_slice %arg5[%mul3A_261] : memref<1024xi32, #tpu.memory_space<hbm>> -> memref<32xi32, #tpu.memory_space<hbm>>
      %dma_start3A_1010 = tpu.memref_slice %arg5[%mul3A_261] : memref<1024xi32, #tpu.memory_space<hbm>> -> memref<32xi32, #tpu.memory_space<hbm>>
      tpu.enqueue_dma source(%dma_start3A_1010 : memref<32xi32, #tpu.memory_space<hbm>>) target(%arg10 : memref<32xi32, #tpu.memory_space<vmem>>) target_semaphore(%run_scoped3A : memref<!tpu.dma_semaphore, #tpu.memory_space<semaphore_mem>>)
      %dma_wait3A_1011 = tpu.memref_slice %arg5[%mul3A_261] : memref<1024xi32, #tpu.memory_space<hbm>> -> memref<32xi32, #tpu.memory_space<hbm>>
      %dma_wait3A_1012 = tpu.memref_slice %arg5[%mul3A_261] : memref<1024xi32, #tpu.memory_space<hbm>> -> memref<32xi32, #tpu.memory_space<hbm>>
      tpu.wait_dma2 semaphore(%run_scoped3A : memref<!tpu.dma_semaphore, #tpu.memory_space<semaphore_mem>>) src(%dma_wait3A_1012 : memref<32xi32, #tpu.memory_space<hbm>>) dst(%arg10 : memref<32xi32, #tpu.memory_space<vmem>>)
      tpu.yield
    }) : () -> ()
    %dma_start3A_262 = arith.constant 0 : i32
    %dma_start3A_263 = arith.constant 0 : i32
    %dma_start3A_264 = tpu.memref_slice %arg3[%dma_start3A_262, %dma_start3A_263] : memref<100000x64xf32, #tpu.memory_space<hbm>> -> memref<100000x64xf32, #tpu.memory_space<hbm>>
    tpu.enqueue_indirect_dma source(%dma_start3A_264 : memref<100000x64xf32, #tpu.memory_space<hbm>>) target(%arg11 : memref<32x64xf32, #tpu.memory_space<vmem>>) offsets(%arg10 : memref<32xi32, #tpu.memory_space<vmem>>) semaphore(%arg14 : memref<!tpu.dma_semaphore, #tpu.memory_space<semaphore_mem>>)
    %dma_wait3A = arith.constant 0 : i32
    %dma_wait3A_265 = arith.constant 0 : i32
    %dma_wait3A_266 = arith.constant 0 : i32
    %dma_wait3A_267 = arith.constant 0 : i32
    %dma_wait3A_268 = tpu.memref_slice %arg9[%dma_wait3A_266, %dma_wait3A_267] : memref<1600x64xf32, #tpu.memory_space<vmem>> -> memref<80x64xf32, #tpu.memory_space<vmem>>
    %dma_wait3A_269 = arith.constant 0 : i32
    %dma_wait3A_270 = tpu.memref_slice %arg8[%dma_wait3A, %dma_wait3A_269] : memref<20x80xi32, #tpu.memory_space<vmem>> -> memref<1x80xi32, #tpu.memory_space<vmem>>
    %dma_wait3A_271 = tpu.memref_squeeze %dma_wait3A_270 : memref<1x80xi32, #tpu.memory_space<vmem>> -> memref<80xi32, #tpu.memory_space<vmem>>
    %dma_wait3A_272 = arith.constant 0 : i32
    %dma_wait3A_273 = arith.constant 0 : i32
    %dma_wait3A_274 = tpu.memref_slice %arg2[%dma_wait3A_272, %dma_wait3A_273] : memref<100000x64xf32, #tpu.memory_space<hbm>> -> memref<100000x64xf32, #tpu.memory_space<hbm>>
    %dma_wait3A_275 = tpu.memref_slice %arg12[%dma_wait3A_265] : memref<20x!tpu.dma_semaphore, #tpu.memory_space<semaphore_mem>> -> memref<1x!tpu.dma_semaphore, #tpu.memory_space<semaphore_mem>>
    %dma_wait3A_276 = tpu.memref_squeeze %dma_wait3A_275 : memref<1x!tpu.dma_semaphore, #tpu.memory_space<semaphore_mem>> -> memref<!tpu.dma_semaphore, #tpu.memory_space<semaphore_mem>>
    tpu.wait_indirect_dma semaphore(%dma_wait3A_276 : memref<!tpu.dma_semaphore, #tpu.memory_space<semaphore_mem>>) src(%dma_wait3A_274 : memref<100000x64xf32, #tpu.memory_space<hbm>>) dst(%dma_wait3A_268 : memref<80x64xf32, #tpu.memory_space<vmem>>)
    %mul3A_277 = arith.constant 1600 : i32
    %mul3A_278 = arith.muli %add3A, %mul3A_277 : i32
    %add3A_279 = arith.constant 0 : i32
    %add3A_280 = arith.addi %mul3A_278, %add3A_279 : i32
    %dma_start3A_281 = arith.constant 0 : i32
    %dma_start3A_282 = arith.constant 0 : i32
    %dma_start3A_283 = tpu.memref_slice %arg9[%dma_start3A_281, %dma_start3A_282] : memref<1600x64xf32, #tpu.memory_space<vmem>> -> memref<80x64xf32, #tpu.memory_space<vmem>>
    %dma_start3A_284 = arith.constant 0 : i32
    %dma_start3A_285 = tpu.memref_slice %arg6[%add3A_280, %dma_start3A_284] : memref<51200x64xf32, #tpu.memory_space<hbm>> -> memref<80x64xf32, #tpu.memory_space<hbm>>
    %dma_start3A_286 = arith.constant 0 : i32
    %dma_start3A_287 = tpu.memref_slice %arg6[%add3A_280, %dma_start3A_286] : memref<51200x64xf32, #tpu.memory_space<hbm>> -> memref<80x64xf32, #tpu.memory_space<hbm>>
    %dma_start3A_288 = arith.constant 0 : i32
    %dma_start3A_289 = arith.constant 0 : i32
    %dma_start3A_290 = tpu.memref_slice %arg9[%dma_start3A_288, %dma_start3A_289] : memref<1600x64xf32, #tpu.memory_space<vmem>> -> memref<80x64xf32, #tpu.memory_space<vmem>>
    tpu.enqueue_dma source(%dma_start3A_290 : memref<80x64xf32, #tpu.memory_space<vmem>>) target(%dma_start3A_287 : memref<80x64xf32, #tpu.memory_space<hbm>>) target_semaphore(%arg13 : memref<!tpu.dma_semaphore, #tpu.memory_space<semaphore_mem>>)
    %dma_wait3A_291 = arith.constant 1 : i32
    %dma_wait3A_292 = arith.constant 1 : i32
    %dma_wait3A_293 = arith.constant 80 : i32
    %dma_wait3A_294 = arith.constant 0 : i32
    %dma_wait3A_295 = tpu.memref_slice %arg9[%dma_wait3A_293, %dma_wait3A_294] : memref<1600x64xf32, #tpu.memory_space<vmem>> -> memref<80x64xf32, #tpu.memory_space<vmem>>
    %dma_wait3A_296 = arith.constant 0 : i32
    %dma_wait3A_297 = tpu.memref_slice %arg8[%dma_wait3A_291, %dma_wait3A_296] : memref<20x80xi32, #tpu.memory_space<vmem>> -> memref<1x80xi32, #tpu.memory_space<vmem>>
    %dma_wait3A_298 = tpu.memref_squeeze %dma_wait3A_297 : memref<1x80xi32, #tpu.memory_space<vmem>> -> memref<80xi32, #tpu.memory_space<vmem>>
    %dma_wait3A_299 = arith.constant 0 : i32
    %dma_wait3A_300 = arith.constant 0 : i32
    %dma_wait3A_301 = tpu.memref_slice %arg2[%dma_wait3A_299, %dma_wait3A_300] : memref<100000x64xf32, #tpu.memory_space<hbm>> -> memref<100000x64xf32, #tpu.memory_space<hbm>>
    %dma_wait3A_302 = tpu.memref_slice %arg12[%dma_wait3A_292] : memref<20x!tpu.dma_semaphore, #tpu.memory_space<semaphore_mem>> -> memref<1x!tpu.dma_semaphore, #tpu.memory_space<semaphore_mem>>
    %dma_wait3A_303 = tpu.memref_squeeze %dma_wait3A_302 : memref<1x!tpu.dma_semaphore, #tpu.memory_space<semaphore_mem>> -> memref<!tpu.dma_semaphore, #tpu.memory_space<semaphore_mem>>
    tpu.wait_indirect_dma semaphore(%dma_wait3A_303 : memref<!tpu.dma_semaphore, #tpu.memory_space<semaphore_mem>>) src(%dma_wait3A_301 : memref<100000x64xf32, #tpu.memory_space<hbm>>) dst(%dma_wait3A_295 : memref<80x64xf32, #tpu.memory_space<vmem>>)
    %mul3A_304 = arith.constant 1600 : i32
    %mul3A_305 = arith.muli %add3A, %mul3A_304 : i32
    %add3A_306 = arith.constant 80 : i32
    %add3A_307 = arith.addi %mul3A_305, %add3A_306 : i32
    %dma_start3A_308 = arith.constant 80 : i32
    %dma_start3A_309 = arith.constant 0 : i32
    %dma_start3A_310 = tpu.memref_slice %arg9[%dma_start3A_308, %dma_start3A_309] : memref<1600x64xf32, #tpu.memory_space<vmem>> -> memref<80x64xf32, #tpu.memory_space<vmem>>
    %dma_start3A_311 = arith.constant 0 : i32
    %dma_start3A_312 = tpu.memref_slice %arg6[%add3A_307, %dma_start3A_311] : memref<51200x64xf32, #tpu.memory_space<hbm>> -> memref<80x64xf32, #tpu.memory_space<hbm>>
    %dma_start3A_313 = arith.constant 0 : i32
    %dma_start3A_314 = tpu.memref_slice %arg6[%add3A_307, %dma_start3A_313] : memref<51200x64xf32, #tpu.memory_space<hbm>> -> memref<80x64xf32, #tpu.memory_space<hbm>>
    %dma_start3A_315 = arith.constant 80 : i32
    %dma_start3A_316 = arith.constant 0 : i32
    %dma_start3A_317 = tpu.memref_slice %arg9[%dma_start3A_315, %dma_start3A_316] : memref<1600x64xf32, #tpu.memory_space<vmem>> -> memref<80x64xf32, #tpu.memory_space<vmem>>
    tpu.enqueue_dma source(%dma_start3A_317 : memref<80x64xf32, #tpu.memory_space<vmem>>) target(%dma_start3A_314 : memref<80x64xf32, #tpu.memory_space<hbm>>) target_semaphore(%arg13 : memref<!tpu.dma_semaphore, #tpu.memory_space<semaphore_mem>>)
    %dma_wait3A_318 = arith.constant 2 : i32
    %dma_wait3A_319 = arith.constant 2 : i32
    %dma_wait3A_320 = arith.constant 160 : i32
    %dma_wait3A_321 = arith.constant 0 : i32
    %dma_wait3A_322 = tpu.memref_slice %arg9[%dma_wait3A_320, %dma_wait3A_321] : memref<1600x64xf32, #tpu.memory_space<vmem>> -> memref<80x64xf32, #tpu.memory_space<vmem>>
    %dma_wait3A_323 = arith.constant 0 : i32
    %dma_wait3A_324 = tpu.memref_slice %arg8[%dma_wait3A_318, %dma_wait3A_323] : memref<20x80xi32, #tpu.memory_space<vmem>> -> memref<1x80xi32, #tpu.memory_space<vmem>>
    %dma_wait3A_325 = tpu.memref_squeeze %dma_wait3A_324 : memref<1x80xi32, #tpu.memory_space<vmem>> -> memref<80xi32, #tpu.memory_space<vmem>>
    %dma_wait3A_326 = arith.constant 0 : i32
    %dma_wait3A_327 = arith.constant 0 : i32
    %dma_wait3A_328 = tpu.memref_slice %arg2[%dma_wait3A_326, %dma_wait3A_327] : memref<100000x64xf32, #tpu.memory_space<hbm>> -> memref<100000x64xf32, #tpu.memory_space<hbm>>
    %dma_wait3A_329 = tpu.memref_slice %arg12[%dma_wait3A_319] : memref<20x!tpu.dma_semaphore, #tpu.memory_space<semaphore_mem>> -> memref<1x!tpu.dma_semaphore, #tpu.memory_space<semaphore_mem>>
    %dma_wait3A_330 = tpu.memref_squeeze %dma_wait3A_329 : memref<1x!tpu.dma_semaphore, #tpu.memory_space<semaphore_mem>> -> memref<!tpu.dma_semaphore, #tpu.memory_space<semaphore_mem>>
    tpu.wait_indirect_dma semaphore(%dma_wait3A_330 : memref<!tpu.dma_semaphore, #tpu.memory_space<semaphore_mem>>) src(%dma_wait3A_328 : memref<100000x64xf32, #tpu.memory_space<hbm>>) dst(%dma_wait3A_322 : memref<80x64xf32, #tpu.memory_space<vmem>>)
    %mul3A_331 = arith.constant 1600 : i32
    %mul3A_332 = arith.muli %add3A, %mul3A_331 : i32
    %add3A_333 = arith.constant 160 : i32
    %add3A_334 = arith.addi %mul3A_332, %add3A_333 : i32
    %dma_start3A_335 = arith.constant 160 : i32
    %dma_start3A_336 = arith.constant 0 : i32
    %dma_start3A_337 = tpu.memref_slice %arg9[%dma_start3A_335, %dma_start3A_336] : memref<1600x64xf32, #tpu.memory_space<vmem>> -> memref<80x64xf32, #tpu.memory_space<vmem>>
    %dma_start3A_338 = arith.constant 0 : i32
    %dma_start3A_339 = tpu.memref_slice %arg6[%add3A_334, %dma_start3A_338] : memref<51200x64xf32, #tpu.memory_space<hbm>> -> memref<80x64xf32, #tpu.memory_space<hbm>>
    %dma_start3A_340 = arith.constant 0 : i32
    %dma_start3A_341 = tpu.memref_slice %arg6[%add3A_334, %dma_start3A_340] : memref<51200x64xf32, #tpu.memory_space<hbm>> -> memref<80x64xf32, #tpu.memory_space<hbm>>
    %dma_start3A_342 = arith.constant 160 : i32
    %dma_start3A_343 = arith.constant 0 : i32
    %dma_start3A_344 = tpu.memref_slice %arg9[%dma_start3A_342, %dma_start3A_343] : memref<1600x64xf32, #tpu.memory_space<vmem>> -> memref<80x64xf32, #tpu.memory_space<vmem>>
    tpu.enqueue_dma source(%dma_start3A_344 : memref<80x64xf32, #tpu.memory_space<vmem>>) target(%dma_start3A_341 : memref<80x64xf32, #tpu.memory_space<hbm>>) target_semaphore(%arg13 : memref<!tpu.dma_semaphore, #tpu.memory_space<semaphore_mem>>)
    %dma_wait3A_345 = arith.constant 3 : i32
    %dma_wait3A_346 = arith.constant 3 : i32
    %dma_wait3A_347 = arith.constant 240 : i32
    %dma_wait3A_348 = arith.constant 0 : i32
    %dma_wait3A_349 = tpu.memref_slice %arg9[%dma_wait3A_347, %dma_wait3A_348] : memref<1600x64xf32, #tpu.memory_space<vmem>> -> memref<80x64xf32, #tpu.memory_space<vmem>>
    %dma_wait3A_350 = arith.constant 0 : i32
    %dma_wait3A_351 = tpu.memref_slice %arg8[%dma_wait3A_345, %dma_wait3A_350] : memref<20x80xi32, #tpu.memory_space<vmem>> -> memref<1x80xi32, #tpu.memory_space<vmem>>
    %dma_wait3A_352 = tpu.memref_squeeze %dma_wait3A_351 : memref<1x80xi32, #tpu.memory_space<vmem>> -> memref<80xi32, #tpu.memory_space<vmem>>
    %dma_wait3A_353 = arith.constant 0 : i32
    %dma_wait3A_354 = arith.constant 0 : i32
    %dma_wait3A_355 = tpu.memref_slice %arg2[%dma_wait3A_353, %dma_wait3A_354] : memref<100000x64xf32, #tpu.memory_space<hbm>> -> memref<100000x64xf32, #tpu.memory_space<hbm>>
    %dma_wait3A_356 = tpu.memref_slice %arg12[%dma_wait3A_346] : memref<20x!tpu.dma_semaphore, #tpu.memory_space<semaphore_mem>> -> memref<1x!tpu.dma_semaphore, #tpu.memory_space<semaphore_mem>>
    %dma_wait3A_357 = tpu.memref_squeeze %dma_wait3A_356 : memref<1x!tpu.dma_semaphore, #tpu.memory_space<semaphore_mem>> -> memref<!tpu.dma_semaphore, #tpu.memory_space<semaphore_mem>>
    tpu.wait_indirect_dma semaphore(%dma_wait3A_357 : memref<!tpu.dma_semaphore, #tpu.memory_space<semaphore_mem>>) src(%dma_wait3A_355 : memref<100000x64xf32, #tpu.memory_space<hbm>>) dst(%dma_wait3A_349 : memref<80x64xf32, #tpu.memory_space<vmem>>)
    %mul3A_358 = arith.constant 1600 : i32
    %mul3A_359 = arith.muli %add3A, %mul3A_358 : i32
    %add3A_360 = arith.constant 240 : i32
    %add3A_361 = arith.addi %mul3A_359, %add3A_360 : i32
    %dma_start3A_362 = arith.constant 240 : i32
    %dma_start3A_363 = arith.constant 0 : i32
    %dma_start3A_364 = tpu.memref_slice %arg9[%dma_start3A_362, %dma_start3A_363] : memref<1600x64xf32, #tpu.memory_space<vmem>> -> memref<80x64xf32, #tpu.memory_space<vmem>>
    %dma_start3A_365 = arith.constant 0 : i32
    %dma_start3A_366 = tpu.memref_slice %arg6[%add3A_361, %dma_start3A_365] : memref<51200x64xf32, #tpu.memory_space<hbm>> -> memref<80x64xf32, #tpu.memory_space<hbm>>
    %dma_start3A_367 = arith.constant 0 : i32
    %dma_start3A_368 = tpu.memref_slice %arg6[%add3A_361, %dma_start3A_367] : memref<51200x64xf32, #tpu.memory_space<hbm>> -> memref<80x64xf32, #tpu.memory_space<hbm>>
    %dma_start3A_369 = arith.constant 240 : i32
    %dma_start3A_370 = arith.constant 0 : i32
    %dma_start3A_371 = tpu.memref_slice %arg9[%dma_start3A_369, %dma_start3A_370] : memref<1600x64xf32, #tpu.memory_space<vmem>> -> memref<80x64xf32, #tpu.memory_space<vmem>>
    tpu.enqueue_dma source(%dma_start3A_371 : memref<80x64xf32, #tpu.memory_space<vmem>>) target(%dma_start3A_368 : memref<80x64xf32, #tpu.memory_space<hbm>>) target_semaphore(%arg13 : memref<!tpu.dma_semaphore, #tpu.memory_space<semaphore_mem>>)
    %dma_wait3A_372 = arith.constant 4 : i32
    %dma_wait3A_373 = arith.constant 4 : i32
    %dma_wait3A_374 = arith.constant 320 : i32
    %dma_wait3A_375 = arith.constant 0 : i32
    %dma_wait3A_376 = tpu.memref_slice %arg9[%dma_wait3A_374, %dma_wait3A_375] : memref<1600x64xf32, #tpu.memory_space<vmem>> -> memref<80x64xf32, #tpu.memory_space<vmem>>
    %dma_wait3A_377 = arith.constant 0 : i32
    %dma_wait3A_378 = tpu.memref_slice %arg8[%dma_wait3A_372, %dma_wait3A_377] : memref<20x80xi32, #tpu.memory_space<vmem>> -> memref<1x80xi32, #tpu.memory_space<vmem>>
    %dma_wait3A_379 = tpu.memref_squeeze %dma_wait3A_378 : memref<1x80xi32, #tpu.memory_space<vmem>> -> memref<80xi32, #tpu.memory_space<vmem>>
    %dma_wait3A_380 = arith.constant 0 : i32
    %dma_wait3A_381 = arith.constant 0 : i32
    %dma_wait3A_382 = tpu.memref_slice %arg2[%dma_wait3A_380, %dma_wait3A_381] : memref<100000x64xf32, #tpu.memory_space<hbm>> -> memref<100000x64xf32, #tpu.memory_space<hbm>>
    %dma_wait3A_383 = tpu.memref_slice %arg12[%dma_wait3A_373] : memref<20x!tpu.dma_semaphore, #tpu.memory_space<semaphore_mem>> -> memref<1x!tpu.dma_semaphore, #tpu.memory_space<semaphore_mem>>
    %dma_wait3A_384 = tpu.memref_squeeze %dma_wait3A_383 : memref<1x!tpu.dma_semaphore, #tpu.memory_space<semaphore_mem>> -> memref<!tpu.dma_semaphore, #tpu.memory_space<semaphore_mem>>
    tpu.wait_indirect_dma semaphore(%dma_wait3A_384 : memref<!tpu.dma_semaphore, #tpu.memory_space<semaphore_mem>>) src(%dma_wait3A_382 : memref<100000x64xf32, #tpu.memory_space<hbm>>) dst(%dma_wait3A_376 : memref<80x64xf32, #tpu.memory_space<vmem>>)
    %mul3A_385 = arith.constant 1600 : i32
    %mul3A_386 = arith.muli %add3A, %mul3A_385 : i32
    %add3A_387 = arith.constant 320 : i32
    %add3A_388 = arith.addi %mul3A_386, %add3A_387 : i32
    %dma_start3A_389 = arith.constant 320 : i32
    %dma_start3A_390 = arith.constant 0 : i32
    %dma_start3A_391 = tpu.memref_slice %arg9[%dma_start3A_389, %dma_start3A_390] : memref<1600x64xf32, #tpu.memory_space<vmem>> -> memref<80x64xf32, #tpu.memory_space<vmem>>
    %dma_start3A_392 = arith.constant 0 : i32
    %dma_start3A_393 = tpu.memref_slice %arg6[%add3A_388, %dma_start3A_392] : memref<51200x64xf32, #tpu.memory_space<hbm>> -> memref<80x64xf32, #tpu.memory_space<hbm>>
    %dma_start3A_394 = arith.constant 0 : i32
    %dma_start3A_395 = tpu.memref_slice %arg6[%add3A_388, %dma_start3A_394] : memref<51200x64xf32, #tpu.memory_space<hbm>> -> memref<80x64xf32, #tpu.memory_space<hbm>>
    %dma_start3A_396 = arith.constant 320 : i32
    %dma_start3A_397 = arith.constant 0 : i32
    %dma_start3A_398 = tpu.memref_slice %arg9[%dma_start3A_396, %dma_start3A_397] : memref<1600x64xf32, #tpu.memory_space<vmem>> -> memref<80x64xf32, #tpu.memory_space<vmem>>
    tpu.enqueue_dma source(%dma_start3A_398 : memref<80x64xf32, #tpu.memory_space<vmem>>) target(%dma_start3A_395 : memref<80x64xf32, #tpu.memory_space<hbm>>) target_semaphore(%arg13 : memref<!tpu.dma_semaphore, #tpu.memory_space<semaphore_mem>>)
    %dma_wait3A_399 = arith.constant 5 : i32
    %dma_wait3A_400 = arith.constant 5 : i32
    %dma_wait3A_401 = arith.constant 400 : i32
    %dma_wait3A_402 = arith.constant 0 : i32
    %dma_wait3A_403 = tpu.memref_slice %arg9[%dma_wait3A_401, %dma_wait3A_402] : memref<1600x64xf32, #tpu.memory_space<vmem>> -> memref<80x64xf32, #tpu.memory_space<vmem>>
    %dma_wait3A_404 = arith.constant 0 : i32
    %dma_wait3A_405 = tpu.memref_slice %arg8[%dma_wait3A_399, %dma_wait3A_404] : memref<20x80xi32, #tpu.memory_space<vmem>> -> memref<1x80xi32, #tpu.memory_space<vmem>>
    %dma_wait3A_406 = tpu.memref_squeeze %dma_wait3A_405 : memref<1x80xi32, #tpu.memory_space<vmem>> -> memref<80xi32, #tpu.memory_space<vmem>>
    %dma_wait3A_407 = arith.constant 0 : i32
    %dma_wait3A_408 = arith.constant 0 : i32
    %dma_wait3A_409 = tpu.memref_slice %arg2[%dma_wait3A_407, %dma_wait3A_408] : memref<100000x64xf32, #tpu.memory_space<hbm>> -> memref<100000x64xf32, #tpu.memory_space<hbm>>
    %dma_wait3A_410 = tpu.memref_slice %arg12[%dma_wait3A_400] : memref<20x!tpu.dma_semaphore, #tpu.memory_space<semaphore_mem>> -> memref<1x!tpu.dma_semaphore, #tpu.memory_space<semaphore_mem>>
    %dma_wait3A_411 = tpu.memref_squeeze %dma_wait3A_410 : memref<1x!tpu.dma_semaphore, #tpu.memory_space<semaphore_mem>> -> memref<!tpu.dma_semaphore, #tpu.memory_space<semaphore_mem>>
    tpu.wait_indirect_dma semaphore(%dma_wait3A_411 : memref<!tpu.dma_semaphore, #tpu.memory_space<semaphore_mem>>) src(%dma_wait3A_409 : memref<100000x64xf32, #tpu.memory_space<hbm>>) dst(%dma_wait3A_403 : memref<80x64xf32, #tpu.memory_space<vmem>>)
    %mul3A_412 = arith.constant 1600 : i32
    %mul3A_413 = arith.muli %add3A, %mul3A_412 : i32
    %add3A_414 = arith.constant 400 : i32
    %add3A_415 = arith.addi %mul3A_413, %add3A_414 : i32
    %dma_start3A_416 = arith.constant 400 : i32
    %dma_start3A_417 = arith.constant 0 : i32
    %dma_start3A_418 = tpu.memref_slice %arg9[%dma_start3A_416, %dma_start3A_417] : memref<1600x64xf32, #tpu.memory_space<vmem>> -> memref<80x64xf32, #tpu.memory_space<vmem>>
    %dma_start3A_419 = arith.constant 0 : i32
    %dma_start3A_420 = tpu.memref_slice %arg6[%add3A_415, %dma_start3A_419] : memref<51200x64xf32, #tpu.memory_space<hbm>> -> memref<80x64xf32, #tpu.memory_space<hbm>>
    %dma_start3A_421 = arith.constant 0 : i32
    %dma_start3A_422 = tpu.memref_slice %arg6[%add3A_415, %dma_start3A_421] : memref<51200x64xf32, #tpu.memory_space<hbm>> -> memref<80x64xf32, #tpu.memory_space<hbm>>
    %dma_start3A_423 = arith.constant 400 : i32
    %dma_start3A_424 = arith.constant 0 : i32
    %dma_start3A_425 = tpu.memref_slice %arg9[%dma_start3A_423, %dma_start3A_424] : memref<1600x64xf32, #tpu.memory_space<vmem>> -> memref<80x64xf32, #tpu.memory_space<vmem>>
    tpu.enqueue_dma source(%dma_start3A_425 : memref<80x64xf32, #tpu.memory_space<vmem>>) target(%dma_start3A_422 : memref<80x64xf32, #tpu.memory_space<hbm>>) target_semaphore(%arg13 : memref<!tpu.dma_semaphore, #tpu.memory_space<semaphore_mem>>)
    %dma_wait3A_426 = arith.constant 6 : i32
    %dma_wait3A_427 = arith.constant 6 : i32
    %dma_wait3A_428 = arith.constant 480 : i32
    %dma_wait3A_429 = arith.constant 0 : i32
    %dma_wait3A_430 = tpu.memref_slice %arg9[%dma_wait3A_428, %dma_wait3A_429] : memref<1600x64xf32, #tpu.memory_space<vmem>> -> memref<80x64xf32, #tpu.memory_space<vmem>>
    %dma_wait3A_431 = arith.constant 0 : i32
    %dma_wait3A_432 = tpu.memref_slice %arg8[%dma_wait3A_426, %dma_wait3A_431] : memref<20x80xi32, #tpu.memory_space<vmem>> -> memref<1x80xi32, #tpu.memory_space<vmem>>
    %dma_wait3A_433 = tpu.memref_squeeze %dma_wait3A_432 : memref<1x80xi32, #tpu.memory_space<vmem>> -> memref<80xi32, #tpu.memory_space<vmem>>
    %dma_wait3A_434 = arith.constant 0 : i32
    %dma_wait3A_435 = arith.constant 0 : i32
    %dma_wait3A_436 = tpu.memref_slice %arg2[%dma_wait3A_434, %dma_wait3A_435] : memref<100000x64xf32, #tpu.memory_space<hbm>> -> memref<100000x64xf32, #tpu.memory_space<hbm>>
    %dma_wait3A_437 = tpu.memref_slice %arg12[%dma_wait3A_427] : memref<20x!tpu.dma_semaphore, #tpu.memory_space<semaphore_mem>> -> memref<1x!tpu.dma_semaphore, #tpu.memory_space<semaphore_mem>>
    %dma_wait3A_438 = tpu.memref_squeeze %dma_wait3A_437 : memref<1x!tpu.dma_semaphore, #tpu.memory_space<semaphore_mem>> -> memref<!tpu.dma_semaphore, #tpu.memory_space<semaphore_mem>>
    tpu.wait_indirect_dma semaphore(%dma_wait3A_438 : memref<!tpu.dma_semaphore, #tpu.memory_space<semaphore_mem>>) src(%dma_wait3A_436 : memref<100000x64xf32, #tpu.memory_space<hbm>>) dst(%dma_wait3A_430 : memref<80x64xf32, #tpu.memory_space<vmem>>)
    %mul3A_439 = arith.constant 1600 : i32
    %mul3A_440 = arith.muli %add3A, %mul3A_439 : i32
    %add3A_441 = arith.constant 480 : i32
    %add3A_442 = arith.addi %mul3A_440, %add3A_441 : i32
    %dma_start3A_443 = arith.constant 480 : i32
    %dma_start3A_444 = arith.constant 0 : i32
    %dma_start3A_445 = tpu.memref_slice %arg9[%dma_start3A_443, %dma_start3A_444] : memref<1600x64xf32, #tpu.memory_space<vmem>> -> memref<80x64xf32, #tpu.memory_space<vmem>>
    %dma_start3A_446 = arith.constant 0 : i32
    %dma_start3A_447 = tpu.memref_slice %arg6[%add3A_442, %dma_start3A_446] : memref<51200x64xf32, #tpu.memory_space<hbm>> -> memref<80x64xf32, #tpu.memory_space<hbm>>
    %dma_start3A_448 = arith.constant 0 : i32
    %dma_start3A_449 = tpu.memref_slice %arg6[%add3A_442, %dma_start3A_448] : memref<51200x64xf32, #tpu.memory_space<hbm>> -> memref<80x64xf32, #tpu.memory_space<hbm>>
    %dma_start3A_450 = arith.constant 480 : i32
    %dma_start3A_451 = arith.constant 0 : i32
    %dma_start3A_452 = tpu.memref_slice %arg9[%dma_start3A_450, %dma_start3A_451] : memref<1600x64xf32, #tpu.memory_space<vmem>> -> memref<80x64xf32, #tpu.memory_space<vmem>>
    tpu.enqueue_dma source(%dma_start3A_452 : memref<80x64xf32, #tpu.memory_space<vmem>>) target(%dma_start3A_449 : memref<80x64xf32, #tpu.memory_space<hbm>>) target_semaphore(%arg13 : memref<!tpu.dma_semaphore, #tpu.memory_space<semaphore_mem>>)
    %dma_wait3A_453 = arith.constant 7 : i32
    %dma_wait3A_454 = arith.constant 7 : i32
    %dma_wait3A_455 = arith.constant 560 : i32
    %dma_wait3A_456 = arith.constant 0 : i32
    %dma_wait3A_457 = tpu.memref_slice %arg9[%dma_wait3A_455, %dma_wait3A_456] : memref<1600x64xf32, #tpu.memory_space<vmem>> -> memref<80x64xf32, #tpu.memory_space<vmem>>
    %dma_wait3A_458 = arith.constant 0 : i32
    %dma_wait3A_459 = tpu.memref_slice %arg8[%dma_wait3A_453, %dma_wait3A_458] : memref<20x80xi32, #tpu.memory_space<vmem>> -> memref<1x80xi32, #tpu.memory_space<vmem>>
    %dma_wait3A_460 = tpu.memref_squeeze %dma_wait3A_459 : memref<1x80xi32, #tpu.memory_space<vmem>> -> memref<80xi32, #tpu.memory_space<vmem>>
    %dma_wait3A_461 = arith.constant 0 : i32
    %dma_wait3A_462 = arith.constant 0 : i32
    %dma_wait3A_463 = tpu.memref_slice %arg2[%dma_wait3A_461, %dma_wait3A_462] : memref<100000x64xf32, #tpu.memory_space<hbm>> -> memref<100000x64xf32, #tpu.memory_space<hbm>>
    %dma_wait3A_464 = tpu.memref_slice %arg12[%dma_wait3A_454] : memref<20x!tpu.dma_semaphore, #tpu.memory_space<semaphore_mem>> -> memref<1x!tpu.dma_semaphore, #tpu.memory_space<semaphore_mem>>
    %dma_wait3A_465 = tpu.memref_squeeze %dma_wait3A_464 : memref<1x!tpu.dma_semaphore, #tpu.memory_space<semaphore_mem>> -> memref<!tpu.dma_semaphore, #tpu.memory_space<semaphore_mem>>
    tpu.wait_indirect_dma semaphore(%dma_wait3A_465 : memref<!tpu.dma_semaphore, #tpu.memory_space<semaphore_mem>>) src(%dma_wait3A_463 : memref<100000x64xf32, #tpu.memory_space<hbm>>) dst(%dma_wait3A_457 : memref<80x64xf32, #tpu.memory_space<vmem>>)
    %mul3A_466 = arith.constant 1600 : i32
    %mul3A_467 = arith.muli %add3A, %mul3A_466 : i32
    %add3A_468 = arith.constant 560 : i32
    %add3A_469 = arith.addi %mul3A_467, %add3A_468 : i32
    %dma_start3A_470 = arith.constant 560 : i32
    %dma_start3A_471 = arith.constant 0 : i32
    %dma_start3A_472 = tpu.memref_slice %arg9[%dma_start3A_470, %dma_start3A_471] : memref<1600x64xf32, #tpu.memory_space<vmem>> -> memref<80x64xf32, #tpu.memory_space<vmem>>
    %dma_start3A_473 = arith.constant 0 : i32
    %dma_start3A_474 = tpu.memref_slice %arg6[%add3A_469, %dma_start3A_473] : memref<51200x64xf32, #tpu.memory_space<hbm>> -> memref<80x64xf32, #tpu.memory_space<hbm>>
    %dma_start3A_475 = arith.constant 0 : i32
    %dma_start3A_476 = tpu.memref_slice %arg6[%add3A_469, %dma_start3A_475] : memref<51200x64xf32, #tpu.memory_space<hbm>> -> memref<80x64xf32, #tpu.memory_space<hbm>>
    %dma_start3A_477 = arith.constant 560 : i32
    %dma_start3A_478 = arith.constant 0 : i32
    %dma_start3A_479 = tpu.memref_slice %arg9[%dma_start3A_477, %dma_start3A_478] : memref<1600x64xf32, #tpu.memory_space<vmem>> -> memref<80x64xf32, #tpu.memory_space<vmem>>
    tpu.enqueue_dma source(%dma_start3A_479 : memref<80x64xf32, #tpu.memory_space<vmem>>) target(%dma_start3A_476 : memref<80x64xf32, #tpu.memory_space<hbm>>) target_semaphore(%arg13 : memref<!tpu.dma_semaphore, #tpu.memory_space<semaphore_mem>>)
    %dma_wait3A_480 = arith.constant 8 : i32
    %dma_wait3A_481 = arith.constant 8 : i32
    %dma_wait3A_482 = arith.constant 640 : i32
    %dma_wait3A_483 = arith.constant 0 : i32
    %dma_wait3A_484 = tpu.memref_slice %arg9[%dma_wait3A_482, %dma_wait3A_483] : memref<1600x64xf32, #tpu.memory_space<vmem>> -> memref<80x64xf32, #tpu.memory_space<vmem>>
    %dma_wait3A_485 = arith.constant 0 : i32
    %dma_wait3A_486 = tpu.memref_slice %arg8[%dma_wait3A_480, %dma_wait3A_485] : memref<20x80xi32, #tpu.memory_space<vmem>> -> memref<1x80xi32, #tpu.memory_space<vmem>>
    %dma_wait3A_487 = tpu.memref_squeeze %dma_wait3A_486 : memref<1x80xi32, #tpu.memory_space<vmem>> -> memref<80xi32, #tpu.memory_space<vmem>>
    %dma_wait3A_488 = arith.constant 0 : i32
    %dma_wait3A_489 = arith.constant 0 : i32
    %dma_wait3A_490 = tpu.memref_slice %arg2[%dma_wait3A_488, %dma_wait3A_489] : memref<100000x64xf32, #tpu.memory_space<hbm>> -> memref<100000x64xf32, #tpu.memory_space<hbm>>
    %dma_wait3A_491 = tpu.memref_slice %arg12[%dma_wait3A_481] : memref<20x!tpu.dma_semaphore, #tpu.memory_space<semaphore_mem>> -> memref<1x!tpu.dma_semaphore, #tpu.memory_space<semaphore_mem>>
    %dma_wait3A_492 = tpu.memref_squeeze %dma_wait3A_491 : memref<1x!tpu.dma_semaphore, #tpu.memory_space<semaphore_mem>> -> memref<!tpu.dma_semaphore, #tpu.memory_space<semaphore_mem>>
    tpu.wait_indirect_dma semaphore(%dma_wait3A_492 : memref<!tpu.dma_semaphore, #tpu.memory_space<semaphore_mem>>) src(%dma_wait3A_490 : memref<100000x64xf32, #tpu.memory_space<hbm>>) dst(%dma_wait3A_484 : memref<80x64xf32, #tpu.memory_space<vmem>>)
    %mul3A_493 = arith.constant 1600 : i32
    %mul3A_494 = arith.muli %add3A, %mul3A_493 : i32
    %add3A_495 = arith.constant 640 : i32
    %add3A_496 = arith.addi %mul3A_494, %add3A_495 : i32
    %dma_start3A_497 = arith.constant 640 : i32
    %dma_start3A_498 = arith.constant 0 : i32
    %dma_start3A_499 = tpu.memref_slice %arg9[%dma_start3A_497, %dma_start3A_498] : memref<1600x64xf32, #tpu.memory_space<vmem>> -> memref<80x64xf32, #tpu.memory_space<vmem>>
    %dma_start3A_500 = arith.constant 0 : i32
    %dma_start3A_501 = tpu.memref_slice %arg6[%add3A_496, %dma_start3A_500] : memref<51200x64xf32, #tpu.memory_space<hbm>> -> memref<80x64xf32, #tpu.memory_space<hbm>>
    %dma_start3A_502 = arith.constant 0 : i32
    %dma_start3A_503 = tpu.memref_slice %arg6[%add3A_496, %dma_start3A_502] : memref<51200x64xf32, #tpu.memory_space<hbm>> -> memref<80x64xf32, #tpu.memory_space<hbm>>
    %dma_start3A_504 = arith.constant 640 : i32
    %dma_start3A_505 = arith.constant 0 : i32
    %dma_start3A_506 = tpu.memref_slice %arg9[%dma_start3A_504, %dma_start3A_505] : memref<1600x64xf32, #tpu.memory_space<vmem>> -> memref<80x64xf32, #tpu.memory_space<vmem>>
    tpu.enqueue_dma source(%dma_start3A_506 : memref<80x64xf32, #tpu.memory_space<vmem>>) target(%dma_start3A_503 : memref<80x64xf32, #tpu.memory_space<hbm>>) target_semaphore(%arg13 : memref<!tpu.dma_semaphore, #tpu.memory_space<semaphore_mem>>)
    %dma_wait3A_507 = arith.constant 9 : i32
    %dma_wait3A_508 = arith.constant 9 : i32
    %dma_wait3A_509 = arith.constant 720 : i32
    %dma_wait3A_510 = arith.constant 0 : i32
    %dma_wait3A_511 = tpu.memref_slice %arg9[%dma_wait3A_509, %dma_wait3A_510] : memref<1600x64xf32, #tpu.memory_space<vmem>> -> memref<80x64xf32, #tpu.memory_space<vmem>>
    %dma_wait3A_512 = arith.constant 0 : i32
    %dma_wait3A_513 = tpu.memref_slice %arg8[%dma_wait3A_507, %dma_wait3A_512] : memref<20x80xi32, #tpu.memory_space<vmem>> -> memref<1x80xi32, #tpu.memory_space<vmem>>
    %dma_wait3A_514 = tpu.memref_squeeze %dma_wait3A_513 : memref<1x80xi32, #tpu.memory_space<vmem>> -> memref<80xi32, #tpu.memory_space<vmem>>
    %dma_wait3A_515 = arith.constant 0 : i32
    %dma_wait3A_516 = arith.constant 0 : i32
    %dma_wait3A_517 = tpu.memref_slice %arg2[%dma_wait3A_515, %dma_wait3A_516] : memref<100000x64xf32, #tpu.memory_space<hbm>> -> memref<100000x64xf32, #tpu.memory_space<hbm>>
    %dma_wait3A_518 = tpu.memref_slice %arg12[%dma_wait3A_508] : memref<20x!tpu.dma_semaphore, #tpu.memory_space<semaphore_mem>> -> memref<1x!tpu.dma_semaphore, #tpu.memory_space<semaphore_mem>>
    %dma_wait3A_519 = tpu.memref_squeeze %dma_wait3A_518 : memref<1x!tpu.dma_semaphore, #tpu.memory_space<semaphore_mem>> -> memref<!tpu.dma_semaphore, #tpu.memory_space<semaphore_mem>>
    tpu.wait_indirect_dma semaphore(%dma_wait3A_519 : memref<!tpu.dma_semaphore, #tpu.memory_space<semaphore_mem>>) src(%dma_wait3A_517 : memref<100000x64xf32, #tpu.memory_space<hbm>>) dst(%dma_wait3A_511 : memref<80x64xf32, #tpu.memory_space<vmem>>)
    %mul3A_520 = arith.constant 1600 : i32
    %mul3A_521 = arith.muli %add3A, %mul3A_520 : i32
    %add3A_522 = arith.constant 720 : i32
    %add3A_523 = arith.addi %mul3A_521, %add3A_522 : i32
    %dma_start3A_524 = arith.constant 720 : i32
    %dma_start3A_525 = arith.constant 0 : i32
    %dma_start3A_526 = tpu.memref_slice %arg9[%dma_start3A_524, %dma_start3A_525] : memref<1600x64xf32, #tpu.memory_space<vmem>> -> memref<80x64xf32, #tpu.memory_space<vmem>>
    %dma_start3A_527 = arith.constant 0 : i32
    %dma_start3A_528 = tpu.memref_slice %arg6[%add3A_523, %dma_start3A_527] : memref<51200x64xf32, #tpu.memory_space<hbm>> -> memref<80x64xf32, #tpu.memory_space<hbm>>
    %dma_start3A_529 = arith.constant 0 : i32
    %dma_start3A_530 = tpu.memref_slice %arg6[%add3A_523, %dma_start3A_529] : memref<51200x64xf32, #tpu.memory_space<hbm>> -> memref<80x64xf32, #tpu.memory_space<hbm>>
    %dma_start3A_531 = arith.constant 720 : i32
    %dma_start3A_532 = arith.constant 0 : i32
    %dma_start3A_533 = tpu.memref_slice %arg9[%dma_start3A_531, %dma_start3A_532] : memref<1600x64xf32, #tpu.memory_space<vmem>> -> memref<80x64xf32, #tpu.memory_space<vmem>>
    tpu.enqueue_dma source(%dma_start3A_533 : memref<80x64xf32, #tpu.memory_space<vmem>>) target(%dma_start3A_530 : memref<80x64xf32, #tpu.memory_space<hbm>>) target_semaphore(%arg13 : memref<!tpu.dma_semaphore, #tpu.memory_space<semaphore_mem>>)
    %dma_wait3A_534 = arith.constant 10 : i32
    %dma_wait3A_535 = arith.constant 10 : i32
    %dma_wait3A_536 = arith.constant 800 : i32
    %dma_wait3A_537 = arith.constant 0 : i32
    %dma_wait3A_538 = tpu.memref_slice %arg9[%dma_wait3A_536, %dma_wait3A_537] : memref<1600x64xf32, #tpu.memory_space<vmem>> -> memref<80x64xf32, #tpu.memory_space<vmem>>
    %dma_wait3A_539 = arith.constant 0 : i32
    %dma_wait3A_540 = tpu.memref_slice %arg8[%dma_wait3A_534, %dma_wait3A_539] : memref<20x80xi32, #tpu.memory_space<vmem>> -> memref<1x80xi32, #tpu.memory_space<vmem>>
    %dma_wait3A_541 = tpu.memref_squeeze %dma_wait3A_540 : memref<1x80xi32, #tpu.memory_space<vmem>> -> memref<80xi32, #tpu.memory_space<vmem>>
    %dma_wait3A_542 = arith.constant 0 : i32
    %dma_wait3A_543 = arith.constant 0 : i32
    %dma_wait3A_544 = tpu.memref_slice %arg2[%dma_wait3A_542, %dma_wait3A_543] : memref<100000x64xf32, #tpu.memory_space<hbm>> -> memref<100000x64xf32, #tpu.memory_space<hbm>>
    %dma_wait3A_545 = tpu.memref_slice %arg12[%dma_wait3A_535] : memref<20x!tpu.dma_semaphore, #tpu.memory_space<semaphore_mem>> -> memref<1x!tpu.dma_semaphore, #tpu.memory_space<semaphore_mem>>
    %dma_wait3A_546 = tpu.memref_squeeze %dma_wait3A_545 : memref<1x!tpu.dma_semaphore, #tpu.memory_space<semaphore_mem>> -> memref<!tpu.dma_semaphore, #tpu.memory_space<semaphore_mem>>
    tpu.wait_indirect_dma semaphore(%dma_wait3A_546 : memref<!tpu.dma_semaphore, #tpu.memory_space<semaphore_mem>>) src(%dma_wait3A_544 : memref<100000x64xf32, #tpu.memory_space<hbm>>) dst(%dma_wait3A_538 : memref<80x64xf32, #tpu.memory_space<vmem>>)
    %mul3A_547 = arith.constant 1600 : i32
    %mul3A_548 = arith.muli %add3A, %mul3A_547 : i32
    %add3A_549 = arith.constant 800 : i32
    %add3A_550 = arith.addi %mul3A_548, %add3A_549 : i32
    %dma_start3A_551 = arith.constant 800 : i32
    %dma_start3A_552 = arith.constant 0 : i32
    %dma_start3A_553 = tpu.memref_slice %arg9[%dma_start3A_551, %dma_start3A_552] : memref<1600x64xf32, #tpu.memory_space<vmem>> -> memref<80x64xf32, #tpu.memory_space<vmem>>
    %dma_start3A_554 = arith.constant 0 : i32
    %dma_start3A_555 = tpu.memref_slice %arg6[%add3A_550, %dma_start3A_554] : memref<51200x64xf32, #tpu.memory_space<hbm>> -> memref<80x64xf32, #tpu.memory_space<hbm>>
    %dma_start3A_556 = arith.constant 0 : i32
    %dma_start3A_557 = tpu.memref_slice %arg6[%add3A_550, %dma_start3A_556] : memref<51200x64xf32, #tpu.memory_space<hbm>> -> memref<80x64xf32, #tpu.memory_space<hbm>>
    %dma_start3A_558 = arith.constant 800 : i32
    %dma_start3A_559 = arith.constant 0 : i32
    %dma_start3A_560 = tpu.memref_slice %arg9[%dma_start3A_558, %dma_start3A_559] : memref<1600x64xf32, #tpu.memory_space<vmem>> -> memref<80x64xf32, #tpu.memory_space<vmem>>
    tpu.enqueue_dma source(%dma_start3A_560 : memref<80x64xf32, #tpu.memory_space<vmem>>) target(%dma_start3A_557 : memref<80x64xf32, #tpu.memory_space<hbm>>) target_semaphore(%arg13 : memref<!tpu.dma_semaphore, #tpu.memory_space<semaphore_mem>>)
    %dma_wait3A_561 = arith.constant 11 : i32
    %dma_wait3A_562 = arith.constant 11 : i32
    %dma_wait3A_563 = arith.constant 880 : i32
    %dma_wait3A_564 = arith.constant 0 : i32
    %dma_wait3A_565 = tpu.memref_slice %arg9[%dma_wait3A_563, %dma_wait3A_564] : memref<1600x64xf32, #tpu.memory_space<vmem>> -> memref<80x64xf32, #tpu.memory_space<vmem>>
    %dma_wait3A_566 = arith.constant 0 : i32
    %dma_wait3A_567 = tpu.memref_slice %arg8[%dma_wait3A_561, %dma_wait3A_566] : memref<20x80xi32, #tpu.memory_space<vmem>> -> memref<1x80xi32, #tpu.memory_space<vmem>>
    %dma_wait3A_568 = tpu.memref_squeeze %dma_wait3A_567 : memref<1x80xi32, #tpu.memory_space<vmem>> -> memref<80xi32, #tpu.memory_space<vmem>>
    %dma_wait3A_569 = arith.constant 0 : i32
    %dma_wait3A_570 = arith.constant 0 : i32
    %dma_wait3A_571 = tpu.memref_slice %arg2[%dma_wait3A_569, %dma_wait3A_570] : memref<100000x64xf32, #tpu.memory_space<hbm>> -> memref<100000x64xf32, #tpu.memory_space<hbm>>
    %dma_wait3A_572 = tpu.memref_slice %arg12[%dma_wait3A_562] : memref<20x!tpu.dma_semaphore, #tpu.memory_space<semaphore_mem>> -> memref<1x!tpu.dma_semaphore, #tpu.memory_space<semaphore_mem>>
    %dma_wait3A_573 = tpu.memref_squeeze %dma_wait3A_572 : memref<1x!tpu.dma_semaphore, #tpu.memory_space<semaphore_mem>> -> memref<!tpu.dma_semaphore, #tpu.memory_space<semaphore_mem>>
    tpu.wait_indirect_dma semaphore(%dma_wait3A_573 : memref<!tpu.dma_semaphore, #tpu.memory_space<semaphore_mem>>) src(%dma_wait3A_571 : memref<100000x64xf32, #tpu.memory_space<hbm>>) dst(%dma_wait3A_565 : memref<80x64xf32, #tpu.memory_space<vmem>>)
    %mul3A_574 = arith.constant 1600 : i32
    %mul3A_575 = arith.muli %add3A, %mul3A_574 : i32
    %add3A_576 = arith.constant 880 : i32
    %add3A_577 = arith.addi %mul3A_575, %add3A_576 : i32
    %dma_start3A_578 = arith.constant 880 : i32
    %dma_start3A_579 = arith.constant 0 : i32
    %dma_start3A_580 = tpu.memref_slice %arg9[%dma_start3A_578, %dma_start3A_579] : memref<1600x64xf32, #tpu.memory_space<vmem>> -> memref<80x64xf32, #tpu.memory_space<vmem>>
    %dma_start3A_581 = arith.constant 0 : i32
    %dma_start3A_582 = tpu.memref_slice %arg6[%add3A_577, %dma_start3A_581] : memref<51200x64xf32, #tpu.memory_space<hbm>> -> memref<80x64xf32, #tpu.memory_space<hbm>>
    %dma_start3A_583 = arith.constant 0 : i32
    %dma_start3A_584 = tpu.memref_slice %arg6[%add3A_577, %dma_start3A_583] : memref<51200x64xf32, #tpu.memory_space<hbm>> -> memref<80x64xf32, #tpu.memory_space<hbm>>
    %dma_start3A_585 = arith.constant 880 : i32
    %dma_start3A_586 = arith.constant 0 : i32
    %dma_start3A_587 = tpu.memref_slice %arg9[%dma_start3A_585, %dma_start3A_586] : memref<1600x64xf32, #tpu.memory_space<vmem>> -> memref<80x64xf32, #tpu.memory_space<vmem>>
    tpu.enqueue_dma source(%dma_start3A_587 : memref<80x64xf32, #tpu.memory_space<vmem>>) target(%dma_start3A_584 : memref<80x64xf32, #tpu.memory_space<hbm>>) target_semaphore(%arg13 : memref<!tpu.dma_semaphore, #tpu.memory_space<semaphore_mem>>)
    %dma_wait3A_588 = arith.constant 12 : i32
    %dma_wait3A_589 = arith.constant 12 : i32
    %dma_wait3A_590 = arith.constant 960 : i32
    %dma_wait3A_591 = arith.constant 0 : i32
    %dma_wait3A_592 = tpu.memref_slice %arg9[%dma_wait3A_590, %dma_wait3A_591] : memref<1600x64xf32, #tpu.memory_space<vmem>> -> memref<80x64xf32, #tpu.memory_space<vmem>>
    %dma_wait3A_593 = arith.constant 0 : i32
    %dma_wait3A_594 = tpu.memref_slice %arg8[%dma_wait3A_588, %dma_wait3A_593] : memref<20x80xi32, #tpu.memory_space<vmem>> -> memref<1x80xi32, #tpu.memory_space<vmem>>
    %dma_wait3A_595 = tpu.memref_squeeze %dma_wait3A_594 : memref<1x80xi32, #tpu.memory_space<vmem>> -> memref<80xi32, #tpu.memory_space<vmem>>
    %dma_wait3A_596 = arith.constant 0 : i32
    %dma_wait3A_597 = arith.constant 0 : i32
    %dma_wait3A_598 = tpu.memref_slice %arg2[%dma_wait3A_596, %dma_wait3A_597] : memref<100000x64xf32, #tpu.memory_space<hbm>> -> memref<100000x64xf32, #tpu.memory_space<hbm>>
    %dma_wait3A_599 = tpu.memref_slice %arg12[%dma_wait3A_589] : memref<20x!tpu.dma_semaphore, #tpu.memory_space<semaphore_mem>> -> memref<1x!tpu.dma_semaphore, #tpu.memory_space<semaphore_mem>>
    %dma_wait3A_600 = tpu.memref_squeeze %dma_wait3A_599 : memref<1x!tpu.dma_semaphore, #tpu.memory_space<semaphore_mem>> -> memref<!tpu.dma_semaphore, #tpu.memory_space<semaphore_mem>>
    tpu.wait_indirect_dma semaphore(%dma_wait3A_600 : memref<!tpu.dma_semaphore, #tpu.memory_space<semaphore_mem>>) src(%dma_wait3A_598 : memref<100000x64xf32, #tpu.memory_space<hbm>>) dst(%dma_wait3A_592 : memref<80x64xf32, #tpu.memory_space<vmem>>)
    %mul3A_601 = arith.constant 1600 : i32
    %mul3A_602 = arith.muli %add3A, %mul3A_601 : i32
    %add3A_603 = arith.constant 960 : i32
    %add3A_604 = arith.addi %mul3A_602, %add3A_603 : i32
    %dma_start3A_605 = arith.constant 960 : i32
    %dma_start3A_606 = arith.constant 0 : i32
    %dma_start3A_607 = tpu.memref_slice %arg9[%dma_start3A_605, %dma_start3A_606] : memref<1600x64xf32, #tpu.memory_space<vmem>> -> memref<80x64xf32, #tpu.memory_space<vmem>>
    %dma_start3A_608 = arith.constant 0 : i32
    %dma_start3A_609 = tpu.memref_slice %arg6[%add3A_604, %dma_start3A_608] : memref<51200x64xf32, #tpu.memory_space<hbm>> -> memref<80x64xf32, #tpu.memory_space<hbm>>
    %dma_start3A_610 = arith.constant 0 : i32
    %dma_start3A_611 = tpu.memref_slice %arg6[%add3A_604, %dma_start3A_610] : memref<51200x64xf32, #tpu.memory_space<hbm>> -> memref<80x64xf32, #tpu.memory_space<hbm>>
    %dma_start3A_612 = arith.constant 960 : i32
    %dma_start3A_613 = arith.constant 0 : i32
    %dma_start3A_614 = tpu.memref_slice %arg9[%dma_start3A_612, %dma_start3A_613] : memref<1600x64xf32, #tpu.memory_space<vmem>> -> memref<80x64xf32, #tpu.memory_space<vmem>>
    tpu.enqueue_dma source(%dma_start3A_614 : memref<80x64xf32, #tpu.memory_space<vmem>>) target(%dma_start3A_611 : memref<80x64xf32, #tpu.memory_space<hbm>>) target_semaphore(%arg13 : memref<!tpu.dma_semaphore, #tpu.memory_space<semaphore_mem>>)
    %dma_wait3A_615 = arith.constant 13 : i32
    %dma_wait3A_616 = arith.constant 13 : i32
    %dma_wait3A_617 = arith.constant 1040 : i32
    %dma_wait3A_618 = arith.constant 0 : i32
    %dma_wait3A_619 = tpu.memref_slice %arg9[%dma_wait3A_617, %dma_wait3A_618] : memref<1600x64xf32, #tpu.memory_space<vmem>> -> memref<80x64xf32, #tpu.memory_space<vmem>>
    %dma_wait3A_620 = arith.constant 0 : i32
    %dma_wait3A_621 = tpu.memref_slice %arg8[%dma_wait3A_615, %dma_wait3A_620] : memref<20x80xi32, #tpu.memory_space<vmem>> -> memref<1x80xi32, #tpu.memory_space<vmem>>
    %dma_wait3A_622 = tpu.memref_squeeze %dma_wait3A_621 : memref<1x80xi32, #tpu.memory_space<vmem>> -> memref<80xi32, #tpu.memory_space<vmem>>
    %dma_wait3A_623 = arith.constant 0 : i32
    %dma_wait3A_624 = arith.constant 0 : i32
    %dma_wait3A_625 = tpu.memref_slice %arg2[%dma_wait3A_623, %dma_wait3A_624] : memref<100000x64xf32, #tpu.memory_space<hbm>> -> memref<100000x64xf32, #tpu.memory_space<hbm>>
    %dma_wait3A_626 = tpu.memref_slice %arg12[%dma_wait3A_616] : memref<20x!tpu.dma_semaphore, #tpu.memory_space<semaphore_mem>> -> memref<1x!tpu.dma_semaphore, #tpu.memory_space<semaphore_mem>>
    %dma_wait3A_627 = tpu.memref_squeeze %dma_wait3A_626 : memref<1x!tpu.dma_semaphore, #tpu.memory_space<semaphore_mem>> -> memref<!tpu.dma_semaphore, #tpu.memory_space<semaphore_mem>>
    tpu.wait_indirect_dma semaphore(%dma_wait3A_627 : memref<!tpu.dma_semaphore, #tpu.memory_space<semaphore_mem>>) src(%dma_wait3A_625 : memref<100000x64xf32, #tpu.memory_space<hbm>>) dst(%dma_wait3A_619 : memref<80x64xf32, #tpu.memory_space<vmem>>)
    %mul3A_628 = arith.constant 1600 : i32
    %mul3A_629 = arith.muli %add3A, %mul3A_628 : i32
    %add3A_630 = arith.constant 1040 : i32
    %add3A_631 = arith.addi %mul3A_629, %add3A_630 : i32
    %dma_start3A_632 = arith.constant 1040 : i32
    %dma_start3A_633 = arith.constant 0 : i32
    %dma_start3A_634 = tpu.memref_slice %arg9[%dma_start3A_632, %dma_start3A_633] : memref<1600x64xf32, #tpu.memory_space<vmem>> -> memref<80x64xf32, #tpu.memory_space<vmem>>
    %dma_start3A_635 = arith.constant 0 : i32
    %dma_start3A_636 = tpu.memref_slice %arg6[%add3A_631, %dma_start3A_635] : memref<51200x64xf32, #tpu.memory_space<hbm>> -> memref<80x64xf32, #tpu.memory_space<hbm>>
    %dma_start3A_637 = arith.constant 0 : i32
    %dma_start3A_638 = tpu.memref_slice %arg6[%add3A_631, %dma_start3A_637] : memref<51200x64xf32, #tpu.memory_space<hbm>> -> memref<80x64xf32, #tpu.memory_space<hbm>>
    %dma_start3A_639 = arith.constant 1040 : i32
    %dma_start3A_640 = arith.constant 0 : i32
    %dma_start3A_641 = tpu.memref_slice %arg9[%dma_start3A_639, %dma_start3A_640] : memref<1600x64xf32, #tpu.memory_space<vmem>> -> memref<80x64xf32, #tpu.memory_space<vmem>>
    tpu.enqueue_dma source(%dma_start3A_641 : memref<80x64xf32, #tpu.memory_space<vmem>>) target(%dma_start3A_638 : memref<80x64xf32, #tpu.memory_space<hbm>>) target_semaphore(%arg13 : memref<!tpu.dma_semaphore, #tpu.memory_space<semaphore_mem>>)
    %dma_wait3A_642 = arith.constant 14 : i32
    %dma_wait3A_643 = arith.constant 14 : i32
    %dma_wait3A_644 = arith.constant 1120 : i32
    %dma_wait3A_645 = arith.constant 0 : i32
    %dma_wait3A_646 = tpu.memref_slice %arg9[%dma_wait3A_644, %dma_wait3A_645] : memref<1600x64xf32, #tpu.memory_space<vmem>> -> memref<80x64xf32, #tpu.memory_space<vmem>>
    %dma_wait3A_647 = arith.constant 0 : i32
    %dma_wait3A_648 = tpu.memref_slice %arg8[%dma_wait3A_642, %dma_wait3A_647] : memref<20x80xi32, #tpu.memory_space<vmem>> -> memref<1x80xi32, #tpu.memory_space<vmem>>
    %dma_wait3A_649 = tpu.memref_squeeze %dma_wait3A_648 : memref<1x80xi32, #tpu.memory_space<vmem>> -> memref<80xi32, #tpu.memory_space<vmem>>
    %dma_wait3A_650 = arith.constant 0 : i32
    %dma_wait3A_651 = arith.constant 0 : i32
    %dma_wait3A_652 = tpu.memref_slice %arg2[%dma_wait3A_650, %dma_wait3A_651] : memref<100000x64xf32, #tpu.memory_space<hbm>> -> memref<100000x64xf32, #tpu.memory_space<hbm>>
    %dma_wait3A_653 = tpu.memref_slice %arg12[%dma_wait3A_643] : memref<20x!tpu.dma_semaphore, #tpu.memory_space<semaphore_mem>> -> memref<1x!tpu.dma_semaphore, #tpu.memory_space<semaphore_mem>>
    %dma_wait3A_654 = tpu.memref_squeeze %dma_wait3A_653 : memref<1x!tpu.dma_semaphore, #tpu.memory_space<semaphore_mem>> -> memref<!tpu.dma_semaphore, #tpu.memory_space<semaphore_mem>>
    tpu.wait_indirect_dma semaphore(%dma_wait3A_654 : memref<!tpu.dma_semaphore, #tpu.memory_space<semaphore_mem>>) src(%dma_wait3A_652 : memref<100000x64xf32, #tpu.memory_space<hbm>>) dst(%dma_wait3A_646 : memref<80x64xf32, #tpu.memory_space<vmem>>)
    %mul3A_655 = arith.constant 1600 : i32
    %mul3A_656 = arith.muli %add3A, %mul3A_655 : i32
    %add3A_657 = arith.constant 1120 : i32
    %add3A_658 = arith.addi %mul3A_656, %add3A_657 : i32
    %dma_start3A_659 = arith.constant 1120 : i32
    %dma_start3A_660 = arith.constant 0 : i32
    %dma_start3A_661 = tpu.memref_slice %arg9[%dma_start3A_659, %dma_start3A_660] : memref<1600x64xf32, #tpu.memory_space<vmem>> -> memref<80x64xf32, #tpu.memory_space<vmem>>
    %dma_start3A_662 = arith.constant 0 : i32
    %dma_start3A_663 = tpu.memref_slice %arg6[%add3A_658, %dma_start3A_662] : memref<51200x64xf32, #tpu.memory_space<hbm>> -> memref<80x64xf32, #tpu.memory_space<hbm>>
    %dma_start3A_664 = arith.constant 0 : i32
    %dma_start3A_665 = tpu.memref_slice %arg6[%add3A_658, %dma_start3A_664] : memref<51200x64xf32, #tpu.memory_space<hbm>> -> memref<80x64xf32, #tpu.memory_space<hbm>>
    %dma_start3A_666 = arith.constant 1120 : i32
    %dma_start3A_667 = arith.constant 0 : i32
    %dma_start3A_668 = tpu.memref_slice %arg9[%dma_start3A_666, %dma_start3A_667] : memref<1600x64xf32, #tpu.memory_space<vmem>> -> memref<80x64xf32, #tpu.memory_space<vmem>>
    tpu.enqueue_dma source(%dma_start3A_668 : memref<80x64xf32, #tpu.memory_space<vmem>>) target(%dma_start3A_665 : memref<80x64xf32, #tpu.memory_space<hbm>>) target_semaphore(%arg13 : memref<!tpu.dma_semaphore, #tpu.memory_space<semaphore_mem>>)
    %dma_wait3A_669 = arith.constant 15 : i32
    %dma_wait3A_670 = arith.constant 15 : i32
    %dma_wait3A_671 = arith.constant 1200 : i32
    %dma_wait3A_672 = arith.constant 0 : i32
    %dma_wait3A_673 = tpu.memref_slice %arg9[%dma_wait3A_671, %dma_wait3A_672] : memref<1600x64xf32, #tpu.memory_space<vmem>> -> memref<80x64xf32, #tpu.memory_space<vmem>>
    %dma_wait3A_674 = arith.constant 0 : i32
    %dma_wait3A_675 = tpu.memref_slice %arg8[%dma_wait3A_669, %dma_wait3A_674] : memref<20x80xi32, #tpu.memory_space<vmem>> -> memref<1x80xi32, #tpu.memory_space<vmem>>
    %dma_wait3A_676 = tpu.memref_squeeze %dma_wait3A_675 : memref<1x80xi32, #tpu.memory_space<vmem>> -> memref<80xi32, #tpu.memory_space<vmem>>
    %dma_wait3A_677 = arith.constant 0 : i32
    %dma_wait3A_678 = arith.constant 0 : i32
    %dma_wait3A_679 = tpu.memref_slice %arg2[%dma_wait3A_677, %dma_wait3A_678] : memref<100000x64xf32, #tpu.memory_space<hbm>> -> memref<100000x64xf32, #tpu.memory_space<hbm>>
    %dma_wait3A_680 = tpu.memref_slice %arg12[%dma_wait3A_670] : memref<20x!tpu.dma_semaphore, #tpu.memory_space<semaphore_mem>> -> memref<1x!tpu.dma_semaphore, #tpu.memory_space<semaphore_mem>>
    %dma_wait3A_681 = tpu.memref_squeeze %dma_wait3A_680 : memref<1x!tpu.dma_semaphore, #tpu.memory_space<semaphore_mem>> -> memref<!tpu.dma_semaphore, #tpu.memory_space<semaphore_mem>>
    tpu.wait_indirect_dma semaphore(%dma_wait3A_681 : memref<!tpu.dma_semaphore, #tpu.memory_space<semaphore_mem>>) src(%dma_wait3A_679 : memref<100000x64xf32, #tpu.memory_space<hbm>>) dst(%dma_wait3A_673 : memref<80x64xf32, #tpu.memory_space<vmem>>)
    %mul3A_682 = arith.constant 1600 : i32
    %mul3A_683 = arith.muli %add3A, %mul3A_682 : i32
    %add3A_684 = arith.constant 1200 : i32
    %add3A_685 = arith.addi %mul3A_683, %add3A_684 : i32
    %dma_start3A_686 = arith.constant 1200 : i32
    %dma_start3A_687 = arith.constant 0 : i32
    %dma_start3A_688 = tpu.memref_slice %arg9[%dma_start3A_686, %dma_start3A_687] : memref<1600x64xf32, #tpu.memory_space<vmem>> -> memref<80x64xf32, #tpu.memory_space<vmem>>
    %dma_start3A_689 = arith.constant 0 : i32
    %dma_start3A_690 = tpu.memref_slice %arg6[%add3A_685, %dma_start3A_689] : memref<51200x64xf32, #tpu.memory_space<hbm>> -> memref<80x64xf32, #tpu.memory_space<hbm>>
    %dma_start3A_691 = arith.constant 0 : i32
    %dma_start3A_692 = tpu.memref_slice %arg6[%add3A_685, %dma_start3A_691] : memref<51200x64xf32, #tpu.memory_space<hbm>> -> memref<80x64xf32, #tpu.memory_space<hbm>>
    %dma_start3A_693 = arith.constant 1200 : i32
    %dma_start3A_694 = arith.constant 0 : i32
    %dma_start3A_695 = tpu.memref_slice %arg9[%dma_start3A_693, %dma_start3A_694] : memref<1600x64xf32, #tpu.memory_space<vmem>> -> memref<80x64xf32, #tpu.memory_space<vmem>>
    tpu.enqueue_dma source(%dma_start3A_695 : memref<80x64xf32, #tpu.memory_space<vmem>>) target(%dma_start3A_692 : memref<80x64xf32, #tpu.memory_space<hbm>>) target_semaphore(%arg13 : memref<!tpu.dma_semaphore, #tpu.memory_space<semaphore_mem>>)
    %dma_wait3A_696 = arith.constant 16 : i32
    %dma_wait3A_697 = arith.constant 16 : i32
    %dma_wait3A_698 = arith.constant 1280 : i32
    %dma_wait3A_699 = arith.constant 0 : i32
    %dma_wait3A_700 = tpu.memref_slice %arg9[%dma_wait3A_698, %dma_wait3A_699] : memref<1600x64xf32, #tpu.memory_space<vmem>> -> memref<80x64xf32, #tpu.memory_space<vmem>>
    %dma_wait3A_701 = arith.constant 0 : i32
    %dma_wait3A_702 = tpu.memref_slice %arg8[%dma_wait3A_696, %dma_wait3A_701] : memref<20x80xi32, #tpu.memory_space<vmem>> -> memref<1x80xi32, #tpu.memory_space<vmem>>
    %dma_wait3A_703 = tpu.memref_squeeze %dma_wait3A_702 : memref<1x80xi32, #tpu.memory_space<vmem>> -> memref<80xi32, #tpu.memory_space<vmem>>
    %dma_wait3A_704 = arith.constant 0 : i32
    %dma_wait3A_705 = arith.constant 0 : i32
    %dma_wait3A_706 = tpu.memref_slice %arg2[%dma_wait3A_704, %dma_wait3A_705] : memref<100000x64xf32, #tpu.memory_space<hbm>> -> memref<100000x64xf32, #tpu.memory_space<hbm>>
    %dma_wait3A_707 = tpu.memref_slice %arg12[%dma_wait3A_697] : memref<20x!tpu.dma_semaphore, #tpu.memory_space<semaphore_mem>> -> memref<1x!tpu.dma_semaphore, #tpu.memory_space<semaphore_mem>>
    %dma_wait3A_708 = tpu.memref_squeeze %dma_wait3A_707 : memref<1x!tpu.dma_semaphore, #tpu.memory_space<semaphore_mem>> -> memref<!tpu.dma_semaphore, #tpu.memory_space<semaphore_mem>>
    tpu.wait_indirect_dma semaphore(%dma_wait3A_708 : memref<!tpu.dma_semaphore, #tpu.memory_space<semaphore_mem>>) src(%dma_wait3A_706 : memref<100000x64xf32, #tpu.memory_space<hbm>>) dst(%dma_wait3A_700 : memref<80x64xf32, #tpu.memory_space<vmem>>)
    %mul3A_709 = arith.constant 1600 : i32
    %mul3A_710 = arith.muli %add3A, %mul3A_709 : i32
    %add3A_711 = arith.constant 1280 : i32
    %add3A_712 = arith.addi %mul3A_710, %add3A_711 : i32
    %dma_start3A_713 = arith.constant 1280 : i32
    %dma_start3A_714 = arith.constant 0 : i32
    %dma_start3A_715 = tpu.memref_slice %arg9[%dma_start3A_713, %dma_start3A_714] : memref<1600x64xf32, #tpu.memory_space<vmem>> -> memref<80x64xf32, #tpu.memory_space<vmem>>
    %dma_start3A_716 = arith.constant 0 : i32
    %dma_start3A_717 = tpu.memref_slice %arg6[%add3A_712, %dma_start3A_716] : memref<51200x64xf32, #tpu.memory_space<hbm>> -> memref<80x64xf32, #tpu.memory_space<hbm>>
    %dma_start3A_718 = arith.constant 0 : i32
    %dma_start3A_719 = tpu.memref_slice %arg6[%add3A_712, %dma_start3A_718] : memref<51200x64xf32, #tpu.memory_space<hbm>> -> memref<80x64xf32, #tpu.memory_space<hbm>>
    %dma_start3A_720 = arith.constant 1280 : i32
    %dma_start3A_721 = arith.constant 0 : i32
    %dma_start3A_722 = tpu.memref_slice %arg9[%dma_start3A_720, %dma_start3A_721] : memref<1600x64xf32, #tpu.memory_space<vmem>> -> memref<80x64xf32, #tpu.memory_space<vmem>>
    tpu.enqueue_dma source(%dma_start3A_722 : memref<80x64xf32, #tpu.memory_space<vmem>>) target(%dma_start3A_719 : memref<80x64xf32, #tpu.memory_space<hbm>>) target_semaphore(%arg13 : memref<!tpu.dma_semaphore, #tpu.memory_space<semaphore_mem>>)
    %dma_wait3A_723 = arith.constant 17 : i32
    %dma_wait3A_724 = arith.constant 17 : i32
    %dma_wait3A_725 = arith.constant 1360 : i32
    %dma_wait3A_726 = arith.constant 0 : i32
    %dma_wait3A_727 = tpu.memref_slice %arg9[%dma_wait3A_725, %dma_wait3A_726] : memref<1600x64xf32, #tpu.memory_space<vmem>> -> memref<80x64xf32, #tpu.memory_space<vmem>>
    %dma_wait3A_728 = arith.constant 0 : i32
    %dma_wait3A_729 = tpu.memref_slice %arg8[%dma_wait3A_723, %dma_wait3A_728] : memref<20x80xi32, #tpu.memory_space<vmem>> -> memref<1x80xi32, #tpu.memory_space<vmem>>
    %dma_wait3A_730 = tpu.memref_squeeze %dma_wait3A_729 : memref<1x80xi32, #tpu.memory_space<vmem>> -> memref<80xi32, #tpu.memory_space<vmem>>
    %dma_wait3A_731 = arith.constant 0 : i32
    %dma_wait3A_732 = arith.constant 0 : i32
    %dma_wait3A_733 = tpu.memref_slice %arg2[%dma_wait3A_731, %dma_wait3A_732] : memref<100000x64xf32, #tpu.memory_space<hbm>> -> memref<100000x64xf32, #tpu.memory_space<hbm>>
    %dma_wait3A_734 = tpu.memref_slice %arg12[%dma_wait3A_724] : memref<20x!tpu.dma_semaphore, #tpu.memory_space<semaphore_mem>> -> memref<1x!tpu.dma_semaphore, #tpu.memory_space<semaphore_mem>>
    %dma_wait3A_735 = tpu.memref_squeeze %dma_wait3A_734 : memref<1x!tpu.dma_semaphore, #tpu.memory_space<semaphore_mem>> -> memref<!tpu.dma_semaphore, #tpu.memory_space<semaphore_mem>>
    tpu.wait_indirect_dma semaphore(%dma_wait3A_735 : memref<!tpu.dma_semaphore, #tpu.memory_space<semaphore_mem>>) src(%dma_wait3A_733 : memref<100000x64xf32, #tpu.memory_space<hbm>>) dst(%dma_wait3A_727 : memref<80x64xf32, #tpu.memory_space<vmem>>)
    %mul3A_736 = arith.constant 1600 : i32
    %mul3A_737 = arith.muli %add3A, %mul3A_736 : i32
    %add3A_738 = arith.constant 1360 : i32
    %add3A_739 = arith.addi %mul3A_737, %add3A_738 : i32
    %dma_start3A_740 = arith.constant 1360 : i32
    %dma_start3A_741 = arith.constant 0 : i32
    %dma_start3A_742 = tpu.memref_slice %arg9[%dma_start3A_740, %dma_start3A_741] : memref<1600x64xf32, #tpu.memory_space<vmem>> -> memref<80x64xf32, #tpu.memory_space<vmem>>
    %dma_start3A_743 = arith.constant 0 : i32
    %dma_start3A_744 = tpu.memref_slice %arg6[%add3A_739, %dma_start3A_743] : memref<51200x64xf32, #tpu.memory_space<hbm>> -> memref<80x64xf32, #tpu.memory_space<hbm>>
    %dma_start3A_745 = arith.constant 0 : i32
    %dma_start3A_746 = tpu.memref_slice %arg6[%add3A_739, %dma_start3A_745] : memref<51200x64xf32, #tpu.memory_space<hbm>> -> memref<80x64xf32, #tpu.memory_space<hbm>>
    %dma_start3A_747 = arith.constant 1360 : i32
    %dma_start3A_748 = arith.constant 0 : i32
    %dma_start3A_749 = tpu.memref_slice %arg9[%dma_start3A_747, %dma_start3A_748] : memref<1600x64xf32, #tpu.memory_space<vmem>> -> memref<80x64xf32, #tpu.memory_space<vmem>>
    tpu.enqueue_dma source(%dma_start3A_749 : memref<80x64xf32, #tpu.memory_space<vmem>>) target(%dma_start3A_746 : memref<80x64xf32, #tpu.memory_space<hbm>>) target_semaphore(%arg13 : memref<!tpu.dma_semaphore, #tpu.memory_space<semaphore_mem>>)
    %dma_wait3A_750 = arith.constant 18 : i32
    %dma_wait3A_751 = arith.constant 18 : i32
    %dma_wait3A_752 = arith.constant 1440 : i32
    %dma_wait3A_753 = arith.constant 0 : i32
    %dma_wait3A_754 = tpu.memref_slice %arg9[%dma_wait3A_752, %dma_wait3A_753] : memref<1600x64xf32, #tpu.memory_space<vmem>> -> memref<80x64xf32, #tpu.memory_space<vmem>>
    %dma_wait3A_755 = arith.constant 0 : i32
    %dma_wait3A_756 = tpu.memref_slice %arg8[%dma_wait3A_750, %dma_wait3A_755] : memref<20x80xi32, #tpu.memory_space<vmem>> -> memref<1x80xi32, #tpu.memory_space<vmem>>
    %dma_wait3A_757 = tpu.memref_squeeze %dma_wait3A_756 : memref<1x80xi32, #tpu.memory_space<vmem>> -> memref<80xi32, #tpu.memory_space<vmem>>
    %dma_wait3A_758 = arith.constant 0 : i32
    %dma_wait3A_759 = arith.constant 0 : i32
    %dma_wait3A_760 = tpu.memref_slice %arg2[%dma_wait3A_758, %dma_wait3A_759] : memref<100000x64xf32, #tpu.memory_space<hbm>> -> memref<100000x64xf32, #tpu.memory_space<hbm>>
    %dma_wait3A_761 = tpu.memref_slice %arg12[%dma_wait3A_751] : memref<20x!tpu.dma_semaphore, #tpu.memory_space<semaphore_mem>> -> memref<1x!tpu.dma_semaphore, #tpu.memory_space<semaphore_mem>>
    %dma_wait3A_762 = tpu.memref_squeeze %dma_wait3A_761 : memref<1x!tpu.dma_semaphore, #tpu.memory_space<semaphore_mem>> -> memref<!tpu.dma_semaphore, #tpu.memory_space<semaphore_mem>>
    tpu.wait_indirect_dma semaphore(%dma_wait3A_762 : memref<!tpu.dma_semaphore, #tpu.memory_space<semaphore_mem>>) src(%dma_wait3A_760 : memref<100000x64xf32, #tpu.memory_space<hbm>>) dst(%dma_wait3A_754 : memref<80x64xf32, #tpu.memory_space<vmem>>)
    %mul3A_763 = arith.constant 1600 : i32
    %mul3A_764 = arith.muli %add3A, %mul3A_763 : i32
    %add3A_765 = arith.constant 1440 : i32
    %add3A_766 = arith.addi %mul3A_764, %add3A_765 : i32
    %dma_start3A_767 = arith.constant 1440 : i32
    %dma_start3A_768 = arith.constant 0 : i32
    %dma_start3A_769 = tpu.memref_slice %arg9[%dma_start3A_767, %dma_start3A_768] : memref<1600x64xf32, #tpu.memory_space<vmem>> -> memref<80x64xf32, #tpu.memory_space<vmem>>
    %dma_start3A_770 = arith.constant 0 : i32
    %dma_start3A_771 = tpu.memref_slice %arg6[%add3A_766, %dma_start3A_770] : memref<51200x64xf32, #tpu.memory_space<hbm>> -> memref<80x64xf32, #tpu.memory_space<hbm>>
    %dma_start3A_772 = arith.constant 0 : i32
    %dma_start3A_773 = tpu.memref_slice %arg6[%add3A_766, %dma_start3A_772] : memref<51200x64xf32, #tpu.memory_space<hbm>> -> memref<80x64xf32, #tpu.memory_space<hbm>>
    %dma_start3A_774 = arith.constant 1440 : i32
    %dma_start3A_775 = arith.constant 0 : i32
    %dma_start3A_776 = tpu.memref_slice %arg9[%dma_start3A_774, %dma_start3A_775] : memref<1600x64xf32, #tpu.memory_space<vmem>> -> memref<80x64xf32, #tpu.memory_space<vmem>>
    tpu.enqueue_dma source(%dma_start3A_776 : memref<80x64xf32, #tpu.memory_space<vmem>>) target(%dma_start3A_773 : memref<80x64xf32, #tpu.memory_space<hbm>>) target_semaphore(%arg13 : memref<!tpu.dma_semaphore, #tpu.memory_space<semaphore_mem>>)
    %dma_wait3A_777 = arith.constant 19 : i32
    %dma_wait3A_778 = arith.constant 19 : i32
    %dma_wait3A_779 = arith.constant 1520 : i32
    %dma_wait3A_780 = arith.constant 0 : i32
    %dma_wait3A_781 = tpu.memref_slice %arg9[%dma_wait3A_779, %dma_wait3A_780] : memref<1600x64xf32, #tpu.memory_space<vmem>> -> memref<80x64xf32, #tpu.memory_space<vmem>>
    %dma_wait3A_782 = arith.constant 0 : i32
    %dma_wait3A_783 = tpu.memref_slice %arg8[%dma_wait3A_777, %dma_wait3A_782] : memref<20x80xi32, #tpu.memory_space<vmem>> -> memref<1x80xi32, #tpu.memory_space<vmem>>
    %dma_wait3A_784 = tpu.memref_squeeze %dma_wait3A_783 : memref<1x80xi32, #tpu.memory_space<vmem>> -> memref<80xi32, #tpu.memory_space<vmem>>
    %dma_wait3A_785 = arith.constant 0 : i32
    %dma_wait3A_786 = arith.constant 0 : i32
    %dma_wait3A_787 = tpu.memref_slice %arg2[%dma_wait3A_785, %dma_wait3A_786] : memref<100000x64xf32, #tpu.memory_space<hbm>> -> memref<100000x64xf32, #tpu.memory_space<hbm>>
    %dma_wait3A_788 = tpu.memref_slice %arg12[%dma_wait3A_778] : memref<20x!tpu.dma_semaphore, #tpu.memory_space<semaphore_mem>> -> memref<1x!tpu.dma_semaphore, #tpu.memory_space<semaphore_mem>>
    %dma_wait3A_789 = tpu.memref_squeeze %dma_wait3A_788 : memref<1x!tpu.dma_semaphore, #tpu.memory_space<semaphore_mem>> -> memref<!tpu.dma_semaphore, #tpu.memory_space<semaphore_mem>>
    tpu.wait_indirect_dma semaphore(%dma_wait3A_789 : memref<!tpu.dma_semaphore, #tpu.memory_space<semaphore_mem>>) src(%dma_wait3A_787 : memref<100000x64xf32, #tpu.memory_space<hbm>>) dst(%dma_wait3A_781 : memref<80x64xf32, #tpu.memory_space<vmem>>)
    %mul3A_790 = arith.constant 1600 : i32
    %mul3A_791 = arith.muli %add3A, %mul3A_790 : i32
    %add3A_792 = arith.constant 1520 : i32
    %add3A_793 = arith.addi %mul3A_791, %add3A_792 : i32
    %dma_start3A_794 = arith.constant 1520 : i32
    %dma_start3A_795 = arith.constant 0 : i32
    %dma_start3A_796 = tpu.memref_slice %arg9[%dma_start3A_794, %dma_start3A_795] : memref<1600x64xf32, #tpu.memory_space<vmem>> -> memref<80x64xf32, #tpu.memory_space<vmem>>
    %dma_start3A_797 = arith.constant 0 : i32
    %dma_start3A_798 = tpu.memref_slice %arg6[%add3A_793, %dma_start3A_797] : memref<51200x64xf32, #tpu.memory_space<hbm>> -> memref<80x64xf32, #tpu.memory_space<hbm>>
    %dma_start3A_799 = arith.constant 0 : i32
    %dma_start3A_800 = tpu.memref_slice %arg6[%add3A_793, %dma_start3A_799] : memref<51200x64xf32, #tpu.memory_space<hbm>> -> memref<80x64xf32, #tpu.memory_space<hbm>>
    %dma_start3A_801 = arith.constant 1520 : i32
    %dma_start3A_802 = arith.constant 0 : i32
    %dma_start3A_803 = tpu.memref_slice %arg9[%dma_start3A_801, %dma_start3A_802] : memref<1600x64xf32, #tpu.memory_space<vmem>> -> memref<80x64xf32, #tpu.memory_space<vmem>>
    tpu.enqueue_dma source(%dma_start3A_803 : memref<80x64xf32, #tpu.memory_space<vmem>>) target(%dma_start3A_800 : memref<80x64xf32, #tpu.memory_space<hbm>>) target_semaphore(%arg13 : memref<!tpu.dma_semaphore, #tpu.memory_space<semaphore_mem>>)
    %dma_wait3A_804 = arith.constant 0 : i32
    %dma_wait3A_805 = arith.constant 0 : i32
    %dma_wait3A_806 = tpu.memref_slice %arg3[%dma_wait3A_804, %dma_wait3A_805] : memref<100000x64xf32, #tpu.memory_space<hbm>> -> memref<100000x64xf32, #tpu.memory_space<hbm>>
    tpu.wait_indirect_dma semaphore(%arg14 : memref<!tpu.dma_semaphore, #tpu.memory_space<semaphore_mem>>) src(%dma_wait3A_806 : memref<100000x64xf32, #tpu.memory_space<hbm>>) dst(%arg11 : memref<32x64xf32, #tpu.memory_space<vmem>>)
    %mul3A_807 = arith.constant 32 : i32
    %mul3A_808 = arith.muli %add3A, %mul3A_807 : i32
    "tpu.region"() ({
      %run_scoped3A = tpu.sem_alloc : memref<!tpu.dma_semaphore, #tpu.memory_space<semaphore_mem>>
      %dma_start3A_1009 = arith.constant 0 : i32
      %dma_start3A_1010 = tpu.memref_slice %arg7[%mul3A_808, %dma_start3A_1009] : memref<1024x64xf32, #tpu.memory_space<hbm>> -> memref<32x64xf32, #tpu.memory_space<hbm>>
      %dma_start3A_1011 = arith.constant 0 : i32
      %dma_start3A_1012 = tpu.memref_slice %arg7[%mul3A_808, %dma_start3A_1011] : memref<1024x64xf32, #tpu.memory_space<hbm>> -> memref<32x64xf32, #tpu.memory_space<hbm>>
      tpu.enqueue_dma source(%arg11 : memref<32x64xf32, #tpu.memory_space<vmem>>) target(%dma_start3A_1012 : memref<32x64xf32, #tpu.memory_space<hbm>>) target_semaphore(%run_scoped3A : memref<!tpu.dma_semaphore, #tpu.memory_space<semaphore_mem>>)
      %dma_wait3A_1013 = arith.constant 0 : i32
      %dma_wait3A_1014 = tpu.memref_slice %arg7[%mul3A_808, %dma_wait3A_1013] : memref<1024x64xf32, #tpu.memory_space<hbm>> -> memref<32x64xf32, #tpu.memory_space<hbm>>
      %dma_wait3A_1015 = arith.constant 0 : i32
      %dma_wait3A_1016 = tpu.memref_slice %arg7[%mul3A_808, %dma_wait3A_1015] : memref<1024x64xf32, #tpu.memory_space<hbm>> -> memref<32x64xf32, #tpu.memory_space<hbm>>
      tpu.wait_dma2 semaphore(%run_scoped3A : memref<!tpu.dma_semaphore, #tpu.memory_space<semaphore_mem>>) src(%arg11 : memref<32x64xf32, #tpu.memory_space<vmem>>) dst(%dma_wait3A_1016 : memref<32x64xf32, #tpu.memory_space<hbm>>)
      tpu.yield
    }) : () -> ()
    %dma_wait3A_809 = arith.constant 0 : i32
    %dma_wait3A_810 = arith.constant 0 : i32
    %dma_wait3A_811 = tpu.memref_slice %arg9[%dma_wait3A_809, %dma_wait3A_810] : memref<1600x64xf32, #tpu.memory_space<vmem>> -> memref<80x64xf32, #tpu.memory_space<vmem>>
    %dma_wait3A_812 = arith.constant 0 : i32
    %dma_wait3A_813 = tpu.memref_slice %arg6[%add3A_280, %dma_wait3A_812] : memref<51200x64xf32, #tpu.memory_space<hbm>> -> memref<80x64xf32, #tpu.memory_space<hbm>>
    %dma_wait3A_814 = arith.constant 0 : i32
    %dma_wait3A_815 = tpu.memref_slice %arg6[%add3A_280, %dma_wait3A_814] : memref<51200x64xf32, #tpu.memory_space<hbm>> -> memref<80x64xf32, #tpu.memory_space<hbm>>
    %dma_wait3A_816 = arith.constant 0 : i32
    %dma_wait3A_817 = arith.constant 0 : i32
    %dma_wait3A_818 = tpu.memref_slice %arg9[%dma_wait3A_816, %dma_wait3A_817] : memref<1600x64xf32, #tpu.memory_space<vmem>> -> memref<80x64xf32, #tpu.memory_space<vmem>>
    tpu.wait_dma2 semaphore(%arg13 : memref<!tpu.dma_semaphore, #tpu.memory_space<semaphore_mem>>) src(%dma_wait3A_818 : memref<80x64xf32, #tpu.memory_space<vmem>>) dst(%dma_wait3A_815 : memref<80x64xf32, #tpu.memory_space<hbm>>)
    %dma_wait3A_819 = arith.constant 80 : i32
    %dma_wait3A_820 = arith.constant 0 : i32
    %dma_wait3A_821 = tpu.memref_slice %arg9[%dma_wait3A_819, %dma_wait3A_820] : memref<1600x64xf32, #tpu.memory_space<vmem>> -> memref<80x64xf32, #tpu.memory_space<vmem>>
    %dma_wait3A_822 = arith.constant 0 : i32
    %dma_wait3A_823 = tpu.memref_slice %arg6[%add3A_307, %dma_wait3A_822] : memref<51200x64xf32, #tpu.memory_space<hbm>> -> memref<80x64xf32, #tpu.memory_space<hbm>>
    %dma_wait3A_824 = arith.constant 0 : i32
    %dma_wait3A_825 = tpu.memref_slice %arg6[%add3A_307, %dma_wait3A_824] : memref<51200x64xf32, #tpu.memory_space<hbm>> -> memref<80x64xf32, #tpu.memory_space<hbm>>
    %dma_wait3A_826 = arith.constant 80 : i32
    %dma_wait3A_827 = arith.constant 0 : i32
    %dma_wait3A_828 = tpu.memref_slice %arg9[%dma_wait3A_826, %dma_wait3A_827] : memref<1600x64xf32, #tpu.memory_space<vmem>> -> memref<80x64xf32, #tpu.memory_space<vmem>>
    tpu.wait_dma2 semaphore(%arg13 : memref<!tpu.dma_semaphore, #tpu.memory_space<semaphore_mem>>) src(%dma_wait3A_828 : memref<80x64xf32, #tpu.memory_space<vmem>>) dst(%dma_wait3A_825 : memref<80x64xf32, #tpu.memory_space<hbm>>)
    %dma_wait3A_829 = arith.constant 160 : i32
    %dma_wait3A_830 = arith.constant 0 : i32
    %dma_wait3A_831 = tpu.memref_slice %arg9[%dma_wait3A_829, %dma_wait3A_830] : memref<1600x64xf32, #tpu.memory_space<vmem>> -> memref<80x64xf32, #tpu.memory_space<vmem>>
    %dma_wait3A_832 = arith.constant 0 : i32
    %dma_wait3A_833 = tpu.memref_slice %arg6[%add3A_334, %dma_wait3A_832] : memref<51200x64xf32, #tpu.memory_space<hbm>> -> memref<80x64xf32, #tpu.memory_space<hbm>>
    %dma_wait3A_834 = arith.constant 0 : i32
    %dma_wait3A_835 = tpu.memref_slice %arg6[%add3A_334, %dma_wait3A_834] : memref<51200x64xf32, #tpu.memory_space<hbm>> -> memref<80x64xf32, #tpu.memory_space<hbm>>
    %dma_wait3A_836 = arith.constant 160 : i32
    %dma_wait3A_837 = arith.constant 0 : i32
    %dma_wait3A_838 = tpu.memref_slice %arg9[%dma_wait3A_836, %dma_wait3A_837] : memref<1600x64xf32, #tpu.memory_space<vmem>> -> memref<80x64xf32, #tpu.memory_space<vmem>>
    tpu.wait_dma2 semaphore(%arg13 : memref<!tpu.dma_semaphore, #tpu.memory_space<semaphore_mem>>) src(%dma_wait3A_838 : memref<80x64xf32, #tpu.memory_space<vmem>>) dst(%dma_wait3A_835 : memref<80x64xf32, #tpu.memory_space<hbm>>)
    %dma_wait3A_839 = arith.constant 240 : i32
    %dma_wait3A_840 = arith.constant 0 : i32
    %dma_wait3A_841 = tpu.memref_slice %arg9[%dma_wait3A_839, %dma_wait3A_840] : memref<1600x64xf32, #tpu.memory_space<vmem>> -> memref<80x64xf32, #tpu.memory_space<vmem>>
    %dma_wait3A_842 = arith.constant 0 : i32
    %dma_wait3A_843 = tpu.memref_slice %arg6[%add3A_361, %dma_wait3A_842] : memref<51200x64xf32, #tpu.memory_space<hbm>> -> memref<80x64xf32, #tpu.memory_space<hbm>>
    %dma_wait3A_844 = arith.constant 0 : i32
    %dma_wait3A_845 = tpu.memref_slice %arg6[%add3A_361, %dma_wait3A_844] : memref<51200x64xf32, #tpu.memory_space<hbm>> -> memref<80x64xf32, #tpu.memory_space<hbm>>
    %dma_wait3A_846 = arith.constant 240 : i32
    %dma_wait3A_847 = arith.constant 0 : i32
    %dma_wait3A_848 = tpu.memref_slice %arg9[%dma_wait3A_846, %dma_wait3A_847] : memref<1600x64xf32, #tpu.memory_space<vmem>> -> memref<80x64xf32, #tpu.memory_space<vmem>>
    tpu.wait_dma2 semaphore(%arg13 : memref<!tpu.dma_semaphore, #tpu.memory_space<semaphore_mem>>) src(%dma_wait3A_848 : memref<80x64xf32, #tpu.memory_space<vmem>>) dst(%dma_wait3A_845 : memref<80x64xf32, #tpu.memory_space<hbm>>)
    %dma_wait3A_849 = arith.constant 320 : i32
    %dma_wait3A_850 = arith.constant 0 : i32
    %dma_wait3A_851 = tpu.memref_slice %arg9[%dma_wait3A_849, %dma_wait3A_850] : memref<1600x64xf32, #tpu.memory_space<vmem>> -> memref<80x64xf32, #tpu.memory_space<vmem>>
    %dma_wait3A_852 = arith.constant 0 : i32
    %dma_wait3A_853 = tpu.memref_slice %arg6[%add3A_388, %dma_wait3A_852] : memref<51200x64xf32, #tpu.memory_space<hbm>> -> memref<80x64xf32, #tpu.memory_space<hbm>>
    %dma_wait3A_854 = arith.constant 0 : i32
    %dma_wait3A_855 = tpu.memref_slice %arg6[%add3A_388, %dma_wait3A_854] : memref<51200x64xf32, #tpu.memory_space<hbm>> -> memref<80x64xf32, #tpu.memory_space<hbm>>
    %dma_wait3A_856 = arith.constant 320 : i32
    %dma_wait3A_857 = arith.constant 0 : i32
    %dma_wait3A_858 = tpu.memref_slice %arg9[%dma_wait3A_856, %dma_wait3A_857] : memref<1600x64xf32, #tpu.memory_space<vmem>> -> memref<80x64xf32, #tpu.memory_space<vmem>>
    tpu.wait_dma2 semaphore(%arg13 : memref<!tpu.dma_semaphore, #tpu.memory_space<semaphore_mem>>) src(%dma_wait3A_858 : memref<80x64xf32, #tpu.memory_space<vmem>>) dst(%dma_wait3A_855 : memref<80x64xf32, #tpu.memory_space<hbm>>)
    %dma_wait3A_859 = arith.constant 400 : i32
    %dma_wait3A_860 = arith.constant 0 : i32
    %dma_wait3A_861 = tpu.memref_slice %arg9[%dma_wait3A_859, %dma_wait3A_860] : memref<1600x64xf32, #tpu.memory_space<vmem>> -> memref<80x64xf32, #tpu.memory_space<vmem>>
    %dma_wait3A_862 = arith.constant 0 : i32
    %dma_wait3A_863 = tpu.memref_slice %arg6[%add3A_415, %dma_wait3A_862] : memref<51200x64xf32, #tpu.memory_space<hbm>> -> memref<80x64xf32, #tpu.memory_space<hbm>>
    %dma_wait3A_864 = arith.constant 0 : i32
    %dma_wait3A_865 = tpu.memref_slice %arg6[%add3A_415, %dma_wait3A_864] : memref<51200x64xf32, #tpu.memory_space<hbm>> -> memref<80x64xf32, #tpu.memory_space<hbm>>
    %dma_wait3A_866 = arith.constant 400 : i32
    %dma_wait3A_867 = arith.constant 0 : i32
    %dma_wait3A_868 = tpu.memref_slice %arg9[%dma_wait3A_866, %dma_wait3A_867] : memref<1600x64xf32, #tpu.memory_space<vmem>> -> memref<80x64xf32, #tpu.memory_space<vmem>>
    tpu.wait_dma2 semaphore(%arg13 : memref<!tpu.dma_semaphore, #tpu.memory_space<semaphore_mem>>) src(%dma_wait3A_868 : memref<80x64xf32, #tpu.memory_space<vmem>>) dst(%dma_wait3A_865 : memref<80x64xf32, #tpu.memory_space<hbm>>)
    %dma_wait3A_869 = arith.constant 480 : i32
    %dma_wait3A_870 = arith.constant 0 : i32
    %dma_wait3A_871 = tpu.memref_slice %arg9[%dma_wait3A_869, %dma_wait3A_870] : memref<1600x64xf32, #tpu.memory_space<vmem>> -> memref<80x64xf32, #tpu.memory_space<vmem>>
    %dma_wait3A_872 = arith.constant 0 : i32
    %dma_wait3A_873 = tpu.memref_slice %arg6[%add3A_442, %dma_wait3A_872] : memref<51200x64xf32, #tpu.memory_space<hbm>> -> memref<80x64xf32, #tpu.memory_space<hbm>>
    %dma_wait3A_874 = arith.constant 0 : i32
    %dma_wait3A_875 = tpu.memref_slice %arg6[%add3A_442, %dma_wait3A_874] : memref<51200x64xf32, #tpu.memory_space<hbm>> -> memref<80x64xf32, #tpu.memory_space<hbm>>
    %dma_wait3A_876 = arith.constant 480 : i32
    %dma_wait3A_877 = arith.constant 0 : i32
    %dma_wait3A_878 = tpu.memref_slice %arg9[%dma_wait3A_876, %dma_wait3A_877] : memref<1600x64xf32, #tpu.memory_space<vmem>> -> memref<80x64xf32, #tpu.memory_space<vmem>>
    tpu.wait_dma2 semaphore(%arg13 : memref<!tpu.dma_semaphore, #tpu.memory_space<semaphore_mem>>) src(%dma_wait3A_878 : memref<80x64xf32, #tpu.memory_space<vmem>>) dst(%dma_wait3A_875 : memref<80x64xf32, #tpu.memory_space<hbm>>)
    %dma_wait3A_879 = arith.constant 560 : i32
    %dma_wait3A_880 = arith.constant 0 : i32
    %dma_wait3A_881 = tpu.memref_slice %arg9[%dma_wait3A_879, %dma_wait3A_880] : memref<1600x64xf32, #tpu.memory_space<vmem>> -> memref<80x64xf32, #tpu.memory_space<vmem>>
    %dma_wait3A_882 = arith.constant 0 : i32
    %dma_wait3A_883 = tpu.memref_slice %arg6[%add3A_469, %dma_wait3A_882] : memref<51200x64xf32, #tpu.memory_space<hbm>> -> memref<80x64xf32, #tpu.memory_space<hbm>>
    %dma_wait3A_884 = arith.constant 0 : i32
    %dma_wait3A_885 = tpu.memref_slice %arg6[%add3A_469, %dma_wait3A_884] : memref<51200x64xf32, #tpu.memory_space<hbm>> -> memref<80x64xf32, #tpu.memory_space<hbm>>
    %dma_wait3A_886 = arith.constant 560 : i32
    %dma_wait3A_887 = arith.constant 0 : i32
    %dma_wait3A_888 = tpu.memref_slice %arg9[%dma_wait3A_886, %dma_wait3A_887] : memref<1600x64xf32, #tpu.memory_space<vmem>> -> memref<80x64xf32, #tpu.memory_space<vmem>>
    tpu.wait_dma2 semaphore(%arg13 : memref<!tpu.dma_semaphore, #tpu.memory_space<semaphore_mem>>) src(%dma_wait3A_888 : memref<80x64xf32, #tpu.memory_space<vmem>>) dst(%dma_wait3A_885 : memref<80x64xf32, #tpu.memory_space<hbm>>)
    %dma_wait3A_889 = arith.constant 640 : i32
    %dma_wait3A_890 = arith.constant 0 : i32
    %dma_wait3A_891 = tpu.memref_slice %arg9[%dma_wait3A_889, %dma_wait3A_890] : memref<1600x64xf32, #tpu.memory_space<vmem>> -> memref<80x64xf32, #tpu.memory_space<vmem>>
    %dma_wait3A_892 = arith.constant 0 : i32
    %dma_wait3A_893 = tpu.memref_slice %arg6[%add3A_496, %dma_wait3A_892] : memref<51200x64xf32, #tpu.memory_space<hbm>> -> memref<80x64xf32, #tpu.memory_space<hbm>>
    %dma_wait3A_894 = arith.constant 0 : i32
    %dma_wait3A_895 = tpu.memref_slice %arg6[%add3A_496, %dma_wait3A_894] : memref<51200x64xf32, #tpu.memory_space<hbm>> -> memref<80x64xf32, #tpu.memory_space<hbm>>
    %dma_wait3A_896 = arith.constant 640 : i32
    %dma_wait3A_897 = arith.constant 0 : i32
    %dma_wait3A_898 = tpu.memref_slice %arg9[%dma_wait3A_896, %dma_wait3A_897] : memref<1600x64xf32, #tpu.memory_space<vmem>> -> memref<80x64xf32, #tpu.memory_space<vmem>>
    tpu.wait_dma2 semaphore(%arg13 : memref<!tpu.dma_semaphore, #tpu.memory_space<semaphore_mem>>) src(%dma_wait3A_898 : memref<80x64xf32, #tpu.memory_space<vmem>>) dst(%dma_wait3A_895 : memref<80x64xf32, #tpu.memory_space<hbm>>)
    %dma_wait3A_899 = arith.constant 720 : i32
    %dma_wait3A_900 = arith.constant 0 : i32
    %dma_wait3A_901 = tpu.memref_slice %arg9[%dma_wait3A_899, %dma_wait3A_900] : memref<1600x64xf32, #tpu.memory_space<vmem>> -> memref<80x64xf32, #tpu.memory_space<vmem>>
    %dma_wait3A_902 = arith.constant 0 : i32
    %dma_wait3A_903 = tpu.memref_slice %arg6[%add3A_523, %dma_wait3A_902] : memref<51200x64xf32, #tpu.memory_space<hbm>> -> memref<80x64xf32, #tpu.memory_space<hbm>>
    %dma_wait3A_904 = arith.constant 0 : i32
    %dma_wait3A_905 = tpu.memref_slice %arg6[%add3A_523, %dma_wait3A_904] : memref<51200x64xf32, #tpu.memory_space<hbm>> -> memref<80x64xf32, #tpu.memory_space<hbm>>
    %dma_wait3A_906 = arith.constant 720 : i32
    %dma_wait3A_907 = arith.constant 0 : i32
    %dma_wait3A_908 = tpu.memref_slice %arg9[%dma_wait3A_906, %dma_wait3A_907] : memref<1600x64xf32, #tpu.memory_space<vmem>> -> memref<80x64xf32, #tpu.memory_space<vmem>>
    tpu.wait_dma2 semaphore(%arg13 : memref<!tpu.dma_semaphore, #tpu.memory_space<semaphore_mem>>) src(%dma_wait3A_908 : memref<80x64xf32, #tpu.memory_space<vmem>>) dst(%dma_wait3A_905 : memref<80x64xf32, #tpu.memory_space<hbm>>)
    %dma_wait3A_909 = arith.constant 800 : i32
    %dma_wait3A_910 = arith.constant 0 : i32
    %dma_wait3A_911 = tpu.memref_slice %arg9[%dma_wait3A_909, %dma_wait3A_910] : memref<1600x64xf32, #tpu.memory_space<vmem>> -> memref<80x64xf32, #tpu.memory_space<vmem>>
    %dma_wait3A_912 = arith.constant 0 : i32
    %dma_wait3A_913 = tpu.memref_slice %arg6[%add3A_550, %dma_wait3A_912] : memref<51200x64xf32, #tpu.memory_space<hbm>> -> memref<80x64xf32, #tpu.memory_space<hbm>>
    %dma_wait3A_914 = arith.constant 0 : i32
    %dma_wait3A_915 = tpu.memref_slice %arg6[%add3A_550, %dma_wait3A_914] : memref<51200x64xf32, #tpu.memory_space<hbm>> -> memref<80x64xf32, #tpu.memory_space<hbm>>
    %dma_wait3A_916 = arith.constant 800 : i32
    %dma_wait3A_917 = arith.constant 0 : i32
    %dma_wait3A_918 = tpu.memref_slice %arg9[%dma_wait3A_916, %dma_wait3A_917] : memref<1600x64xf32, #tpu.memory_space<vmem>> -> memref<80x64xf32, #tpu.memory_space<vmem>>
    tpu.wait_dma2 semaphore(%arg13 : memref<!tpu.dma_semaphore, #tpu.memory_space<semaphore_mem>>) src(%dma_wait3A_918 : memref<80x64xf32, #tpu.memory_space<vmem>>) dst(%dma_wait3A_915 : memref<80x64xf32, #tpu.memory_space<hbm>>)
    %dma_wait3A_919 = arith.constant 880 : i32
    %dma_wait3A_920 = arith.constant 0 : i32
    %dma_wait3A_921 = tpu.memref_slice %arg9[%dma_wait3A_919, %dma_wait3A_920] : memref<1600x64xf32, #tpu.memory_space<vmem>> -> memref<80x64xf32, #tpu.memory_space<vmem>>
    %dma_wait3A_922 = arith.constant 0 : i32
    %dma_wait3A_923 = tpu.memref_slice %arg6[%add3A_577, %dma_wait3A_922] : memref<51200x64xf32, #tpu.memory_space<hbm>> -> memref<80x64xf32, #tpu.memory_space<hbm>>
    %dma_wait3A_924 = arith.constant 0 : i32
    %dma_wait3A_925 = tpu.memref_slice %arg6[%add3A_577, %dma_wait3A_924] : memref<51200x64xf32, #tpu.memory_space<hbm>> -> memref<80x64xf32, #tpu.memory_space<hbm>>
    %dma_wait3A_926 = arith.constant 880 : i32
    %dma_wait3A_927 = arith.constant 0 : i32
    %dma_wait3A_928 = tpu.memref_slice %arg9[%dma_wait3A_926, %dma_wait3A_927] : memref<1600x64xf32, #tpu.memory_space<vmem>> -> memref<80x64xf32, #tpu.memory_space<vmem>>
    tpu.wait_dma2 semaphore(%arg13 : memref<!tpu.dma_semaphore, #tpu.memory_space<semaphore_mem>>) src(%dma_wait3A_928 : memref<80x64xf32, #tpu.memory_space<vmem>>) dst(%dma_wait3A_925 : memref<80x64xf32, #tpu.memory_space<hbm>>)
    %dma_wait3A_929 = arith.constant 960 : i32
    %dma_wait3A_930 = arith.constant 0 : i32
    %dma_wait3A_931 = tpu.memref_slice %arg9[%dma_wait3A_929, %dma_wait3A_930] : memref<1600x64xf32, #tpu.memory_space<vmem>> -> memref<80x64xf32, #tpu.memory_space<vmem>>
    %dma_wait3A_932 = arith.constant 0 : i32
    %dma_wait3A_933 = tpu.memref_slice %arg6[%add3A_604, %dma_wait3A_932] : memref<51200x64xf32, #tpu.memory_space<hbm>> -> memref<80x64xf32, #tpu.memory_space<hbm>>
    %dma_wait3A_934 = arith.constant 0 : i32
    %dma_wait3A_935 = tpu.memref_slice %arg6[%add3A_604, %dma_wait3A_934] : memref<51200x64xf32, #tpu.memory_space<hbm>> -> memref<80x64xf32, #tpu.memory_space<hbm>>
    %dma_wait3A_936 = arith.constant 960 : i32
    %dma_wait3A_937 = arith.constant 0 : i32
    %dma_wait3A_938 = tpu.memref_slice %arg9[%dma_wait3A_936, %dma_wait3A_937] : memref<1600x64xf32, #tpu.memory_space<vmem>> -> memref<80x64xf32, #tpu.memory_space<vmem>>
    tpu.wait_dma2 semaphore(%arg13 : memref<!tpu.dma_semaphore, #tpu.memory_space<semaphore_mem>>) src(%dma_wait3A_938 : memref<80x64xf32, #tpu.memory_space<vmem>>) dst(%dma_wait3A_935 : memref<80x64xf32, #tpu.memory_space<hbm>>)
    %dma_wait3A_939 = arith.constant 1040 : i32
    %dma_wait3A_940 = arith.constant 0 : i32
    %dma_wait3A_941 = tpu.memref_slice %arg9[%dma_wait3A_939, %dma_wait3A_940] : memref<1600x64xf32, #tpu.memory_space<vmem>> -> memref<80x64xf32, #tpu.memory_space<vmem>>
    %dma_wait3A_942 = arith.constant 0 : i32
    %dma_wait3A_943 = tpu.memref_slice %arg6[%add3A_631, %dma_wait3A_942] : memref<51200x64xf32, #tpu.memory_space<hbm>> -> memref<80x64xf32, #tpu.memory_space<hbm>>
    %dma_wait3A_944 = arith.constant 0 : i32
    %dma_wait3A_945 = tpu.memref_slice %arg6[%add3A_631, %dma_wait3A_944] : memref<51200x64xf32, #tpu.memory_space<hbm>> -> memref<80x64xf32, #tpu.memory_space<hbm>>
    %dma_wait3A_946 = arith.constant 1040 : i32
    %dma_wait3A_947 = arith.constant 0 : i32
    %dma_wait3A_948 = tpu.memref_slice %arg9[%dma_wait3A_946, %dma_wait3A_947] : memref<1600x64xf32, #tpu.memory_space<vmem>> -> memref<80x64xf32, #tpu.memory_space<vmem>>
    tpu.wait_dma2 semaphore(%arg13 : memref<!tpu.dma_semaphore, #tpu.memory_space<semaphore_mem>>) src(%dma_wait3A_948 : memref<80x64xf32, #tpu.memory_space<vmem>>) dst(%dma_wait3A_945 : memref<80x64xf32, #tpu.memory_space<hbm>>)
    %dma_wait3A_949 = arith.constant 1120 : i32
    %dma_wait3A_950 = arith.constant 0 : i32
    %dma_wait3A_951 = tpu.memref_slice %arg9[%dma_wait3A_949, %dma_wait3A_950] : memref<1600x64xf32, #tpu.memory_space<vmem>> -> memref<80x64xf32, #tpu.memory_space<vmem>>
    %dma_wait3A_952 = arith.constant 0 : i32
    %dma_wait3A_953 = tpu.memref_slice %arg6[%add3A_658, %dma_wait3A_952] : memref<51200x64xf32, #tpu.memory_space<hbm>> -> memref<80x64xf32, #tpu.memory_space<hbm>>
    %dma_wait3A_954 = arith.constant 0 : i32
    %dma_wait3A_955 = tpu.memref_slice %arg6[%add3A_658, %dma_wait3A_954] : memref<51200x64xf32, #tpu.memory_space<hbm>> -> memref<80x64xf32, #tpu.memory_space<hbm>>
    %dma_wait3A_956 = arith.constant 1120 : i32
    %dma_wait3A_957 = arith.constant 0 : i32
    %dma_wait3A_958 = tpu.memref_slice %arg9[%dma_wait3A_956, %dma_wait3A_957] : memref<1600x64xf32, #tpu.memory_space<vmem>> -> memref<80x64xf32, #tpu.memory_space<vmem>>
    tpu.wait_dma2 semaphore(%arg13 : memref<!tpu.dma_semaphore, #tpu.memory_space<semaphore_mem>>) src(%dma_wait3A_958 : memref<80x64xf32, #tpu.memory_space<vmem>>) dst(%dma_wait3A_955 : memref<80x64xf32, #tpu.memory_space<hbm>>)
    %dma_wait3A_959 = arith.constant 1200 : i32
    %dma_wait3A_960 = arith.constant 0 : i32
    %dma_wait3A_961 = tpu.memref_slice %arg9[%dma_wait3A_959, %dma_wait3A_960] : memref<1600x64xf32, #tpu.memory_space<vmem>> -> memref<80x64xf32, #tpu.memory_space<vmem>>
    %dma_wait3A_962 = arith.constant 0 : i32
    %dma_wait3A_963 = tpu.memref_slice %arg6[%add3A_685, %dma_wait3A_962] : memref<51200x64xf32, #tpu.memory_space<hbm>> -> memref<80x64xf32, #tpu.memory_space<hbm>>
    %dma_wait3A_964 = arith.constant 0 : i32
    %dma_wait3A_965 = tpu.memref_slice %arg6[%add3A_685, %dma_wait3A_964] : memref<51200x64xf32, #tpu.memory_space<hbm>> -> memref<80x64xf32, #tpu.memory_space<hbm>>
    %dma_wait3A_966 = arith.constant 1200 : i32
    %dma_wait3A_967 = arith.constant 0 : i32
    %dma_wait3A_968 = tpu.memref_slice %arg9[%dma_wait3A_966, %dma_wait3A_967] : memref<1600x64xf32, #tpu.memory_space<vmem>> -> memref<80x64xf32, #tpu.memory_space<vmem>>
    tpu.wait_dma2 semaphore(%arg13 : memref<!tpu.dma_semaphore, #tpu.memory_space<semaphore_mem>>) src(%dma_wait3A_968 : memref<80x64xf32, #tpu.memory_space<vmem>>) dst(%dma_wait3A_965 : memref<80x64xf32, #tpu.memory_space<hbm>>)
    %dma_wait3A_969 = arith.constant 1280 : i32
    %dma_wait3A_970 = arith.constant 0 : i32
    %dma_wait3A_971 = tpu.memref_slice %arg9[%dma_wait3A_969, %dma_wait3A_970] : memref<1600x64xf32, #tpu.memory_space<vmem>> -> memref<80x64xf32, #tpu.memory_space<vmem>>
    %dma_wait3A_972 = arith.constant 0 : i32
    %dma_wait3A_973 = tpu.memref_slice %arg6[%add3A_712, %dma_wait3A_972] : memref<51200x64xf32, #tpu.memory_space<hbm>> -> memref<80x64xf32, #tpu.memory_space<hbm>>
    %dma_wait3A_974 = arith.constant 0 : i32
    %dma_wait3A_975 = tpu.memref_slice %arg6[%add3A_712, %dma_wait3A_974] : memref<51200x64xf32, #tpu.memory_space<hbm>> -> memref<80x64xf32, #tpu.memory_space<hbm>>
    %dma_wait3A_976 = arith.constant 1280 : i32
    %dma_wait3A_977 = arith.constant 0 : i32
    %dma_wait3A_978 = tpu.memref_slice %arg9[%dma_wait3A_976, %dma_wait3A_977] : memref<1600x64xf32, #tpu.memory_space<vmem>> -> memref<80x64xf32, #tpu.memory_space<vmem>>
    tpu.wait_dma2 semaphore(%arg13 : memref<!tpu.dma_semaphore, #tpu.memory_space<semaphore_mem>>) src(%dma_wait3A_978 : memref<80x64xf32, #tpu.memory_space<vmem>>) dst(%dma_wait3A_975 : memref<80x64xf32, #tpu.memory_space<hbm>>)
    %dma_wait3A_979 = arith.constant 1360 : i32
    %dma_wait3A_980 = arith.constant 0 : i32
    %dma_wait3A_981 = tpu.memref_slice %arg9[%dma_wait3A_979, %dma_wait3A_980] : memref<1600x64xf32, #tpu.memory_space<vmem>> -> memref<80x64xf32, #tpu.memory_space<vmem>>
    %dma_wait3A_982 = arith.constant 0 : i32
    %dma_wait3A_983 = tpu.memref_slice %arg6[%add3A_739, %dma_wait3A_982] : memref<51200x64xf32, #tpu.memory_space<hbm>> -> memref<80x64xf32, #tpu.memory_space<hbm>>
    %dma_wait3A_984 = arith.constant 0 : i32
    %dma_wait3A_985 = tpu.memref_slice %arg6[%add3A_739, %dma_wait3A_984] : memref<51200x64xf32, #tpu.memory_space<hbm>> -> memref<80x64xf32, #tpu.memory_space<hbm>>
    %dma_wait3A_986 = arith.constant 1360 : i32
    %dma_wait3A_987 = arith.constant 0 : i32
    %dma_wait3A_988 = tpu.memref_slice %arg9[%dma_wait3A_986, %dma_wait3A_987] : memref<1600x64xf32, #tpu.memory_space<vmem>> -> memref<80x64xf32, #tpu.memory_space<vmem>>
    tpu.wait_dma2 semaphore(%arg13 : memref<!tpu.dma_semaphore, #tpu.memory_space<semaphore_mem>>) src(%dma_wait3A_988 : memref<80x64xf32, #tpu.memory_space<vmem>>) dst(%dma_wait3A_985 : memref<80x64xf32, #tpu.memory_space<hbm>>)
    %dma_wait3A_989 = arith.constant 1440 : i32
    %dma_wait3A_990 = arith.constant 0 : i32
    %dma_wait3A_991 = tpu.memref_slice %arg9[%dma_wait3A_989, %dma_wait3A_990] : memref<1600x64xf32, #tpu.memory_space<vmem>> -> memref<80x64xf32, #tpu.memory_space<vmem>>
    %dma_wait3A_992 = arith.constant 0 : i32
    %dma_wait3A_993 = tpu.memref_slice %arg6[%add3A_766, %dma_wait3A_992] : memref<51200x64xf32, #tpu.memory_space<hbm>> -> memref<80x64xf32, #tpu.memory_space<hbm>>
    %dma_wait3A_994 = arith.constant 0 : i32
    %dma_wait3A_995 = tpu.memref_slice %arg6[%add3A_766, %dma_wait3A_994] : memref<51200x64xf32, #tpu.memory_space<hbm>> -> memref<80x64xf32, #tpu.memory_space<hbm>>
    %dma_wait3A_996 = arith.constant 1440 : i32
    %dma_wait3A_997 = arith.constant 0 : i32
    %dma_wait3A_998 = tpu.memref_slice %arg9[%dma_wait3A_996, %dma_wait3A_997] : memref<1600x64xf32, #tpu.memory_space<vmem>> -> memref<80x64xf32, #tpu.memory_space<vmem>>
    tpu.wait_dma2 semaphore(%arg13 : memref<!tpu.dma_semaphore, #tpu.memory_space<semaphore_mem>>) src(%dma_wait3A_998 : memref<80x64xf32, #tpu.memory_space<vmem>>) dst(%dma_wait3A_995 : memref<80x64xf32, #tpu.memory_space<hbm>>)
    %dma_wait3A_999 = arith.constant 1520 : i32
    %dma_wait3A_1000 = arith.constant 0 : i32
    %dma_wait3A_1001 = tpu.memref_slice %arg9[%dma_wait3A_999, %dma_wait3A_1000] : memref<1600x64xf32, #tpu.memory_space<vmem>> -> memref<80x64xf32, #tpu.memory_space<vmem>>
    %dma_wait3A_1002 = arith.constant 0 : i32
    %dma_wait3A_1003 = tpu.memref_slice %arg6[%add3A_793, %dma_wait3A_1002] : memref<51200x64xf32, #tpu.memory_space<hbm>> -> memref<80x64xf32, #tpu.memory_space<hbm>>
    %dma_wait3A_1004 = arith.constant 0 : i32
    %dma_wait3A_1005 = tpu.memref_slice %arg6[%add3A_793, %dma_wait3A_1004] : memref<51200x64xf32, #tpu.memory_space<hbm>> -> memref<80x64xf32, #tpu.memory_space<hbm>>
    %dma_wait3A_1006 = arith.constant 1520 : i32
    %dma_wait3A_1007 = arith.constant 0 : i32
    %dma_wait3A_1008 = tpu.memref_slice %arg9[%dma_wait3A_1006, %dma_wait3A_1007] : memref<1600x64xf32, #tpu.memory_space<vmem>> -> memref<80x64xf32, #tpu.memory_space<vmem>>
    tpu.wait_dma2 semaphore(%arg13 : memref<!tpu.dma_semaphore, #tpu.memory_space<semaphore_mem>>) src(%dma_wait3A_1008 : memref<80x64xf32, #tpu.memory_space<vmem>>) dst(%dma_wait3A_1005 : memref<80x64xf32, #tpu.memory_space<hbm>>)
    return
  }
}

module attributes {stable_mosaic.version = 14 : i64} {
  func.func @_tc_body(%arg0: i32, %arg1: memref<1600x128xf32, #tpu.memory_space<vmem>>, %arg2: memref<1x8x1600xf32, #tpu.memory_space<vmem>>, %arg3: memref<64x64xf32, #tpu.memory_space<vmem>>, %arg4: memref<8x64xf32, #tpu.memory_space<vmem>>, %arg5: memref<64x64xf32, #tpu.memory_space<vmem>>, %arg6: memref<128x128xf32, #tpu.memory_space<vmem>>, %arg7: memref<128x128xf32, #tpu.memory_space<vmem>>, %arg8: memref<128x128xf32, #tpu.memory_space<vmem>>, %arg9: memref<128x128xf32, #tpu.memory_space<vmem>>, %arg10: memref<64x64xf32, #tpu.memory_space<vmem>>, %arg11: memref<1x128xf32, #tpu.memory_space<vmem>>, %arg12: memref<1x128xf32, #tpu.memory_space<vmem>>, %arg13: memref<8x128xf32, #tpu.memory_space<vmem>>, %arg14: memref<1600x64xf32, #tpu.memory_space<vmem>>, %arg15: memref<64x1600xf32, #tpu.memory_space<vmem>>, %arg16: memref<1x64x64xf32, #tpu.memory_space<vmem>>) attributes {dimension_semantics = [#tpu.dimension_semantics<arbitrary>], iteration_bounds = array<i64: 16>, scalar_prefetch = 0 : i64, scratch_operands = 0 : i64, tpu.core_type = #tpu.core_type<tc>, window_params = [{transform_indices = @transform_0, window_bounds = array<i64: 1600, 128>}, {transform_indices = @transform_1, window_bounds = array<i64: 1, 8, 1600>}, {transform_indices = @transform_2, window_bounds = array<i64: 64, 64>}, {pipeline_mode = #tpu.pipeline_mode<synchronous>, transform_indices = @transform_3, window_bounds = array<i64: 8, 64>}, {pipeline_mode = #tpu.pipeline_mode<synchronous>, transform_indices = @transform_4, window_bounds = array<i64: 64, 64>}, {pipeline_mode = #tpu.pipeline_mode<synchronous>, transform_indices = @transform_5, window_bounds = array<i64: 128, 128>}, {pipeline_mode = #tpu.pipeline_mode<synchronous>, transform_indices = @transform_6, window_bounds = array<i64: 128, 128>}, {pipeline_mode = #tpu.pipeline_mode<synchronous>, transform_indices = @transform_7, window_bounds = array<i64: 128, 128>}, {pipeline_mode = #tpu.pipeline_mode<synchronous>, transform_indices = @transform_8, window_bounds = array<i64: 128, 128>}, {pipeline_mode = #tpu.pipeline_mode<synchronous>, transform_indices = @transform_9, window_bounds = array<i64: 64, 64>}, {pipeline_mode = #tpu.pipeline_mode<synchronous>, transform_indices = @transform_10, window_bounds = array<i64: 1, 128>}, {pipeline_mode = #tpu.pipeline_mode<synchronous>, transform_indices = @transform_11, window_bounds = array<i64: 1, 128>}, {pipeline_mode = #tpu.pipeline_mode<synchronous>, transform_indices = @transform_12, window_bounds = array<i64: 8, 128>}, {pipeline_mode = #tpu.pipeline_mode<synchronous>, transform_indices = @transform_13, window_bounds = array<i64: 1600, 64>}, {pipeline_mode = #tpu.pipeline_mode<synchronous>, transform_indices = @transform_14, window_bounds = array<i64: 64, 1600>}, {transform_indices = @transform_15, window_bounds = array<i64: 1, 64, 64>}]} {
    %get3A = arith.constant 0 : index
    %get3A_0 = arith.constant 0 : index
    %get3A_1 = vector.load %arg1[%get3A, %get3A_0] : memref<1600x128xf32, #tpu.memory_space<vmem>>, vector<1600x128xf32>
    %get3A_2 = arith.constant 0 : index
    %get3A_3 = arith.constant 0 : index
    %get3A_4 = arith.constant 0 : index
    %get3A_5 = vector.load %arg2[%get3A_2, %get3A_3, %get3A_4] : memref<1x8x1600xf32, #tpu.memory_space<vmem>>, vector<1x8x1600xf32>
    %get3A_6 = vector.shape_cast %get3A_5 : vector<1x8x1600xf32> to vector<8x1600xf32>
    %get3A_7 = arith.constant 0 : index
    %get3A_8 = arith.constant 0 : index
    %get3A_9 = vector.load %arg3[%get3A_7, %get3A_8] : memref<64x64xf32, #tpu.memory_space<vmem>>, vector<64x64xf32>
    %get3A_10 = arith.constant 0 : index
    %get3A_11 = arith.constant 0 : index
    %get3A_12 = vector.load %arg4[%get3A_10, %get3A_11] : memref<8x64xf32, #tpu.memory_space<vmem>>, vector<8x64xf32>
    %get3A_13 = arith.constant 0 : index
    %get3A_14 = arith.constant 0 : index
    %get3A_15 = vector.load %arg5[%get3A_13, %get3A_14] : memref<64x64xf32, #tpu.memory_space<vmem>>, vector<64x64xf32>
    %dot_general3A = arith.constant dense<0.000000e+00> : vector<8x64xf32>
    %dot_general3A_16 = tpu.matmul %get3A_12, %get3A_15, %dot_general3A {dimension_numbers = #tpu.dot_dimension_numbers<[1], [0], [0], [1], [0, 0, 1, 1], [], []>, transpose_lhs_hint = false} : vector<8x64xf32>, vector<64x64xf32>, vector<8x64xf32> -> vector<8x64xf32>
    %slice3A = vector.extract_strided_slice %get3A_6 {offsets = [0, 0], sizes = [1, 1600], strides = [1, 1]} : vector<8x1600xf32> to vector<1x1600xf32>
    %eq3A = arith.constant 0.000000e+00 : f32
    %eq3A_17 = vector.broadcast %eq3A : f32 to vector<1x1600xf32>
    %eq3A_18 = arith.cmpf oeq, %slice3A, %eq3A_17 : vector<1x1600xf32>
    %jit3A = arith.constant 1.000000e+00 : f32
    %jit3A_19 = arith.constant 0.000000e+00 : f32
    %broadcast_in_dim3A = vector.broadcast %jit3A : f32 to vector<1x1600xf32>
    %broadcast_in_dim3A_20 = vector.broadcast %jit3A_19 : f32 to vector<1x1600xf32>
    %select_n3A = arith.select %eq3A_18, %broadcast_in_dim3A, %broadcast_in_dim3A_20 : vector<1x1600xi1>, vector<1x1600xf32>
    %slice3A_21 = vector.extract_strided_slice %get3A_6 {offsets = [0, 0], sizes = [1, 1600], strides = [1, 1]} : vector<8x1600xf32> to vector<1x1600xf32>
    %eq3A_22 = arith.constant 1.000000e+00 : f32
    %eq3A_23 = vector.broadcast %eq3A_22 : f32 to vector<1x1600xf32>
    %eq3A_24 = arith.cmpf oeq, %slice3A_21, %eq3A_23 : vector<1x1600xf32>
    %jit3A_25 = arith.constant 1.000000e+00 : f32
    %jit3A_26 = arith.constant 0.000000e+00 : f32
    %broadcast_in_dim3A_27 = vector.broadcast %jit3A_25 : f32 to vector<1x1600xf32>
    %broadcast_in_dim3A_28 = vector.broadcast %jit3A_26 : f32 to vector<1x1600xf32>
    %select_n3A_29 = arith.select %eq3A_24, %broadcast_in_dim3A_27, %broadcast_in_dim3A_28 : vector<1x1600xi1>, vector<1x1600xf32>
    %slice3A_30 = vector.extract_strided_slice %get3A_6 {offsets = [0, 0], sizes = [1, 1600], strides = [1, 1]} : vector<8x1600xf32> to vector<1x1600xf32>
    %eq3A_31 = arith.constant 2.000000e+00 : f32
    %eq3A_32 = vector.broadcast %eq3A_31 : f32 to vector<1x1600xf32>
    %eq3A_33 = arith.cmpf oeq, %slice3A_30, %eq3A_32 : vector<1x1600xf32>
    %jit3A_34 = arith.constant 1.000000e+00 : f32
    %jit3A_35 = arith.constant 0.000000e+00 : f32
    %broadcast_in_dim3A_36 = vector.broadcast %jit3A_34 : f32 to vector<1x1600xf32>
    %broadcast_in_dim3A_37 = vector.broadcast %jit3A_35 : f32 to vector<1x1600xf32>
    %select_n3A_38 = arith.select %eq3A_33, %broadcast_in_dim3A_36, %broadcast_in_dim3A_37 : vector<1x1600xi1>, vector<1x1600xf32>
    %slice3A_39 = vector.extract_strided_slice %get3A_6 {offsets = [0, 0], sizes = [1, 1600], strides = [1, 1]} : vector<8x1600xf32> to vector<1x1600xf32>
    %eq3A_40 = arith.constant 3.000000e+00 : f32
    %eq3A_41 = vector.broadcast %eq3A_40 : f32 to vector<1x1600xf32>
    %eq3A_42 = arith.cmpf oeq, %slice3A_39, %eq3A_41 : vector<1x1600xf32>
    %jit3A_43 = arith.constant 1.000000e+00 : f32
    %jit3A_44 = arith.constant 0.000000e+00 : f32
    %broadcast_in_dim3A_45 = vector.broadcast %jit3A_43 : f32 to vector<1x1600xf32>
    %broadcast_in_dim3A_46 = vector.broadcast %jit3A_44 : f32 to vector<1x1600xf32>
    %select_n3A_47 = arith.select %eq3A_42, %broadcast_in_dim3A_45, %broadcast_in_dim3A_46 : vector<1x1600xi1>, vector<1x1600xf32>
    %slice3A_48 = vector.extract_strided_slice %get3A_6 {offsets = [0, 0], sizes = [1, 1600], strides = [1, 1]} : vector<8x1600xf32> to vector<1x1600xf32>
    %eq3A_49 = arith.constant 4.000000e+00 : f32
    %eq3A_50 = vector.broadcast %eq3A_49 : f32 to vector<1x1600xf32>
    %eq3A_51 = arith.cmpf oeq, %slice3A_48, %eq3A_50 : vector<1x1600xf32>
    %jit3A_52 = arith.constant 1.000000e+00 : f32
    %jit3A_53 = arith.constant 0.000000e+00 : f32
    %broadcast_in_dim3A_54 = vector.broadcast %jit3A_52 : f32 to vector<1x1600xf32>
    %broadcast_in_dim3A_55 = vector.broadcast %jit3A_53 : f32 to vector<1x1600xf32>
    %select_n3A_56 = arith.select %eq3A_51, %broadcast_in_dim3A_54, %broadcast_in_dim3A_55 : vector<1x1600xi1>, vector<1x1600xf32>
    %slice3A_57 = vector.extract_strided_slice %get3A_6 {offsets = [0, 0], sizes = [1, 1600], strides = [1, 1]} : vector<8x1600xf32> to vector<1x1600xf32>
    %eq3A_58 = arith.constant 5.000000e+00 : f32
    %eq3A_59 = vector.broadcast %eq3A_58 : f32 to vector<1x1600xf32>
    %eq3A_60 = arith.cmpf oeq, %slice3A_57, %eq3A_59 : vector<1x1600xf32>
    %jit3A_61 = arith.constant 1.000000e+00 : f32
    %jit3A_62 = arith.constant 0.000000e+00 : f32
    %broadcast_in_dim3A_63 = vector.broadcast %jit3A_61 : f32 to vector<1x1600xf32>
    %broadcast_in_dim3A_64 = vector.broadcast %jit3A_62 : f32 to vector<1x1600xf32>
    %select_n3A_65 = arith.select %eq3A_60, %broadcast_in_dim3A_63, %broadcast_in_dim3A_64 : vector<1x1600xi1>, vector<1x1600xf32>
    %slice3A_66 = vector.extract_strided_slice %get3A_6 {offsets = [0, 0], sizes = [1, 1600], strides = [1, 1]} : vector<8x1600xf32> to vector<1x1600xf32>
    %eq3A_67 = arith.constant 6.000000e+00 : f32
    %eq3A_68 = vector.broadcast %eq3A_67 : f32 to vector<1x1600xf32>
    %eq3A_69 = arith.cmpf oeq, %slice3A_66, %eq3A_68 : vector<1x1600xf32>
    %jit3A_70 = arith.constant 1.000000e+00 : f32
    %jit3A_71 = arith.constant 0.000000e+00 : f32
    %broadcast_in_dim3A_72 = vector.broadcast %jit3A_70 : f32 to vector<1x1600xf32>
    %broadcast_in_dim3A_73 = vector.broadcast %jit3A_71 : f32 to vector<1x1600xf32>
    %select_n3A_74 = arith.select %eq3A_69, %broadcast_in_dim3A_72, %broadcast_in_dim3A_73 : vector<1x1600xi1>, vector<1x1600xf32>
    %slice3A_75 = vector.extract_strided_slice %get3A_6 {offsets = [0, 0], sizes = [1, 1600], strides = [1, 1]} : vector<8x1600xf32> to vector<1x1600xf32>
    %eq3A_76 = arith.constant 7.000000e+00 : f32
    %eq3A_77 = vector.broadcast %eq3A_76 : f32 to vector<1x1600xf32>
    %eq3A_78 = arith.cmpf oeq, %slice3A_75, %eq3A_77 : vector<1x1600xf32>
    %jit3A_79 = arith.constant 1.000000e+00 : f32
    %jit3A_80 = arith.constant 0.000000e+00 : f32
    %broadcast_in_dim3A_81 = vector.broadcast %jit3A_79 : f32 to vector<1x1600xf32>
    %broadcast_in_dim3A_82 = vector.broadcast %jit3A_80 : f32 to vector<1x1600xf32>
    %select_n3A_83 = arith.select %eq3A_78, %broadcast_in_dim3A_81, %broadcast_in_dim3A_82 : vector<1x1600xi1>, vector<1x1600xf32>
    %concatenate3A = tpu.concatenate %select_n3A, %select_n3A_29, %select_n3A_38, %select_n3A_47, %select_n3A_56, %select_n3A_65, %select_n3A_74, %select_n3A_83 in 0 : vector<1x1600xf32>, vector<1x1600xf32>, vector<1x1600xf32>, vector<1x1600xf32>, vector<1x1600xf32>, vector<1x1600xf32>, vector<1x1600xf32>, vector<1x1600xf32> -> vector<8x1600xf32>
    %slice3A_84 = vector.extract_strided_slice %get3A_6 {offsets = [1, 0], sizes = [1, 1600], strides = [1, 1]} : vector<8x1600xf32> to vector<1x1600xf32>
    %eq3A_85 = arith.constant 0.000000e+00 : f32
    %eq3A_86 = vector.broadcast %eq3A_85 : f32 to vector<1x1600xf32>
    %eq3A_87 = arith.cmpf oeq, %slice3A_84, %eq3A_86 : vector<1x1600xf32>
    %jit3A_88 = arith.constant 1.000000e+00 : f32
    %jit3A_89 = arith.constant 0.000000e+00 : f32
    %broadcast_in_dim3A_90 = vector.broadcast %jit3A_88 : f32 to vector<1x1600xf32>
    %broadcast_in_dim3A_91 = vector.broadcast %jit3A_89 : f32 to vector<1x1600xf32>
    %select_n3A_92 = arith.select %eq3A_87, %broadcast_in_dim3A_90, %broadcast_in_dim3A_91 : vector<1x1600xi1>, vector<1x1600xf32>
    %slice3A_93 = vector.extract_strided_slice %get3A_6 {offsets = [1, 0], sizes = [1, 1600], strides = [1, 1]} : vector<8x1600xf32> to vector<1x1600xf32>
    %eq3A_94 = arith.constant 1.000000e+00 : f32
    %eq3A_95 = vector.broadcast %eq3A_94 : f32 to vector<1x1600xf32>
    %eq3A_96 = arith.cmpf oeq, %slice3A_93, %eq3A_95 : vector<1x1600xf32>
    %jit3A_97 = arith.constant 1.000000e+00 : f32
    %jit3A_98 = arith.constant 0.000000e+00 : f32
    %broadcast_in_dim3A_99 = vector.broadcast %jit3A_97 : f32 to vector<1x1600xf32>
    %broadcast_in_dim3A_100 = vector.broadcast %jit3A_98 : f32 to vector<1x1600xf32>
    %select_n3A_101 = arith.select %eq3A_96, %broadcast_in_dim3A_99, %broadcast_in_dim3A_100 : vector<1x1600xi1>, vector<1x1600xf32>
    %slice3A_102 = vector.extract_strided_slice %get3A_6 {offsets = [1, 0], sizes = [1, 1600], strides = [1, 1]} : vector<8x1600xf32> to vector<1x1600xf32>
    %eq3A_103 = arith.constant 2.000000e+00 : f32
    %eq3A_104 = vector.broadcast %eq3A_103 : f32 to vector<1x1600xf32>
    %eq3A_105 = arith.cmpf oeq, %slice3A_102, %eq3A_104 : vector<1x1600xf32>
    %jit3A_106 = arith.constant 1.000000e+00 : f32
    %jit3A_107 = arith.constant 0.000000e+00 : f32
    %broadcast_in_dim3A_108 = vector.broadcast %jit3A_106 : f32 to vector<1x1600xf32>
    %broadcast_in_dim3A_109 = vector.broadcast %jit3A_107 : f32 to vector<1x1600xf32>
    %select_n3A_110 = arith.select %eq3A_105, %broadcast_in_dim3A_108, %broadcast_in_dim3A_109 : vector<1x1600xi1>, vector<1x1600xf32>
    %slice3A_111 = vector.extract_strided_slice %get3A_6 {offsets = [1, 0], sizes = [1, 1600], strides = [1, 1]} : vector<8x1600xf32> to vector<1x1600xf32>
    %eq3A_112 = arith.constant 3.000000e+00 : f32
    %eq3A_113 = vector.broadcast %eq3A_112 : f32 to vector<1x1600xf32>
    %eq3A_114 = arith.cmpf oeq, %slice3A_111, %eq3A_113 : vector<1x1600xf32>
    %jit3A_115 = arith.constant 1.000000e+00 : f32
    %jit3A_116 = arith.constant 0.000000e+00 : f32
    %broadcast_in_dim3A_117 = vector.broadcast %jit3A_115 : f32 to vector<1x1600xf32>
    %broadcast_in_dim3A_118 = vector.broadcast %jit3A_116 : f32 to vector<1x1600xf32>
    %select_n3A_119 = arith.select %eq3A_114, %broadcast_in_dim3A_117, %broadcast_in_dim3A_118 : vector<1x1600xi1>, vector<1x1600xf32>
    %slice3A_120 = vector.extract_strided_slice %get3A_6 {offsets = [1, 0], sizes = [1, 1600], strides = [1, 1]} : vector<8x1600xf32> to vector<1x1600xf32>
    %eq3A_121 = arith.constant 4.000000e+00 : f32
    %eq3A_122 = vector.broadcast %eq3A_121 : f32 to vector<1x1600xf32>
    %eq3A_123 = arith.cmpf oeq, %slice3A_120, %eq3A_122 : vector<1x1600xf32>
    %jit3A_124 = arith.constant 1.000000e+00 : f32
    %jit3A_125 = arith.constant 0.000000e+00 : f32
    %broadcast_in_dim3A_126 = vector.broadcast %jit3A_124 : f32 to vector<1x1600xf32>
    %broadcast_in_dim3A_127 = vector.broadcast %jit3A_125 : f32 to vector<1x1600xf32>
    %select_n3A_128 = arith.select %eq3A_123, %broadcast_in_dim3A_126, %broadcast_in_dim3A_127 : vector<1x1600xi1>, vector<1x1600xf32>
    %slice3A_129 = vector.extract_strided_slice %get3A_6 {offsets = [1, 0], sizes = [1, 1600], strides = [1, 1]} : vector<8x1600xf32> to vector<1x1600xf32>
    %eq3A_130 = arith.constant 5.000000e+00 : f32
    %eq3A_131 = vector.broadcast %eq3A_130 : f32 to vector<1x1600xf32>
    %eq3A_132 = arith.cmpf oeq, %slice3A_129, %eq3A_131 : vector<1x1600xf32>
    %jit3A_133 = arith.constant 1.000000e+00 : f32
    %jit3A_134 = arith.constant 0.000000e+00 : f32
    %broadcast_in_dim3A_135 = vector.broadcast %jit3A_133 : f32 to vector<1x1600xf32>
    %broadcast_in_dim3A_136 = vector.broadcast %jit3A_134 : f32 to vector<1x1600xf32>
    %select_n3A_137 = arith.select %eq3A_132, %broadcast_in_dim3A_135, %broadcast_in_dim3A_136 : vector<1x1600xi1>, vector<1x1600xf32>
    %slice3A_138 = vector.extract_strided_slice %get3A_6 {offsets = [1, 0], sizes = [1, 1600], strides = [1, 1]} : vector<8x1600xf32> to vector<1x1600xf32>
    %eq3A_139 = arith.constant 6.000000e+00 : f32
    %eq3A_140 = vector.broadcast %eq3A_139 : f32 to vector<1x1600xf32>
    %eq3A_141 = arith.cmpf oeq, %slice3A_138, %eq3A_140 : vector<1x1600xf32>
    %jit3A_142 = arith.constant 1.000000e+00 : f32
    %jit3A_143 = arith.constant 0.000000e+00 : f32
    %broadcast_in_dim3A_144 = vector.broadcast %jit3A_142 : f32 to vector<1x1600xf32>
    %broadcast_in_dim3A_145 = vector.broadcast %jit3A_143 : f32 to vector<1x1600xf32>
    %select_n3A_146 = arith.select %eq3A_141, %broadcast_in_dim3A_144, %broadcast_in_dim3A_145 : vector<1x1600xi1>, vector<1x1600xf32>
    %slice3A_147 = vector.extract_strided_slice %get3A_6 {offsets = [1, 0], sizes = [1, 1600], strides = [1, 1]} : vector<8x1600xf32> to vector<1x1600xf32>
    %eq3A_148 = arith.constant 7.000000e+00 : f32
    %eq3A_149 = vector.broadcast %eq3A_148 : f32 to vector<1x1600xf32>
    %eq3A_150 = arith.cmpf oeq, %slice3A_147, %eq3A_149 : vector<1x1600xf32>
    %jit3A_151 = arith.constant 1.000000e+00 : f32
    %jit3A_152 = arith.constant 0.000000e+00 : f32
    %broadcast_in_dim3A_153 = vector.broadcast %jit3A_151 : f32 to vector<1x1600xf32>
    %broadcast_in_dim3A_154 = vector.broadcast %jit3A_152 : f32 to vector<1x1600xf32>
    %select_n3A_155 = arith.select %eq3A_150, %broadcast_in_dim3A_153, %broadcast_in_dim3A_154 : vector<1x1600xi1>, vector<1x1600xf32>
    %concatenate3A_156 = tpu.concatenate %select_n3A_92, %select_n3A_101, %select_n3A_110, %select_n3A_119, %select_n3A_128, %select_n3A_137, %select_n3A_146, %select_n3A_155 in 0 : vector<1x1600xf32>, vector<1x1600xf32>, vector<1x1600xf32>, vector<1x1600xf32>, vector<1x1600xf32>, vector<1x1600xf32>, vector<1x1600xf32>, vector<1x1600xf32> -> vector<8x1600xf32>
    %dot_general3A_157 = arith.constant dense<0.000000e+00> : vector<1600x64xf32>
    %dot_general3A_158 = tpu.matmul %concatenate3A, %dot_general3A_16, %dot_general3A_157 {dimension_numbers = #tpu.dot_dimension_numbers<[0], [0], [1], [1], [0, 1, 1, 1], [], []>, transpose_lhs_hint = false} : vector<8x1600xf32>, vector<8x64xf32>, vector<1600x64xf32> -> vector<1600x64xf32>
    %dot_general3A_159 = arith.constant dense<0.000000e+00> : vector<1600x64xf32>
    %dot_general3A_160 = tpu.matmul %concatenate3A_156, %dot_general3A_16, %dot_general3A_159 {dimension_numbers = #tpu.dot_dimension_numbers<[0], [0], [1], [1], [0, 1, 1, 1], [], []>, transpose_lhs_hint = false} : vector<8x1600xf32>, vector<8x64xf32>, vector<1600x64xf32> -> vector<1600x64xf32>
    %concatenate3A_161 = tpu.concatenate %dot_general3A_158, %dot_general3A_160 in 1 : vector<1600x64xf32>, vector<1600x64xf32> -> vector<1600x128xf32>
    %get3A_162 = arith.constant 0 : index
    %get3A_163 = arith.constant 0 : index
    %get3A_164 = vector.load %arg13[%get3A_162, %get3A_163] : memref<8x128xf32, #tpu.memory_space<vmem>>, vector<8x128xf32>
    %get3A_165 = arith.constant 0 : index
    %get3A_166 = arith.constant 0 : index
    %get3A_167 = vector.load %arg6[%get3A_165, %get3A_166] : memref<128x128xf32, #tpu.memory_space<vmem>>, vector<128x128xf32>
    %dot_general3A_168 = arith.constant dense<0.000000e+00> : vector<1600x128xf32>
    %dot_general3A_169 = tpu.matmul %get3A_1, %get3A_167, %dot_general3A_168 {dimension_numbers = #tpu.dot_dimension_numbers<[1], [0], [0], [1], [0, 0, 1, 1], [], []>, transpose_lhs_hint = false} : vector<1600x128xf32>, vector<128x128xf32>, vector<1600x128xf32> -> vector<1600x128xf32>
    %add3A = arith.addf %dot_general3A_169, %concatenate3A_161 : vector<1600x128xf32>
    %slice3A_170 = vector.extract_strided_slice %get3A_164 {offsets = [0, 0], sizes = [1, 128], strides = [1, 1]} : vector<8x128xf32> to vector<1x128xf32>
    %add3A_171 = vector.broadcast %slice3A_170 : vector<1x128xf32> to vector<1600x128xf32>
    %add3A_172 = arith.addf %add3A, %add3A_171 : vector<1600x128xf32>
    %max3A = arith.constant 0.000000e+00 : f32
    %max3A_173 = vector.broadcast %max3A : f32 to vector<1600x128xf32>
    %max3A_174 = arith.maximumf %add3A_172, %max3A_173 : vector<1600x128xf32>
    %get3A_175 = arith.constant 0 : index
    %get3A_176 = arith.constant 0 : index
    %get3A_177 = vector.load %arg7[%get3A_175, %get3A_176] : memref<128x128xf32, #tpu.memory_space<vmem>>, vector<128x128xf32>
    %dot_general3A_178 = arith.constant dense<0.000000e+00> : vector<1600x128xf32>
    %dot_general3A_179 = tpu.matmul %max3A_174, %get3A_177, %dot_general3A_178 {dimension_numbers = #tpu.dot_dimension_numbers<[1], [0], [0], [1], [0, 0, 1, 1], [], []>, transpose_lhs_hint = false} : vector<1600x128xf32>, vector<128x128xf32>, vector<1600x128xf32> -> vector<1600x128xf32>
    %slice3A_180 = vector.extract_strided_slice %get3A_164 {offsets = [1, 0], sizes = [1, 128], strides = [1, 1]} : vector<8x128xf32> to vector<1x128xf32>
    %add3A_181 = vector.broadcast %slice3A_180 : vector<1x128xf32> to vector<1600x128xf32>
    %add3A_182 = arith.addf %dot_general3A_179, %add3A_181 : vector<1600x128xf32>
    %max3A_183 = arith.constant 0.000000e+00 : f32
    %max3A_184 = vector.broadcast %max3A_183 : f32 to vector<1600x128xf32>
    %max3A_185 = arith.maximumf %add3A_182, %max3A_184 : vector<1600x128xf32>
    %get3A_186 = arith.constant 0 : index
    %get3A_187 = arith.constant 0 : index
    %get3A_188 = vector.load %arg10[%get3A_186, %get3A_187] : memref<64x64xf32, #tpu.memory_space<vmem>>, vector<64x64xf32>
    %dot_general3A_189 = arith.constant dense<0.000000e+00> : vector<64x64xf32>
    %dot_general3A_190 = tpu.matmul %get3A_9, %get3A_188, %dot_general3A_189 {dimension_numbers = #tpu.dot_dimension_numbers<[1], [0], [0], [1], [0, 0, 1, 1], [], []>, transpose_lhs_hint = false} : vector<64x64xf32>, vector<64x64xf32>, vector<64x64xf32> -> vector<64x64xf32>
    %concatenate3A_191 = tpu.concatenate %dot_general3A_190, %dot_general3A_190 in 1 : vector<64x64xf32>, vector<64x64xf32> -> vector<64x128xf32>
    %get3A_192 = arith.constant 0 : index
    %get3A_193 = arith.constant 0 : index
    %get3A_194 = vector.load %arg14[%get3A_192, %get3A_193] : memref<1600x64xf32, #tpu.memory_space<vmem>>, vector<1600x64xf32>
    %dot_general3A_195 = arith.constant dense<0.000000e+00> : vector<1600x128xf32>
    %dot_general3A_196 = tpu.matmul %get3A_194, %concatenate3A_191, %dot_general3A_195 {dimension_numbers = #tpu.dot_dimension_numbers<[1], [0], [0], [1], [0, 0, 1, 1], [], []>, transpose_lhs_hint = false} : vector<1600x64xf32>, vector<64x128xf32>, vector<1600x128xf32> -> vector<1600x128xf32>
    %slice3A_197 = vector.extract_strided_slice %get3A_164 {offsets = [2, 0], sizes = [1, 128], strides = [1, 1]} : vector<8x128xf32> to vector<1x128xf32>
    %add3A_198 = vector.broadcast %slice3A_197 : vector<1x128xf32> to vector<1600x128xf32>
    %add3A_199 = arith.addf %dot_general3A_196, %add3A_198 : vector<1600x128xf32>
    %get3A_200 = arith.constant 0 : index
    %get3A_201 = arith.constant 0 : index
    %get3A_202 = vector.load %arg8[%get3A_200, %get3A_201] : memref<128x128xf32, #tpu.memory_space<vmem>>, vector<128x128xf32>
    %dot_general3A_203 = arith.constant dense<0.000000e+00> : vector<1600x128xf32>
    %dot_general3A_204 = tpu.matmul %max3A_185, %get3A_202, %dot_general3A_203 {dimension_numbers = #tpu.dot_dimension_numbers<[1], [0], [0], [1], [0, 0, 1, 1], [], []>, transpose_lhs_hint = false} : vector<1600x128xf32>, vector<128x128xf32>, vector<1600x128xf32> -> vector<1600x128xf32>
    %add3A_205 = arith.addf %dot_general3A_204, %add3A_199 : vector<1600x128xf32>
    %max3A_206 = arith.constant 0.000000e+00 : f32
    %max3A_207 = vector.broadcast %max3A_206 : f32 to vector<1600x128xf32>
    %max3A_208 = arith.maximumf %add3A_205, %max3A_207 : vector<1600x128xf32>
    %get3A_209 = arith.constant 0 : index
    %get3A_210 = arith.constant 0 : index
    %get3A_211 = vector.load %arg9[%get3A_209, %get3A_210] : memref<128x128xf32, #tpu.memory_space<vmem>>, vector<128x128xf32>
    %dot_general3A_212 = arith.constant dense<0.000000e+00> : vector<1600x128xf32>
    %dot_general3A_213 = tpu.matmul %max3A_208, %get3A_211, %dot_general3A_212 {dimension_numbers = #tpu.dot_dimension_numbers<[1], [0], [0], [1], [0, 0, 1, 1], [], []>, transpose_lhs_hint = false} : vector<1600x128xf32>, vector<128x128xf32>, vector<1600x128xf32> -> vector<1600x128xf32>
    %slice3A_214 = vector.extract_strided_slice %get3A_164 {offsets = [3, 0], sizes = [1, 128], strides = [1, 1]} : vector<8x128xf32> to vector<1x128xf32>
    %add3A_215 = vector.broadcast %slice3A_214 : vector<1x128xf32> to vector<1600x128xf32>
    %add3A_216 = arith.addf %dot_general3A_213, %add3A_215 : vector<1600x128xf32>
    %max3A_217 = arith.constant 0.000000e+00 : f32
    %max3A_218 = vector.broadcast %max3A_217 : f32 to vector<1600x128xf32>
    %max3A_219 = arith.maximumf %add3A_216, %max3A_218 : vector<1600x128xf32>
    %get3A_220 = arith.constant 0 : index
    %get3A_221 = arith.constant 0 : index
    %get3A_222 = vector.load %arg11[%get3A_220, %get3A_221] : memref<1x128xf32, #tpu.memory_space<vmem>>, vector<1x128xf32>
    %mul3A = vector.broadcast %get3A_222 : vector<1x128xf32> to vector<1600x128xf32>
    %mul3A_223 = arith.mulf %max3A_219, %mul3A : vector<1600x128xf32>
    %reduce_sum3A = arith.constant dense<0.000000e+00> : vector<1600xf32>
    %reduce_sum3A_224 = vector.multi_reduction <add>, %mul3A_223, %reduce_sum3A [1] : vector<1600x128xf32> to vector<1600xf32>
    %broadcast_in_dim3A_225 = vector.shape_cast %reduce_sum3A_224 : vector<1600xf32> to vector<1600x1xf32>
    %get3A_226 = arith.constant 0 : index
    %get3A_227 = arith.constant 0 : index
    %get3A_228 = vector.load %arg12[%get3A_226, %get3A_227] : memref<1x128xf32, #tpu.memory_space<vmem>>, vector<1x128xf32>
    %mul3A_229 = vector.broadcast %get3A_228 : vector<1x128xf32> to vector<1600x128xf32>
    %mul3A_230 = arith.mulf %max3A_219, %mul3A_229 : vector<1600x128xf32>
    %reduce_sum3A_231 = arith.constant dense<0.000000e+00> : vector<1600xf32>
    %reduce_sum3A_232 = vector.multi_reduction <add>, %mul3A_230, %reduce_sum3A_231 [1] : vector<1600x128xf32> to vector<1600xf32>
    %broadcast_in_dim3A_233 = vector.shape_cast %reduce_sum3A_232 : vector<1600xf32> to vector<1600x1xf32>
    %reduce_max3A = vector.shape_cast %broadcast_in_dim3A_225 : vector<1600x1xf32> to vector<1x1600x1xf32>
    %reduce_max3A_234 = arith.constant dense<0xFF800000> : vector<1xf32>
    %reduce_max3A_235 = vector.multi_reduction <maximumf>, %reduce_max3A, %reduce_max3A_234 [1, 2] : vector<1x1600x1xf32> to vector<1xf32>
    %reduce_max3A_236 = vector.shape_cast %reduce_max3A_235 : vector<1xf32> to vector<1x1x1xf32>
    %reduce_max3A_237 = vector.extract %reduce_max3A_236[0, 0, 0] : f32 from vector<1x1x1xf32>
    %reduce_max3A_238 = vector.shape_cast %broadcast_in_dim3A_233 : vector<1600x1xf32> to vector<1x1600x1xf32>
    %reduce_max3A_239 = arith.constant dense<0xFF800000> : vector<1xf32>
    %reduce_max3A_240 = vector.multi_reduction <maximumf>, %reduce_max3A_238, %reduce_max3A_239 [1, 2] : vector<1x1600x1xf32> to vector<1xf32>
    %reduce_max3A_241 = vector.shape_cast %reduce_max3A_240 : vector<1xf32> to vector<1x1x1xf32>
    %reduce_max3A_242 = vector.extract %reduce_max3A_241[0, 0, 0] : f32 from vector<1x1x1xf32>
    %max3A_243 = arith.maximumf %reduce_max3A_237, %reduce_max3A_242 : f32
    %sub3A = vector.broadcast %max3A_243 : f32 to vector<1600x1xf32>
    %sub3A_244 = arith.subf %broadcast_in_dim3A_225, %sub3A : vector<1600x1xf32>
    %exp3A = math.exp %sub3A_244 : vector<1600x1xf32>
    %sub3A_245 = vector.broadcast %max3A_243 : f32 to vector<1600x1xf32>
    %sub3A_246 = arith.subf %broadcast_in_dim3A_233, %sub3A_245 : vector<1600x1xf32>
    %exp3A_247 = math.exp %sub3A_246 : vector<1600x1xf32>
    %broadcast_in_dim3A_248 = vector.shape_cast %exp3A : vector<1600x1xf32> to vector<1600x1xf32>
    %broadcast_in_dim3A_249 = vector.broadcast %broadcast_in_dim3A_248 : vector<1600x1xf32> to vector<1600x64xf32>
    %broadcast_in_dim3A_250 = vector.shape_cast %exp3A_247 : vector<1600x1xf32> to vector<1600x1xf32>
    %broadcast_in_dim3A_251 = vector.broadcast %broadcast_in_dim3A_250 : vector<1600x1xf32> to vector<1600x64xf32>
    %concatenate3A_252 = tpu.concatenate %broadcast_in_dim3A_249, %broadcast_in_dim3A_251 in 1 : vector<1600x64xf32>, vector<1600x64xf32> -> vector<1600x128xf32>
    %mul3A_253 = arith.mulf %max3A_185, %concatenate3A_252 : vector<1600x128xf32>
    %slice3A_254 = vector.extract_strided_slice %mul3A_253 {offsets = [0, 0], sizes = [1600, 64], strides = [1, 1]} : vector<1600x128xf32> to vector<1600x64xf32>
    %slice3A_255 = vector.extract_strided_slice %mul3A_253 {offsets = [0, 64], sizes = [1600, 64], strides = [1, 1]} : vector<1600x128xf32> to vector<1600x64xf32>
    %add3A_256 = arith.addf %slice3A_254, %slice3A_255 : vector<1600x64xf32>
    %add3A_257 = arith.addf %exp3A, %exp3A_247 : vector<1600x1xf32>
    %broadcast_in_dim3A_258 = vector.shape_cast %add3A_257 : vector<1600x1xf32> to vector<1600x1xf32>
    %broadcast_in_dim3A_259 = vector.broadcast %broadcast_in_dim3A_258 : vector<1600x1xf32> to vector<1600x64xf32>
    %concatenate3A_260 = tpu.concatenate %add3A_256, %broadcast_in_dim3A_259 in 1 : vector<1600x64xf32>, vector<1600x64xf32> -> vector<1600x128xf32>
    %get3A_261 = arith.constant 0 : index
    %get3A_262 = arith.constant 0 : index
    %get3A_263 = vector.load %arg15[%get3A_261, %get3A_262] : memref<64x1600xf32, #tpu.memory_space<vmem>>, vector<64x1600xf32>
    %dot_general3A_264 = arith.constant dense<0.000000e+00> : vector<64x128xf32>
    %dot_general3A_265 = tpu.matmul %get3A_263, %concatenate3A_260, %dot_general3A_264 {dimension_numbers = #tpu.dot_dimension_numbers<[1], [0], [0], [1], [0, 0, 1, 1], [], []>, transpose_lhs_hint = false} : vector<64x1600xf32>, vector<1600x128xf32>, vector<64x128xf32> -> vector<64x128xf32>
    %slice3A_266 = vector.extract_strided_slice %dot_general3A_265 {offsets = [0, 0], sizes = [64, 64], strides = [1, 1]} : vector<64x128xf32> to vector<64x64xf32>
    %slice3A_267 = vector.extract_strided_slice %dot_general3A_265 {offsets = [0, 64], sizes = [64, 64], strides = [1, 1]} : vector<64x128xf32> to vector<64x64xf32>
    %div3A = arith.divf %slice3A_266, %slice3A_267 : vector<64x64xf32>
    %swap3A = arith.constant 0 : index
    %swap3A_268 = arith.constant 0 : index
    %swap3A_269 = arith.constant 0 : index
    %swap3A_270 = vector.load %arg16[%swap3A, %swap3A_268, %swap3A_269] : memref<1x64x64xf32, #tpu.memory_space<vmem>>, vector<1x64x64xf32>
    %swap3A_271 = vector.shape_cast %swap3A_270 : vector<1x64x64xf32> to vector<64x64xf32>
    %swap3A_272 = vector.shape_cast %div3A : vector<64x64xf32> to vector<1x64x64xf32>
    tpu.vector_store %arg16[%swap3A, %swap3A_268, %swap3A_269], %swap3A_272 {strides = array<i32>} : memref<1x64x64xf32, #tpu.memory_space<vmem>>, vector<1x64x64xf32>,
    return
  }
  func.func @transform_0(%arg0: i32) -> (i32, i32) {
    %c0_i32 = arith.constant 0 : i32
    %c0_i32_0 = arith.constant 0 : i32
    return %arg0, %c0_i32 : i32, i32
  }
  func.func @transform_1(%arg0: i32) -> (i32, i32, i32) {
    %c0_i32 = arith.constant 0 : i32
    %c0_i32_0 = arith.constant 0 : i32
    %c0_i32_1 = arith.constant 0 : i32
    return %arg0, %c0_i32, %c0_i32_0 : i32, i32, i32
  }
  func.func @transform_2(%arg0: i32) -> (i32, i32) {
    %c0_i32 = arith.constant 0 : i32
    %c0_i32_0 = arith.constant 0 : i32
    return %arg0, %c0_i32 : i32, i32
  }
  func.func @transform_3(%arg0: i32) -> (i32, i32) {
    %c0_i32 = arith.constant 0 : i32
    %c0_i32_0 = arith.constant 0 : i32
    %c0_i32_1 = arith.constant 0 : i32
    return %c0_i32, %c0_i32_0 : i32, i32
  }
  func.func @transform_4(%arg0: i32) -> (i32, i32) {
    %c0_i32 = arith.constant 0 : i32
    %c0_i32_0 = arith.constant 0 : i32
    %c0_i32_1 = arith.constant 0 : i32
    return %c0_i32, %c0_i32_0 : i32, i32
  }
  func.func @transform_5(%arg0: i32) -> (i32, i32) {
    %c0_i32 = arith.constant 0 : i32
    %c0_i32_0 = arith.constant 0 : i32
    %c0_i32_1 = arith.constant 0 : i32
    return %c0_i32, %c0_i32_0 : i32, i32
  }
  func.func @transform_6(%arg0: i32) -> (i32, i32) {
    %c0_i32 = arith.constant 0 : i32
    %c0_i32_0 = arith.constant 0 : i32
    %c0_i32_1 = arith.constant 0 : i32
    return %c0_i32, %c0_i32_0 : i32, i32
  }
  func.func @transform_7(%arg0: i32) -> (i32, i32) {
    %c0_i32 = arith.constant 0 : i32
    %c0_i32_0 = arith.constant 0 : i32
    %c0_i32_1 = arith.constant 0 : i32
    return %c0_i32, %c0_i32_0 : i32, i32
  }
  func.func @transform_8(%arg0: i32) -> (i32, i32) {
    %c0_i32 = arith.constant 0 : i32
    %c0_i32_0 = arith.constant 0 : i32
    %c0_i32_1 = arith.constant 0 : i32
    return %c0_i32, %c0_i32_0 : i32, i32
  }
  func.func @transform_9(%arg0: i32) -> (i32, i32) {
    %c0_i32 = arith.constant 0 : i32
    %c0_i32_0 = arith.constant 0 : i32
    %c0_i32_1 = arith.constant 0 : i32
    return %c0_i32, %c0_i32_0 : i32, i32
  }
  func.func @transform_10(%arg0: i32) -> (i32, i32) {
    %c0_i32 = arith.constant 0 : i32
    %c0_i32_0 = arith.constant 0 : i32
    %c0_i32_1 = arith.constant 0 : i32
    return %c0_i32, %c0_i32_0 : i32, i32
  }
  func.func @transform_11(%arg0: i32) -> (i32, i32) {
    %c0_i32 = arith.constant 0 : i32
    %c0_i32_0 = arith.constant 0 : i32
    %c0_i32_1 = arith.constant 0 : i32
    return %c0_i32, %c0_i32_0 : i32, i32
  }
  func.func @transform_12(%arg0: i32) -> (i32, i32) {
    %c0_i32 = arith.constant 0 : i32
    %c0_i32_0 = arith.constant 0 : i32
    %c0_i32_1 = arith.constant 0 : i32
    return %c0_i32, %c0_i32_0 : i32, i32
  }
  func.func @transform_13(%arg0: i32) -> (i32, i32) {
    %c0_i32 = arith.constant 0 : i32
    %c0_i32_0 = arith.constant 0 : i32
    %c0_i32_1 = arith.constant 0 : i32
    return %c0_i32, %c0_i32_0 : i32, i32
  }
  func.func @transform_14(%arg0: i32) -> (i32, i32) {
    %c0_i32 = arith.constant 0 : i32
    %c0_i32_0 = arith.constant 0 : i32
    %c0_i32_1 = arith.constant 0 : i32
    return %c0_i32, %c0_i32_0 : i32, i32
  }
  func.func @transform_15(%arg0: i32) -> (i32, i32, i32) {
    %c0_i32 = arith.constant 0 : i32
    %c0_i32_0 = arith.constant 0 : i32
    %c0_i32_1 = arith.constant 0 : i32
    return %arg0, %c0_i32, %c0_i32_0 : i32, i32, i32
  }
}

</mosaic_0001>

<sc_bundles>
// kernel: kernel.4.cloned.1.call-start
scs
__scs_entry_jumppad:
0x0: {  	(pc) =	sbr.rel $0x88, $3  }
0x1: {  	(tag) =	ssettag $0x0;
	lr =	simm.s32 $0x1  }
0x2: {  	[smem:$0x3F92] =	sst lr;
	_ =	strace $0xD0000000  }
0x3: {  	_ = 	snop  }
0x4: {  	_ = 	snop  }
0x5: {  	_ = 	snop  }
0x6: {  	_ = 	snop  }
0x7: {  	_ = 	snop  }
__scs_overlays_trampoline_lowered:
0x8: {  	[smem:$0x3FA1] =	sst s0  }
0x9: {  	[smem:$0x3FA2] =	sst s1  }
0xa: {  	[smem:$0x3FA3] =	sst s2  }
0xb: {  	[smem:$0x3FA4] =	sst s3  }
0xc: {  	[smem:$0x3FA5] =	sst s4  }
0xd: {  	[smem:$0x3FA6] =	sst s5  }
0xe: {  	[smem:$0x3FA7] =	sst s6  }
0xf: {  	[smem:$0x3FA8] =	sst s7  }
0x10: {  	[smem:$0x3FA9] =	sst s8  }
0x11: {  	[smem:$0x3FAA] =	sst s9;
	s0 =	simm.s32 @!p0 $0x0  }
0x12: {  	s1 =	sld [smem:$0x3F90];
	s0 =	simm.s32 @p0 $0x1  }
0x13: {  	[smem:$0x3FAB] =	sst s0;
	s0 =	simm.s32 @!p1 $0x0  }
0x14: {  	s2 =	sld [smem:$0x3F8F];
	s0 =	simm.s32 @p1 $0x1  }
0x15: {  	[smem:$0x3FAC] =	sst s0;
	s0 =	simm.s32 @!p2 $0x0  }
0x16: {  	s3 =	sld [smem:$0x3FDB];
	s0 =	simm.s32 @p2 $0x1  }
0x17: {  	s4 =	simm.s32 $0x1BF5;
	[smem:$0x3FAE] =	sst s0  }
0x18: {  	s0 =	sld [smem:$0x3F91];
	_ =	swait.ge [sflag:s4], $0x0  }
0x19: {  	s7 =	sld [smem:$0x3F92]  }
0x1a: {  	s8 =	sadd.s32 $0xFFFFE003, lr  }
0x1b: {  	s9 =	sadd.s32 $0xFFFFFEF7, lr;
	s5 =	simm.s32 $0xFFFFFFFF;
	p2 =	slt.u32 s8, $0xFFFFF086  }
0x1c: {  	p1 =	slt.u32 s9, $0xF7A;
	s5 =	simm.s32 @!p2 $0x0  }
0x1d: {  	s5 =	simm.s32 @p1 $0x1;
	p0 =	seq.s32 s7, s2  }
0x1e: {  	s7 =	smul.u32 @!p0 $0xF7A, s2;
	p2 =	seq.s32 @!p0 s5, $0x0  }
0x1f: {  	s9 =	smul.u32 $0xF7A, s1;
	s8 =	simm.s32 @!p0 $0x1BF5;
	p2 =	por !p2, p0  }
0x20: {  	[sflag:s8] =	ssyncset.s32 @!p0 $0xFFFFF086;
	s6 =	sadd.s32 @!p0 s3, s7;
	s7 =	simm.s32 @!p0 $0x108  }
0x21: {  	s3 =	sadd.s32 s3, s9;
	s6 =	sadd.s32 @!p0 $0x88, s6;
	s7 =	simm.s32 @p2 $0x1082  }
0x22: {  	[simem:s7], [sflag:s8] =	dma.local @!p0 [hbm:s6], $0xF7A  }
0x23: {  	s9 =	sor.u32 $0xD0000000, s2;
	s6 =	simm.s32 $0x108;
	_ =	swait.ge @!p0 [sflag:s8], $0x0  }
0x24: {  	s3 =	sadd.s32 $0x88, s3;
	s6 =	simm.s32 @!p1 $0x1082;
	[sflag:s4] =	ssyncset.s32 $0xFFFFF086  }
0x25: {  	[simem:s6], [sflag:s4] =	dma.local [hbm:s3], $0xF7A  }
0x26: {  	[smem:$0x3F92] =	sst s1;
	(tag) =	ssettag s2;
	_ =	strace s9  }
0x27: {  	s1 =	sld [smem:$0x3FA2]  }
0x28: {  	s2 =	sld [smem:$0x3FA3]  }
0x29: {  	s4 =	sld [smem:$0x3FA5]  }
0x2a: {  	p0 =	seq.s32 s5, $0x0;
	s5 =	sld [smem:$0x3FA6]  }
0x2b: {  	s6 =	sld [smem:$0x3FA7]  }
0x2c: {  	s7 =	sld [smem:$0x3FA8]  }
0x2d: {  	s3 =	simm.s32 $0x108;
	s8 =	sld [smem:$0x3FA9]  }
0x2e: {  	s3 =	simm.s32 @!p0 $0x1082;
	s9 =	sld [smem:$0x3FAA]  }
0x2f: {  	lr =	sadd.s32 s0, s3;
	s0 =	sld [smem:$0x3FA1]  }
0x30: {  	s3 =	sld [smem:$0x3FA4]  }
0x31: {  	[smem:$0x3FAD] =	sst s10  }
0x32: {  	s10 =	sld [smem:$0x3FAB];
	_ =	sdelay $0x3  }
0x33: {  	p0 =	seq.s32 s10, $0x1;
	s10 =	sld [smem:$0x3FAD];
	_ =	sdelay $0x3  }
0x34: {  	[smem:$0x3FAD] =	sst s10  }
0x35: {  	s10 =	sld [smem:$0x3FAC];
	_ =	sdelay $0x3  }
0x36: {  	p1 =	seq.s32 s10, $0x1;
	s10 =	sld [smem:$0x3FAD];
	_ =	sdelay $0x3  }
0x37: {  	[smem:$0x3FAD] =	sst s10  }
0x38: {  	s10 =	sld [smem:$0x3FAE]  }
0x39: {  	_ = 	snop;
	(pc) =	sbr.ind lr, $3  }
0x3a: {  	_ = 	snop  }
0x3b: {  	_ = 	snop  }
0x3c: {  	p2 =	seq.s32 s10, $0x1;
	s10 =	sld [smem:$0x3FAD]  }
0x3d: {  	_ =	shalt  }
0x3e: {  	_ =	shalt  }
0x3f: {  	_ =	shalt  }
0x40: {  	_ =	shalt  }
0x41: {  	_ =	shalt  }
0x42: {  	_ =	shalt  }
0x43: {  	_ =	shalt  }
0x44: {  	_ =	shalt  }
0x45: {  	_ =	shalt  }
0x46: {  	_ =	shalt  }
0x47: {  	_ =	shalt  }
0x48: {  	_ =	shalt  }
0x49: {  	_ =	shalt  }
0x4a: {  	_ =	shalt  }
0x4b: {  	_ =	shalt  }
0x4c: {  	_ =	shalt  }
0x4d: {  	_ =	shalt  }
0x4e: {  	_ =	shalt  }
0x4f: {  	_ =	shalt  }
0x50: {  	_ =	shalt  }
0x51: {  	_ =	shalt  }
0x52: {  	_ =	shalt  }
0x53: {  	_ =	shalt  }
0x54: {  	_ =	shalt  }
0x55: {  	_ =	shalt  }
0x56: {  	_ =	shalt  }
0x57: {  	_ =	shalt  }
0x58: {  	_ =	shalt  }
0x59: {  	_ =	shalt  }
0x5a: {  	_ =	shalt  }
0x5b: {  	_ =	shalt  }
0x5c: {  	_ =	shalt  }
0x5d: {  	_ =	shalt  }
0x5e: {  	_ =	shalt  }
0x5f: {  	_ =	shalt  }
0x60: {  	_ =	shalt  }
0x61: {  	_ =	shalt  }
0x62: {  	_ =	shalt  }
0x63: {  	_ =	shalt  }
0x64: {  	_ =	shalt  }
0x65: {  	_ =	shalt  }
0x66: {  	_ =	shalt  }
0x67: {  	_ =	shalt  }
0x68: {  	_ =	shalt  }
0x69: {  	_ =	shalt  }
0x6a: {  	_ =	shalt  }
0x6b: {  	_ =	shalt  }
0x6c: {  	_ =	shalt  }
0x6d: {  	_ =	shalt  }
0x6e: {  	_ =	shalt  }
0x6f: {  	_ =	shalt  }
0x70: {  	_ =	shalt  }
0x71: {  	_ =	shalt  }
0x72: {  	_ =	shalt  }
0x73: {  	_ =	shalt  }
0x74: {  	_ =	shalt  }
0x75: {  	_ =	shalt  }
0x76: {  	_ =	shalt  }
0x77: {  	_ =	shalt  }
0x78: {  	_ =	shalt  }
0x79: {  	_ =	shalt  }
0x7a: {  	_ =	shalt  }
0x7b: {  	_ =	shalt  }
0x7c: {  	_ =	shalt  }
0x7d: {  	_ =	shalt  }
0x7e: {  	_ =	shalt  }
0x7f: {  	_ =	shalt  }
0x80: {  	_ =	shalt  }
0x81: {  	_ =	shalt  }
0x82: {  	_ =	shalt  }
0x83: {  	_ =	shalt  }
0x84: {  	_ =	shalt  }
0x85: {  	_ =	shalt  }
0x86: {  	_ =	shalt  }
0x87: {  	_ =	shalt  }
.Lfunc_end0:
.L_simem_size_0:
called_computation_lowered:
.L_overlay_start_0:
0x88: {  	s2 =	sld [smem:$0x3FD9]  }
0x89: {  	s3 =	sld [smem:$0x3FFE];
	_ =	sdelay $0x1  }
0x8a: {  	s1 =	srdreg.scid  }
0x8b: {  	s0 =	sand.u32 $0x1, s1  }
0x8c: {  	s17 =	sshll.u32 s0, $0xA;
	s2 =	sadd.s32 s3, s2  }
0x8d: {  	s2 =	sadd.s32 s2, s17  }
0x8e: {  	[smem:$0x3FB9] =	sst s2  }
0x8f: {  	_ = 	snop  }
0x90: {  	s2 =	sld [smem:$0x3FC9]  }
0x91: {  	s18 =	sld [smem:$0x3FD0];
	(tm) =	ssettm $0x1  }
0x92: {  	s4 =	sld [smem:$0x3FFB];
	_ =	sdelay $0x3  }
0x93: {  	_ =	strace s4  }
0x94: {  	s4 =	sld [smem:$0x3FFC];
	_ =	sdelay $0x3  }
0x95: {  	_ =	strace s4  }
0x96: {  	s4 =	sld [smem:$0x3FFD];
	_ =	sdelay $0x3  }
0x97: {  	_ =	strace s4  }
0x98: {  	_ =	strace $0x8FFFFFFF  }
0x99: {  	s19 =	sld [smem:$0x3FDB];
	_ =	sdelay $0x1  }
0x9a: {  	s5 =	simm.s32 $_scs_section_size  }
0x9b: {  	s6 =	simm.s32 $_size__tile_overlayer_lowered;
	s7 =	simm.s32 $_tile_overlayer_lowered  }
0x9c: {  	s22 =	simm.s32 $0x1BFF;
	s21 =	sshll.u32 s7, $0x1;
	s4 =	sadd.s32 s5, s19  }
0x9d: {  	s8 =	simm.s32 $0x0;
	s20 =	sshll.u32 s6, $0x1;
	s6 =	sadd.s32 s21, s4  }
0x9e: {  	[timem:s8], [sflag:s22] =	dma.local [hbm:s6], s20  }
0x9f: {  	_ =	swait.ge [sflag:s22], s20  }
0xa0: {  	s5 =	ssub.s32 $0x0, s20;
	[sflag:s22] =	ssyncset.done $0x0  }
0xa1: {  	[sflag:s22] =	ssyncadd.s32 s5;
	_ =	sdelay $0x1  }
0xa2: {  	s23 =	simm.s32 $0x1B8B  }
0xa3: {  	_ =	swait.ge [sflag:s23], $0x1  }
0xa4: {  	[sflag:s23] =	ssyncset.done $0x0  }
0xa5: {  	s25 =	simm.s32 $0x1B8E;
	s24 =	sld [smem:$0x3FFE];
	[sflag:s23] =	ssyncadd.s32 $0xFFFFFFFF  }
0xa6: {  	s26 =	simm.s32 $execute0_lowered;
	[smem:$0x3FD2] =	sst s25  }
0xa7: {  	s6 =	sshll.u32 s26, $0x1;
	_ =	strace $0x80000046;
	[dreg:$0x1] =	wrdreg $0xFFFFFFFF  }
0xa8: {  	s28 =	simm.s32 $_size_execute0_lowered;
	s4 =	sadd.s32 s4, s6;
	[dreg:$0x0] =	wrdreg $0x0  }
0xa9: {  	s6 =	sshll.u32 s28, $0x1;
	[dreg:$0x2] =	wrdreg s4  }
0xaa: {  	[dreg:$0x3] =	wrdreg s6  }
0xab: {  	[dreg:$0x4] =	wrdreg $0xC0  }
0xac: {  	_ =	task [dreg:s8], $0x5FFFF  }
0xad: {  	[dreg:$0x1] =	wrdreg $0xFFFFFFFF  }
0xae: {  	[dreg:$0x0] =	wrdreg $0x60  }
0xaf: {  	[dreg:$0x2] =	wrdreg s24  }
0xb0: {  	[dreg:$0x3] =	wrdreg s2  }
0xb1: {  	[dreg:$0x4] =	wrdreg s18  }
0xb2: {  	[dreg:$0x5] =	wrdreg $0x9  }
0xb3: {  	_ =	task.clear_ibuf [dreg:s8], $0x6FFFF;
	_ =	strace $0x90000046  }
0xb4: {  	s29 =	simm.s32 $0x9;
	_ =	strace $0x80000048  }
0xb5: {  	_ =	swait.ge [sflag:s29], $0x1  }
0xb6: {  	[sflag:s29] =	ssyncadd.s32 $0xFFFFFFFF  }
0xb7: {  	_ =	strace $0x90000048  }
0xb8: {  	_ =	sfence  }
0xb9: {  	s30 =	sld [smem:$0x0];
	_ =	sdelay $0x2  }
0xba: {  	s31 =	sshll.u32 s1, $0xD;
	s1 =	sshrl.u32 s1, $0x2  }
0xbb: {  	s3 =	sand.u32 $0x4000, s31;
	s1 =	sadd.s32 s1, s30  }
0xbc: {  	s0 =	sor.u32 s3, s0;
	s1 =	sshll.u32 s1, $0x11  }
0xbd: {  	s0 =	sor.u32 s1, s0  }
0xbe: {  	s0 =	sadd.s32 $0x8F2B, s0  }
0xbf: {  	[sflag:s0] =	ssyncadd.remote.s32 $0x1  }
0xc0: {  	_ =	sfence.sel $0xFFFF  }
0xc1: {  	[dreg:$0x0] =	wrdreg $0xFFFFFFFF;
	(pc) =	sbr.abs _section_cstart, $3  }
0xc2: {  	[dreg:$0x1] =	wrdreg $0xFFFFFFFF  }
0xc3: {  	_ =	task.clear_ibuf [dreg:s8], $0x2FFFF;
	_ =	strace $0x9FFFFFFF  }
0xc4: {  	(tm) =	ssettm $0x7FFFFFFF  }
0xc5: {  	_ =	shalt  }
tec
execute0_lowered:
.L_overlay_start_1:
0x0: {  	(tag) =	ssettag $0x1  }
0x1: {  	s0 =	rddreg [dreg:$0x0]  }
0x2: {  	s3 =	rddreg [dreg:$0x1]  }
0x3: {  	s1 =	rddreg [dreg:$0x2]  }
0x4: {  	s4 =	srdreg.scid;
	s5 =	stileid.u32  }
0x5: {  	s2 =	simm.s32 $0x0;
	s4 =	sand.u32 $0x1, s4;
	s5 =	sshll.u32 s5, $0x1  }
0x6: {  	[smem:$0x7FF] =	sst s2;
	s5 =	sor.u32 s4, s5  }
0x7: {  	s6 =	sadd.s32 $0x24E800, s0;
	s24 =	sadd.s32 $0x6200, s0;
	s7 =	smul.u32 $0xC8, s5  }
0x8: {  	_ =	strace $0x80000047;
	s9 =	sshll.u32 s5, $0x2;
	s10 =	smul.u32 $0x3200, s5  }
0x9: {  	[dreg:$0x4] =	wrdreg s6;
	s8 =	smul.u32 $0x19000, s5;
	s3 =	sadd.s32 s3, s9  }
0xa: {  	s23 =	sadd.s32 s7, s0;
	[dreg:$0x6] =	wrdreg s3;
	s26 =	sadd.s32 s24, s10  }
0xb: {  	s5 =	sshll.u32 s5, $0x8;
	s6 =	sadd.s32 $0x4800, s23;
	[dreg:$0x7] =	wrdreg s26  }
0xc: {  	s26 =	sadd.s32 s1, s5;
	[dreg:$0x5] =	wrdreg s6  }
0xd: {  	s25 =	sshrl.u32 s8, $0x3;
	s5 =	simm.s32 $0xF0;
	[dreg:$0x1b] =	wrdreg s26  }
0xe: {  	s6 =	sadd.s32 s24, s25;
	[dreg:$0x1d] =	wrdreg s5;
	s26 =	simm.s32 $0x5F0  }
0xf: {  	s28 =	sadd.s32 $0x280, s6;
	[smem:$0x7FC] =	sst s26  }
0x10: {  	s7 =	sadd.s32 $0x500, s6;
	[dreg:$0x8] =	wrdreg s28  }
0x11: {  	s8 =	sadd.s32 $0x780, s6;
	[dreg:$0x9] =	wrdreg s7  }
0x12: {  	s9 =	sadd.s32 $0xA00, s6;
	[dreg:$0xa] =	wrdreg s8  }
0x13: {  	s10 =	sadd.s32 $0xC80, s6;
	[dreg:$0xb] =	wrdreg s9  }
0x14: {  	s11 =	sadd.s32 $0xF00, s6;
	[dreg:$0xc] =	wrdreg s10  }
0x15: {  	s12 =	sadd.s32 $0x1180, s6;
	[dreg:$0xd] =	wrdreg s11  }
0x16: {  	s13 =	sadd.s32 $0x1400, s6;
	[dreg:$0xe] =	wrdreg s12  }
0x17: {  	s14 =	sadd.s32 $0x1680, s6;
	[dreg:$0xf] =	wrdreg s13  }
0x18: {  	s15 =	sadd.s32 $0x1900, s6;
	[dreg:$0x10] =	wrdreg s14  }
0x19: {  	s16 =	sadd.s32 $0x1B80, s6;
	[dreg:$0x11] =	wrdreg s15  }
0x1a: {  	s29 =	simm.s32 $0x1A40;
	s17 =	sadd.s32 $0x1E00, s6;
	[dreg:$0x12] =	wrdreg s16  }
0x1b: {  	s31 =	simm.s32 $0xBA40;
	s18 =	sadd.s32 $0x2080, s6;
	[dreg:$0x13] =	wrdreg s17  }
0x1c: {  	s30 =	simm.s32 $0xCE40;
	s19 =	sadd.s32 $0x2300, s6;
	[dreg:$0x14] =	wrdreg s18  }
0x1d: {  	p0 =	por $0x0, $0x0;
	s20 =	sadd.s32 $0x2580, s6;
	[dreg:$0x15] =	wrdreg s19  }
0x1e: {  	s4 =	ssub.s32 $0x2, s4;
	s21 =	sadd.s32 $0x2800, s6;
	[dreg:$0x16] =	wrdreg s20  }
0x1f: {  	s3 =	simm.s32 $0x17;
	s22 =	sadd.s32 $0x2A80, s6;
	[dreg:$0x17] =	wrdreg s21  }
0x20: {  	s23 =	sshrl.u32 s4, $0x1;
	s24 =	sadd.s32 $0x2D00, s6;
	[dreg:$0x18] =	wrdreg s22  }
0x21: {  	s1 =	sadd.s32 $0x18B200, s0;
	s25 =	sadd.s32 $0x2F80, s6;
	[dreg:$0x19] =	wrdreg s24  }
0x22: {  	s4 =	ssub.s32 s4, s23;
	[dreg:$0x1a] =	wrdreg s25;
	s28 =	simm.s32 $0xA0  }
0x23: {  	s5 =	simm.s32 $0x9240;
	s7 =	simm.s32 $0x140;
	[dreg:$0x1c] =	wrdreg s28  }
0x24: {  	s23 =	simm.s32 $0xF640;
	s8 =	simm.s32 $0x190;
	[dreg:$0x1e] =	wrdreg s7  }
0x25: {  	s0 =	smax.u32 s4, $0x1;
	s9 =	simm.s32 $0x1E0;
	[dreg:$0x1f] =	wrdreg s8  }
0x26: {  	s6 =	simm.s32 $0x50;
	s13 =	simm.s32 $0x230;
	[smem:$0x7EF] =	sst s9  }
0x27: {  	s4 =	simm.s32 $0x15;
	s14 =	simm.s32 $0x280;
	[smem:$0x7F0] =	sst s13  }
0x28: {  	s12 =	simm.s32 $0x2E40;
	s15 =	simm.s32 $0x2D0;
	[smem:$0x7F1] =	sst s14  }
0x29: {  	s11 =	simm.s32 $0x4240;
	s16 =	simm.s32 $0x320;
	[smem:$0x7F2] =	sst s15  }
0x2a: {  	s10 =	simm.s32 $0x5640;
	s17 =	simm.s32 $0x370;
	[smem:$0x7F3] =	sst s16  }
0x2b: {  	s18 =	simm.s32 $0x3C0;
	s19 =	simm.s32 $0x410;
	[smem:$0x7F4] =	sst s17  }
0x2c: {  	s20 =	simm.s32 $0x460;
	s21 =	simm.s32 $0x4B0;
	[smem:$0x7F5] =	sst s18  }
0x2d: {  	s22 =	simm.s32 $0x500;
	s24 =	simm.s32 $0x550;
	[smem:$0x7F6] =	sst s19  }
0x2e: {  	s25 =	simm.s32 $0x5A0;
	p1 =	sne.s32 s0, $0x1;
	[smem:$0x7F7] =	sst s20  }
0x2f: {  	s0 =	sadd.s32 $0xFFFFFFFF, s0;
	s9 =	simm.s32 $0x6A40;
	[smem:$0x7F8] =	sst s21  }
0x30: {  	s8 =	simm.s32 $0x7E40;
	s7 =	simm.s32 $0xE240;
	[smem:$0x7F9] =	sst s22  }
.Ltmp0:
0x31: {  	s20 =	simm.s32 $0x11E40;
	[smem:$0x7FA] =	sst s24;
	(pc) =	sbr.rel @!p1 .LBB2_5-.Ltmp0, $4  }
0x32: {  	s17 =	simm.s32 $0x14640;
	[smem:$0x7FB] =	sst s25;
	s28 =	simm.s32 $0x20  }
0x33: {  	s24 =	simm.s32 $0x16E40;
	s22 =	simm.s32 $0x1;
	s21 =	simm.s32 $0x2  }
0x34: {  	s19 =	simm.s32 $0x3;
	s18 =	simm.s32 $0x4;
	s16 =	simm.s32 $0x5  }
0x35: {  	s15 =	simm.s32 $0x6;
	s14 =	simm.s32 $0x7;
	[smem:$0x7FD] =	sst s28  }
0x36: {  	s25 =	rddreg [dreg:$0x5]  }
0x37: {  	[tilespmem:s2], [sflag:$0x17] =	stream.linear.gather [hbm4b:s25+s2], $0x640, $0x38;
	[tilespmem:$0x19E60] =	vst v63  }
0x38: {  	_ =	swait.ge [sflag:s3], $0x640  }
0x39: {  	[sflag:s3] =	ssyncset.done $0x0  }
0x3a: {  	s13 =	simm.s32 $0x640;
	s18 =	rddreg [dreg:$0x1c];
	[sflag:s3] =	ssyncadd.s32 $0xFFFFF9C0  }
0x3b: {  	[tilespmem:s13], [sflag:$0x1] =	stream.indirect.gather [hbm4b:s1+s6], $0x40, s2, s6, $0xb8;
	[tilespmem:$0x19E60] =	vst v63  }
0x3c: {  	s16 =	rddreg [dreg:$0x1d]  }
0x3d: {  	[tilespmem:s29], [sflag:$0x2] =	stream.indirect.gather [hbm4b:s1+s6], $0x40, s6, s6, $0xb8;
	[tilespmem:$0x19E60] =	vst v63  }
0x3e: {  	s19 =	rddreg [dreg:$0x1e]  }
0x3f: {  	[tilespmem:s12], [sflag:$0x3] =	stream.indirect.gather [hbm4b:s1+s6], $0x40, s18, s6, $0xb8;
	[tilespmem:$0x19E60] =	vst v63  }
0x40: {  	s21 =	rddreg [dreg:$0x1f]  }
0x41: {  	[tilespmem:s11], [sflag:$0x4] =	stream.indirect.gather [hbm4b:s1+s6], $0x40, s16, s6, $0xb8;
	[tilespmem:$0x19E60] =	vst v63  }
0x42: {  	s22 =	sld [smem:$0x7EF]  }
0x43: {  	[tilespmem:s10], [sflag:$0x5] =	stream.indirect.gather [hbm4b:s1+s6], $0x40, s19, s6, $0xb8;
	[tilespmem:$0x19E60] =	vst v63  }
0x44: {  	s26 =	sld [smem:$0x7F0]  }
0x45: {  	[tilespmem:s9], [sflag:$0x6] =	stream.indirect.gather [hbm4b:s1+s6], $0x40, s21, s6, $0xb8;
	[tilespmem:$0x19E60] =	vst v63  }
0x46: {  	s28 =	sld [smem:$0x7F1]  }
0x47: {  	[tilespmem:s8], [sflag:$0x7] =	stream.indirect.gather [hbm4b:s1+s6], $0x40, s22, s6, $0xb8;
	[tilespmem:$0x19E60] =	vst v63  }
0x48: {  	[smem:$0x7EE] =	sst s0  }
0x49: {  	[tilespmem:s5], [sflag:$0x8] =	stream.indirect.gather [hbm4b:s1+s6], $0x40, s26, s6, $0xb8;
	[tilespmem:$0x19E60] =	vst v63  }
0x4a: {  	s0 =	simm.s32 $0xA640;
	s18 =	sld [smem:$0x7F2]  }
0x4b: {  	[tilespmem:s0], [sflag:$0x9] =	stream.indirect.gather [hbm4b:s1+s6], $0x40, s28, s6, $0xb8;
	[tilespmem:$0x19E60] =	vst v63  }
0x4c: {  	s19 =	sld [smem:$0x7F3]  }
0x4d: {  	[tilespmem:s31], [sflag:$0xA] =	stream.indirect.gather [hbm4b:s1+s6], $0x40, s18, s6, $0xb8;
	[tilespmem:$0x19E60] =	vst v63  }
0x4e: {  	s21 =	sld [smem:$0x7F4]  }
0x4f: {  	[tilespmem:s30], [sflag:$0xB] =	stream.indirect.gather [hbm4b:s1+s6], $0x40, s19, s6, $0xb8;
	[tilespmem:$0x19E60] =	vst v63  }
0x50: {  	s22 =	sld [smem:$0x7F5]  }
0x51: {  	[tilespmem:s7], [sflag:$0xC] =	stream.indirect.gather [hbm4b:s1+s6], $0x40, s21, s6, $0xb8;
	[tilespmem:$0x19E60] =	vst v63  }
0x52: {  	s28 =	sld [smem:$0x7F6]  }
0x53: {  	[tilespmem:s23], [sflag:$0xD] =	stream.indirect.gather [hbm4b:s1+s6], $0x40, s22, s6, $0xb8;
	[tilespmem:$0x19E60] =	vst v63  }
0x54: {  	s25 =	sld [smem:$0x7F7];
	s23 =	simm.s32 $0x10A40  }
0x55: {  	[tilespmem:s23], [sflag:$0xE] =	stream.indirect.gather [hbm4b:s1+s6], $0x40, s28, s6, $0xb8;
	[tilespmem:$0x19E60] =	vst v63  }
0x56: {  	s28 =	sld [smem:$0x7F8]  }
0x57: {  	[tilespmem:s20], [sflag:$0xF] =	stream.indirect.gather [hbm4b:s1+s6], $0x40, s25, s6, $0xb8;
	[tilespmem:$0x19E60] =	vst v63  }
0x58: {  	s25 =	sld [smem:$0x7F9];
	s20 =	simm.s32 $0x13240  }
0x59: {  	[tilespmem:s20], [sflag:$0x10] =	stream.indirect.gather [hbm4b:s1+s6], $0x40, s28, s6, $0xb8;
	[tilespmem:$0x19E60] =	vst v63  }
0x5a: {  	s28 =	sld [smem:$0x7FA]  }
0x5b: {  	[tilespmem:s17], [sflag:$0x11] =	stream.indirect.gather [hbm4b:s1+s6], $0x40, s25, s6, $0xb8;
	[tilespmem:$0x19E60] =	vst v63  }
0x5c: {  	s25 =	sld [smem:$0x7FB];
	s17 =	simm.s32 $0x15A40  }
0x5d: {  	[tilespmem:s17], [sflag:$0x12] =	stream.indirect.gather [hbm4b:s1+s6], $0x40, s28, s6, $0xb8;
	[tilespmem:$0x19E60] =	vst v63  }
0x5e: {  	s28 =	sld [smem:$0x7FC]  }
0x5f: {  	[tilespmem:s24], [sflag:$0x13] =	stream.indirect.gather [hbm4b:s1+s6], $0x40, s25, s6, $0xb8;
	[tilespmem:$0x19E60] =	vst v63  }
0x60: {  	s24 =	simm.s32 $0x18240  }
0x61: {  	[tilespmem:s24], [sflag:$0x14] =	stream.indirect.gather [hbm4b:s1+s6], $0x40, s28, s6, $0xb8;
	[tilespmem:$0x19E60] =	vst v63  }
0x62: {  	s25 =	rddreg [dreg:$0x6];
	s28 =	simm.s32 $0x19640  }
0x63: {  	[tilespmem:s28], [sflag:$0x17] =	stream.linear.gather [hbm4b:s25+s2], $0x20, $0x38;
	[tilespmem:$0x19E60] =	vst v63  }
0x64: {  	_ =	swait.ge [sflag:s3], $0x20  }
0x65: {  	s25 =	rddreg [dreg:$0x4]  }
0x66: {  	[smem:$0x7ED] =	sst s25  }
0x67: {  	s25 =	sld [smem:$0x7FD]  }
0x68: {  	s24 =	sld [smem:$0x7ED]  }
0x69: {  	[sflag:s3] =	ssyncset.done $0x0  }
0x6a: {  	s15 =	simm.s32 $0x19660;
	s26 =	simm.s32 $0x1;
	[sflag:s3] =	ssyncadd.s32 $0xFFFFFFE0  }
0x6b: {  	[tilespmem:s15], [sflag:$0x16] =	stream.indirect.gather [hbm4b:s24+s25], $0x40, s28, s25, $0xb8;
	[tilespmem:$0x19E60] =	vst v63  }
0x6c: {  	_ =	swait.ge [sflag:s26], $0x1400  }
0x6d: {  	[sflag:s26] =	ssyncset.done $0x0  }
0x6e: {  	s22 =	simm.s32 $0x2;
	s15 =	rddreg [dreg:$0x7];
	[sflag:s26] =	ssyncadd.s32 $0xFFFFEC00  }
0x6f: {  	[hbm4b:s15+s2] =	stream.linear.scatter [tilespmem:s13], [sflag:$0x15], $0x1400, $0x38;
	[tilespmem:$0x19E60] =	vst v63  }
0x70: {  	_ =	swait.ge [sflag:s22], $0x1400  }
0x71: {  	[sflag:s22] =	ssyncset.done $0x0  }
0x72: {  	s21 =	simm.s32 $0x3;
	s24 =	rddreg [dreg:$0x8];
	[sflag:s22] =	ssyncadd.s32 $0xFFFFEC00  }
0x73: {  	[hbm4b:s24+s2] =	stream.linear.scatter [tilespmem:s29], [sflag:$0x15], $0x1400, $0x38;
	[tilespmem:$0x19E60] =	vst v63  }
0x74: {  	_ =	swait.ge [sflag:s21], $0x1400  }
0x75: {  	[sflag:s21] =	ssyncset.done $0x0  }
0x76: {  	s19 =	simm.s32 $0x4;
	s13 =	rddreg [dreg:$0x9];
	[sflag:s21] =	ssyncadd.s32 $0xFFFFEC00  }
0x77: {  	[hbm4b:s13+s2] =	stream.linear.scatter [tilespmem:s12], [sflag:$0x15], $0x1400, $0x38;
	[tilespmem:$0x19E60] =	vst v63  }
0x78: {  	_ =	swait.ge [sflag:s19], $0x1400  }
0x79: {  	[sflag:s19] =	ssyncset.done $0x0  }
0x7a: {  	s18 =	simm.s32 $0x5;
	s15 =	rddreg [dreg:$0xa];
	[sflag:s19] =	ssyncadd.s32 $0xFFFFEC00  }
0x7b: {  	[hbm4b:s15+s2] =	stream.linear.scatter [tilespmem:s11], [sflag:$0x15], $0x1400, $0x38;
	[tilespmem:$0x19E60] =	vst v63  }
0x7c: {  	_ =	swait.ge [sflag:s18], $0x1400  }
0x7d: {  	[sflag:s18] =	ssyncset.done $0x0  }
0x7e: {  	s16 =	simm.s32 $0x6;
	s19 =	rddreg [dreg:$0xb];
	[sflag:s18] =	ssyncadd.s32 $0xFFFFEC00  }
0x7f: {  	[hbm4b:s19+s2] =	stream.linear.scatter [tilespmem:s10], [sflag:$0x15], $0x1400, $0x38;
	[tilespmem:$0x19E60] =	vst v63  }
0x80: {  	_ =	swait.ge [sflag:s16], $0x1400  }
0x81: {  	[sflag:s16] =	ssyncset.done $0x0  }
0x82: {  	s21 =	rddreg [dreg:$0xc];
	[sflag:s16] =	ssyncadd.s32 $0xFFFFEC00  }
0x83: {  	[hbm4b:s21+s2] =	stream.linear.scatter [tilespmem:s9], [sflag:$0x15], $0x1400, $0x38;
	[tilespmem:$0x19E60] =	vst v63  }
0x84: {  	_ =	swait.ge [sflag:s14], $0x1400  }
0x85: {  	[sflag:s14] =	ssyncset.done $0x0  }
0x86: {  	s25 =	simm.s32 $0x8;
	s24 =	rddreg [dreg:$0xd];
	[sflag:s14] =	ssyncadd.s32 $0xFFFFEC00  }
0x87: {  	[hbm4b:s24+s2] =	stream.linear.scatter [tilespmem:s8], [sflag:$0x15], $0x1400, $0x38;
	[tilespmem:$0x19E60] =	vst v63  }
0x88: {  	_ =	swait.ge [sflag:s25], $0x1400  }
0x89: {  	[sflag:s25] =	ssyncset.done $0x0  }
0x8a: {  	s10 =	simm.s32 $0x9;
	s9 =	rddreg [dreg:$0xe];
	[sflag:s25] =	ssyncadd.s32 $0xFFFFEC00  }
0x8b: {  	[hbm4b:s9+s2] =	stream.linear.scatter [tilespmem:s5], [sflag:$0x15], $0x1400, $0x38;
	[tilespmem:$0x19E60] =	vst v63  }
0x8c: {  	_ =	swait.ge [sflag:s10], $0x1400  }
0x8d: {  	[sflag:s10] =	ssyncset.done $0x0  }
0x8e: {  	s12 =	simm.s32 $0xA;
	s11 =	rddreg [dreg:$0xf];
	[sflag:s10] =	ssyncadd.s32 $0xFFFFEC00  }
0x8f: {  	[hbm4b:s11+s2] =	stream.linear.scatter [tilespmem:s0], [sflag:$0x15], $0x1400, $0x38;
	[tilespmem:$0x19E60] =	vst v63  }
0x90: {  	_ =	swait.ge [sflag:s12], $0x1400  }
0x91: {  	[sflag:s12] =	ssyncset.done $0x0  }
0x92: {  	s14 =	simm.s32 $0xB;
	s13 =	rddreg [dreg:$0x10];
	[sflag:s12] =	ssyncadd.s32 $0xFFFFEC00  }
0x93: {  	[hbm4b:s13+s2] =	stream.linear.scatter [tilespmem:s31], [sflag:$0x15], $0x1400, $0x38;
	[tilespmem:$0x19E60] =	vst v63  }
0x94: {  	_ =	swait.ge [sflag:s14], $0x1400  }
0x95: {  	[sflag:s14] =	ssyncset.done $0x0  }
0x96: {  	s16 =	simm.s32 $0xC;
	s15 =	rddreg [dreg:$0x11];
	[sflag:s14] =	ssyncadd.s32 $0xFFFFEC00  }
0x97: {  	[hbm4b:s15+s2] =	stream.linear.scatter [tilespmem:s30], [sflag:$0x15], $0x1400, $0x38;
	[tilespmem:$0x19E60] =	vst v63  }
0x98: {  	_ =	swait.ge [sflag:s16], $0x1400  }
0x99: {  	[sflag:s16] =	ssyncset.done $0x0  }
0x9a: {  	s19 =	simm.s32 $0xD;
	s18 =	rddreg [dreg:$0x12];
	[sflag:s16] =	ssyncadd.s32 $0xFFFFEC00  }
0x9b: {  	[hbm4b:s18+s2] =	stream.linear.scatter [tilespmem:s7], [sflag:$0x15], $0x1400, $0x38;
	[tilespmem:$0x19E60] =	vst v63  }
0x9c: {  	_ =	swait.ge [sflag:s19], $0x1400  }
0x9d: {  	s24 =	simm.s32 $0xF640;
	[sflag:s19] =	ssyncset.done $0x0  }
0x9e: {  	s30 =	simm.s32 $0xE;
	s21 =	rddreg [dreg:$0x13];
	[sflag:s19] =	ssyncadd.s32 $0xFFFFEC00  }
0x9f: {  	[hbm4b:s21+s2] =	stream.linear.scatter [tilespmem:s24], [sflag:$0x15], $0x1400, $0x38;
	[tilespmem:$0x19E60] =	vst v63  }
0xa0: {  	_ =	swait.ge [sflag:s30], $0x1400  }
0xa1: {  	[sflag:s30] =	ssyncset.done $0x0  }
0xa2: {  	s7 =	simm.s32 $0xF;
	s31 =	rddreg [dreg:$0x14];
	[sflag:s30] =	ssyncadd.s32 $0xFFFFEC00  }
0xa3: {  	[hbm4b:s31+s2] =	stream.linear.scatter [tilespmem:s23], [sflag:$0x15], $0x1400, $0x38;
	[tilespmem:$0x19E60] =	vst v63  }
0xa4: {  	_ =	swait.ge [sflag:s7], $0x1400  }
0xa5: {  	s9 =	simm.s32 $0x11E40;
	[sflag:s7] =	ssyncset.done $0x0  }
0xa6: {  	s10 =	simm.s32 $0x10;
	s8 =	rddreg [dreg:$0x15];
	[sflag:s7] =	ssyncadd.s32 $0xFFFFEC00  }
0xa7: {  	[hbm4b:s8+s2] =	stream.linear.scatter [tilespmem:s9], [sflag:$0x15], $0x1400, $0x38;
	[tilespmem:$0x19E60] =	vst v63  }
0xa8: {  	_ =	swait.ge [sflag:s10], $0x1400  }
0xa9: {  	[sflag:s10] =	ssyncset.done $0x0  }
0xaa: {  	s12 =	simm.s32 $0x11;
	s11 =	rddreg [dreg:$0x16];
	[sflag:s10] =	ssyncadd.s32 $0xFFFFEC00  }
0xab: {  	[hbm4b:s11+s2] =	stream.linear.scatter [tilespmem:s20], [sflag:$0x15], $0x1400, $0x38;
	[tilespmem:$0x19E60] =	vst v63  }
0xac: {  	_ =	swait.ge [sflag:s12], $0x1400  }
0xad: {  	s14 =	simm.s32 $0x14640;
	[sflag:s12] =	ssyncset.done $0x0  }
0xae: {  	s15 =	simm.s32 $0x12;
	s13 =	rddreg [dreg:$0x17];
	[sflag:s12] =	ssyncadd.s32 $0xFFFFEC00  }
0xaf: {  	[hbm4b:s13+s2] =	stream.linear.scatter [tilespmem:s14], [sflag:$0x15], $0x1400, $0x38;
	[tilespmem:$0x19E60] =	vst v63  }
0xb0: {  	_ =	swait.ge [sflag:s15], $0x1400  }
0xb1: {  	[sflag:s15] =	ssyncset.done $0x0  }
0xb2: {  	s18 =	simm.s32 $0x13;
	s16 =	rddreg [dreg:$0x18];
	[sflag:s15] =	ssyncadd.s32 $0xFFFFEC00  }
0xb3: {  	[hbm4b:s16+s2] =	stream.linear.scatter [tilespmem:s17], [sflag:$0x15], $0x1400, $0x38;
	[tilespmem:$0x19E60] =	vst v63  }
0xb4: {  	_ =	swait.ge [sflag:s18], $0x1400  }
0xb5: {  	s21 =	simm.s32 $0x14;
	[sflag:s18] =	ssyncset.done $0x0  }
0xb6: {  	s20 =	simm.s32 $0x16E40;
	s19 =	rddreg [dreg:$0x19];
	[sflag:s18] =	ssyncadd.s32 $0xFFFFEC00  }
0xb7: {  	[hbm4b:s19+s2] =	stream.linear.scatter [tilespmem:s20], [sflag:$0x15], $0x1400, $0x38;
	[tilespmem:$0x19E60] =	vst v63  }
0xb8: {  	_ =	swait.ge [sflag:s21], $0x1400  }
0xb9: {  	s25 =	simm.s32 $0x16;
	[sflag:s21] =	ssyncset.done $0x0  }
0xba: {  	s24 =	simm.s32 $0x18240;
	s23 =	rddreg [dreg:$0x1a];
	[sflag:s21] =	ssyncadd.s32 $0xFFFFEC00  }
0xbb: {  	[hbm4b:s23+s2] =	stream.linear.scatter [tilespmem:s24], [sflag:$0x15], $0x1400, $0x38;
	[tilespmem:$0x19E60] =	vst v63  }
0xbc: {  	_ =	swait.ge [sflag:s25], $0x800  }
0xbd: {  	[sflag:s25] =	ssyncset.done $0x0  }
0xbe: {  	s28 =	simm.s32 $0x19660;
	s30 =	rddreg [dreg:$0x1b];
	[sflag:s25] =	ssyncadd.s32 $0xFFFFF800  }
0xbf: {  	[hbm4b:s30+s2] =	stream.linear.scatter [tilespmem:s28], [sflag:$0x17], $0x800, $0x38;
	[tilespmem:$0x19E60] =	vst v63  }
0xc0: {  	_ =	swait.ge [sflag:s3], $0x800  }
0xc1: {  	[sflag:s3] =	ssyncset.done $0x0  }
0xc2: {  	[sflag:s3] =	ssyncadd.s32 $0xFFFFF800  }
0xc3: {  	_ =	swait.ge [sflag:s4], $0x1400  }
0xc4: {  	[sflag:s4] =	ssyncset.done $0x0  }
0xc5: {  	[sflag:s4] =	ssyncadd.s32 $0xFFFFEC00  }
0xc6: {  	_ =	swait.ge [sflag:s4], $0x1400  }
0xc7: {  	[sflag:s4] =	ssyncset.done $0x0  }
0xc8: {  	[sflag:s4] =	ssyncadd.s32 $0xFFFFEC00  }
0xc9: {  	_ =	swait.ge [sflag:s4], $0x1400  }
0xca: {  	[sflag:s4] =	ssyncset.done $0x0  }
0xcb: {  	[sflag:s4] =	ssyncadd.s32 $0xFFFFEC00  }
0xcc: {  	_ =	swait.ge [sflag:s4], $0x1400  }
0xcd: {  	[sflag:s4] =	ssyncset.done $0x0  }
0xce: {  	[sflag:s4] =	ssyncadd.s32 $0xFFFFEC00  }
0xcf: {  	_ =	swait.ge [sflag:s4], $0x1400  }
0xd0: {  	[sflag:s4] =	ssyncset.done $0x0  }
0xd1: {  	[sflag:s4] =	ssyncadd.s32 $0xFFFFEC00  }
0xd2: {  	_ =	swait.ge [sflag:s4], $0x1400  }
0xd3: {  	[sflag:s4] =	ssyncset.done $0x0  }
0xd4: {  	[sflag:s4] =	ssyncadd.s32 $0xFFFFEC00  }
0xd5: {  	_ =	swait.ge [sflag:s4], $0x1400  }
0xd6: {  	[sflag:s4] =	ssyncset.done $0x0  }
0xd7: {  	[sflag:s4] =	ssyncadd.s32 $0xFFFFEC00  }
0xd8: {  	_ =	swait.ge [sflag:s4], $0x1400  }
0xd9: {  	[sflag:s4] =	ssyncset.done $0x0  }
0xda: {  	[sflag:s4] =	ssyncadd.s32 $0xFFFFEC00  }
0xdb: {  	_ =	swait.ge [sflag:s4], $0x1400  }
0xdc: {  	[sflag:s4] =	ssyncset.done $0x0  }
0xdd: {  	[sflag:s4] =	ssyncadd.s32 $0xFFFFEC00  }
0xde: {  	_ =	swait.ge [sflag:s4], $0x1400  }
0xdf: {  	[sflag:s4] =	ssyncset.done $0x0  }
0xe0: {  	[sflag:s4] =	ssyncadd.s32 $0xFFFFEC00  }
0xe1: {  	_ =	swait.ge [sflag:s4], $0x1400  }
0xe2: {  	[sflag:s4] =	ssyncset.done $0x0  }
0xe3: {  	[sflag:s4] =	ssyncadd.s32 $0xFFFFEC00  }
0xe4: {  	_ =	swait.ge [sflag:s4], $0x1400  }
0xe5: {  	[sflag:s4] =	ssyncset.done $0x0  }
0xe6: {  	[sflag:s4] =	ssyncadd.s32 $0xFFFFEC00  }
0xe7: {  	_ =	swait.ge [sflag:s4], $0x1400  }
0xe8: {  	[sflag:s4] =	ssyncset.done $0x0  }
0xe9: {  	[sflag:s4] =	ssyncadd.s32 $0xFFFFEC00  }
0xea: {  	_ =	swait.ge [sflag:s4], $0x1400  }
0xeb: {  	[sflag:s4] =	ssyncset.done $0x0  }
0xec: {  	[sflag:s4] =	ssyncadd.s32 $0xFFFFEC00  }
0xed: {  	_ =	swait.ge [sflag:s4], $0x1400  }
0xee: {  	[sflag:s4] =	ssyncset.done $0x0  }
0xef: {  	[sflag:s4] =	ssyncadd.s32 $0xFFFFEC00  }
0xf0: {  	_ =	swait.ge [sflag:s4], $0x1400  }
0xf1: {  	[sflag:s4] =	ssyncset.done $0x0  }
0xf2: {  	[sflag:s4] =	ssyncadd.s32 $0xFFFFEC00  }
0xf3: {  	_ =	swait.ge [sflag:s4], $0x1400  }
0xf4: {  	[sflag:s4] =	ssyncset.done $0x0  }
0xf5: {  	[sflag:s4] =	ssyncadd.s32 $0xFFFFEC00  }
0xf6: {  	_ =	swait.ge [sflag:s4], $0x1400  }
0xf7: {  	[sflag:s4] =	ssyncset.done $0x0  }
0xf8: {  	[sflag:s4] =	ssyncadd.s32 $0xFFFFEC00  }
0xf9: {  	_ =	swait.ge [sflag:s4], $0x1400  }
0xfa: {  	s31 =	sld [smem:$0x7EE];
	_ =	sdelay $0x2  }
0xfb: {  	p1 =	sne.s32 s31, $0x1  }
.Ltmp1:
0xfc: {  	_ = 	snop;
	(pc) =	sbr.rel @!p1 .LBB2_6-.Ltmp1, $4  }
0xfd: {  	_ = 	snop  }
0xfe: {  	[sflag:s4] =	ssyncset.done $0x0  }
0xff: {  	[sflag:s4] =	ssyncadd.s32 $0xFFFFEC00  }
0x100: {  	p0 =	por $0x1, $0x1;
	_ =	swait.ge [sflag:s4], $0x1400;
	s25 =	sadd.s32 $0xFFFFFFFF, s31  }
0x101: {  	s31 =	simm.s32 $0x19660;
	s21 =	simm.s32 $0x2E40;
	s19 =	simm.s32 $0x4240  }
0x102: {  	s18 =	simm.s32 $0x5640;
	s16 =	simm.s32 $0x6A40;
	s12 =	simm.s32 $0x7E40  }
0x103: {  	s11 =	simm.s32 $0xBA40;
	s10 =	simm.s32 $0xCE40;
	s9 =	simm.s32 $0xE240  }
0x104: {  	s15 =	simm.s32 $0xF640;
	s23 =	simm.s32 $0x10A40;
	s30 =	simm.s32 $0x11E40  }
0x105: {  	s0 =	simm.s32 $0x14640;
	s8 =	simm.s32 $0x16E40;
	s24 =	simm.s32 $0x18240  }
.LBB2_3:
0x106: {  	[sflag:s4] =	ssyncset.done $0x0  }
0x107: {  	s28 =	rddreg [dreg:$0x5];
	[sflag:s4] =	ssyncadd.s32 $0xFFFFEC00  }
0x108: {  	[tilespmem:s2], [sflag:$0x17] =	stream.linear.gather [hbm4b:s28+s2], $0x640, $0x38;
	[tilespmem:$0x19E60] =	vst v63  }
0x109: {  	_ =	swait.ge [sflag:s3], $0x640  }
0x10a: {  	[sflag:s3] =	ssyncset.done $0x0  }
0x10b: {  	s13 =	simm.s32 $0x640;
	[sflag:s3] =	ssyncadd.s32 $0xFFFFF9C0  }
0x10c: {  	[tilespmem:s13], [sflag:$0x1] =	stream.indirect.gather [hbm4b:s1+s6], $0x40, s2, s6, $0xb8;
	[tilespmem:$0x19E60] =	vst v63  }
0x10d: {  	s17 =	rddreg [dreg:$0x1c]  }
0x10e: {  	[tilespmem:s29], [sflag:$0x2] =	stream.indirect.gather [hbm4b:s1+s6], $0x40, s6, s6, $0xb8;
	[tilespmem:$0x19E60] =	vst v63  }
0x10f: {  	s20 =	rddreg [dreg:$0x1e]  }
0x110: {  	[tilespmem:s21], [sflag:$0x3] =	stream.indirect.gather [hbm4b:s1+s6], $0x40, s17, s6, $0xb8;
	[tilespmem:$0x19E60] =	vst v63  }
0x111: {  	s29 =	rddreg [dreg:$0x1d]  }
0x112: {  	[tilespmem:s19], [sflag:$0x4] =	stream.indirect.gather [hbm4b:s1+s6], $0x40, s29, s6, $0xb8;
	[tilespmem:$0x19E60] =	vst v63  }
0x113: {  	s7 =	sld [smem:$0x7EF]  }
0x114: {  	[tilespmem:s18], [sflag:$0x5] =	stream.indirect.gather [hbm4b:s1+s6], $0x40, s20, s6, $0xb8;
	[tilespmem:$0x19E60] =	vst v63  }
0x115: {  	s29 =	rddreg [dreg:$0x1f]  }
0x116: {  	[tilespmem:s16], [sflag:$0x6] =	stream.indirect.gather [hbm4b:s1+s6], $0x40, s29, s6, $0xb8;
	[tilespmem:$0x19E60] =	vst v63  }
0x117: {  	s29 =	sld [smem:$0x7F0]  }
0x118: {  	[tilespmem:s12], [sflag:$0x7] =	stream.indirect.gather [hbm4b:s1+s6], $0x40, s7, s6, $0xb8;
	[tilespmem:$0x19E60] =	vst v63  }
0x119: {  	s14 =	sld [smem:$0x7F1]  }
0x11a: {  	[tilespmem:s5], [sflag:$0x8] =	stream.indirect.gather [hbm4b:s1+s6], $0x40, s29, s6, $0xb8;
	[tilespmem:$0x19E60] =	vst v63  }
0x11b: {  	s29 =	sld [smem:$0x7F2];
	s5 =	simm.s32 $0xA640  }
0x11c: {  	[tilespmem:s5], [sflag:$0x9] =	stream.indirect.gather [hbm4b:s1+s6], $0x40, s14, s6, $0xb8;
	[tilespmem:$0x19E60] =	vst v63  }
0x11d: {  	s17 =	sld [smem:$0x7F3]  }
0x11e: {  	[tilespmem:s11], [sflag:$0xA] =	stream.indirect.gather [hbm4b:s1+s6], $0x40, s29, s6, $0xb8;
	[tilespmem:$0x19E60] =	vst v63  }
0x11f: {  	s29 =	sld [smem:$0x7F4]  }
0x120: {  	[tilespmem:s10], [sflag:$0xB] =	stream.indirect.gather [hbm4b:s1+s6], $0x40, s17, s6, $0xb8;
	[tilespmem:$0x19E60] =	vst v63  }
0x121: {  	s20 =	sld [smem:$0x7F5]  }
0x122: {  	[tilespmem:s9], [sflag:$0xC] =	stream.indirect.gather [hbm4b:s1+s6], $0x40, s29, s6, $0xb8;
	[tilespmem:$0x19E60] =	vst v63  }
0x123: {  	s29 =	sld [smem:$0x7F6]  }
0x124: {  	[tilespmem:s15], [sflag:$0xD] =	stream.indirect.gather [hbm4b:s1+s6], $0x40, s20, s6, $0xb8;
	[tilespmem:$0x19E60] =	vst v63  }
0x125: {  	s14 =	sld [smem:$0x7F7]  }
0x126: {  	[tilespmem:s23], [sflag:$0xE] =	stream.indirect.gather [hbm4b:s1+s6], $0x40, s29, s6, $0xb8;
	[tilespmem:$0x19E60] =	vst v63  }
0x127: {  	s29 =	sld [smem:$0x7F8]  }
0x128: {  	[tilespmem:s30], [sflag:$0xF] =	stream.indirect.gather [hbm4b:s1+s6], $0x40, s14, s6, $0xb8;
	[tilespmem:$0x19E60] =	vst v63  }
0x129: {  	s17 =	sld [smem:$0x7F9];
	s20 =	simm.s32 $0x13240  }
0x12a: {  	[tilespmem:s20], [sflag:$0x10] =	stream.indirect.gather [hbm4b:s1+s6], $0x40, s29, s6, $0xb8;
	[tilespmem:$0x19E60] =	vst v63  }
0x12b: {  	s29 =	sld [smem:$0x7FA]  }
0x12c: {  	[tilespmem:s0], [sflag:$0x11] =	stream.indirect.gather [hbm4b:s1+s6], $0x40, s17, s6, $0xb8;
	[tilespmem:$0x19E60] =	vst v63  }
0x12d: {  	s14 =	sld [smem:$0x7FB];
	s17 =	simm.s32 $0x15A40  }
0x12e: {  	[tilespmem:s17], [sflag:$0x12] =	stream.indirect.gather [hbm4b:s1+s6], $0x40, s29, s6, $0xb8;
	[tilespmem:$0x19E60] =	vst v63  }
0x12f: {  	s29 =	sld [smem:$0x7FC]  }
0x130: {  	[tilespmem:s8], [sflag:$0x13] =	stream.indirect.gather [hbm4b:s1+s6], $0x40, s14, s6, $0xb8;
	[tilespmem:$0x19E60] =	vst v63  }
0x131: {  	_ = 	snop  }
0x132: {  	[tilespmem:s24], [sflag:$0x14] =	stream.indirect.gather [hbm4b:s1+s6], $0x40, s29, s6, $0xb8;
	[tilespmem:$0x19E60] =	vst v63  }
0x133: {  	s28 =	rddreg [dreg:$0x6];
	s14 =	simm.s32 $0x19640  }
0x134: {  	[tilespmem:s14], [sflag:$0x17] =	stream.linear.gather [hbm4b:s28+s2], $0x20, $0x38;
	[tilespmem:$0x19E60] =	vst v63  }
0x135: {  	_ =	swait.ge [sflag:s3], $0x20  }
0x136: {  	s29 =	sld [smem:$0x7FD]  }
0x137: {  	[sflag:s3] =	ssyncset.done $0x0  }
0x138: {  	s28 =	rddreg [dreg:$0x4];
	[sflag:s3] =	ssyncadd.s32 $0xFFFFFFE0  }
0x139: {  	[tilespmem:s31], [sflag:$0x16] =	stream.indirect.gather [hbm4b:s28+s29], $0x40, s14, s29, $0xb8;
	[tilespmem:$0x19E60] =	vst v63  }
0x13a: {  	_ =	swait.ge [sflag:s26], $0x1400  }
0x13b: {  	[sflag:s26] =	ssyncset.done $0x0  }
0x13c: {  	s28 =	rddreg [dreg:$0x7];
	[sflag:s26] =	ssyncadd.s32 $0xFFFFEC00  }
0x13d: {  	[hbm4b:s28+s2] =	stream.linear.scatter [tilespmem:s13], [sflag:$0x15], $0x1400, $0x38;
	[tilespmem:$0x19E60] =	vst v63  }
0x13e: {  	_ =	swait.ge [sflag:s22], $0x1400  }
0x13f: {  	[sflag:s22] =	ssyncset.done $0x0  }
0x140: {  	s29 =	simm.s32 $0x1A40;
	s13 =	rddreg [dreg:$0x8];
	[sflag:s22] =	ssyncadd.s32 $0xFFFFEC00  }
0x141: {  	[hbm4b:s13+s2] =	stream.linear.scatter [tilespmem:s29], [sflag:$0x15], $0x1400, $0x38;
	[tilespmem:$0x19E60] =	vst v63  }
0x142: {  	s13 =	simm.s32 $0x3  }
0x143: {  	_ =	swait.ge [sflag:s13], $0x1400  }
0x144: {  	[sflag:s13] =	ssyncset.done $0x0  }
0x145: {  	s28 =	rddreg [dreg:$0x9];
	[sflag:s13] =	ssyncadd.s32 $0xFFFFEC00;
	s13 =	simm.s32 $0x4  }
0x146: {  	[hbm4b:s28+s2] =	stream.linear.scatter [tilespmem:s21], [sflag:$0x15], $0x1400, $0x38;
	[tilespmem:$0x19E60] =	vst v63  }
0x147: {  	_ =	swait.ge [sflag:s13], $0x1400  }
0x148: {  	[sflag:s13] =	ssyncset.done $0x0  }
0x149: {  	s28 =	rddreg [dreg:$0xa];
	[sflag:s13] =	ssyncadd.s32 $0xFFFFEC00;
	s13 =	simm.s32 $0x5  }
0x14a: {  	[hbm4b:s28+s2] =	stream.linear.scatter [tilespmem:s19], [sflag:$0x15], $0x1400, $0x38;
	[tilespmem:$0x19E60] =	vst v63  }
0x14b: {  	_ =	swait.ge [sflag:s13], $0x1400  }
0x14c: {  	[sflag:s13] =	ssyncset.done $0x0  }
0x14d: {  	s28 =	rddreg [dreg:$0xb];
	[sflag:s13] =	ssyncadd.s32 $0xFFFFEC00;
	s13 =	simm.s32 $0x6  }
0x14e: {  	[hbm4b:s28+s2] =	stream.linear.scatter [tilespmem:s18], [sflag:$0x15], $0x1400, $0x38;
	[tilespmem:$0x19E60] =	vst v63  }
0x14f: {  	_ =	swait.ge [sflag:s13], $0x1400  }
0x150: {  	[sflag:s13] =	ssyncset.done $0x0  }
0x151: {  	s14 =	simm.s32 $0x7;
	s28 =	rddreg [dreg:$0xc];
	[sflag:s13] =	ssyncadd.s32 $0xFFFFEC00  }
0x152: {  	[hbm4b:s28+s2] =	stream.linear.scatter [tilespmem:s16], [sflag:$0x15], $0x1400, $0x38;
	[tilespmem:$0x19E60] =	vst v63  }
0x153: {  	_ =	swait.ge [sflag:s14], $0x1400  }
0x154: {  	[sflag:s14] =	ssyncset.done $0x0  }
0x155: {  	s13 =	rddreg [dreg:$0xd];
	[sflag:s14] =	ssyncadd.s32 $0xFFFFEC00  }
0x156: {  	[hbm4b:s13+s2] =	stream.linear.scatter [tilespmem:s12], [sflag:$0x15], $0x1400, $0x38;
	[tilespmem:$0x19E60] =	vst v63  }
0x157: {  	s13 =	simm.s32 $0x8  }
0x158: {  	_ =	swait.ge [sflag:s13], $0x1400  }
0x159: {  	s7 =	simm.s32 $0x9240;
	[sflag:s13] =	ssyncset.done $0x0  }
0x15a: {  	s14 =	rddreg [dreg:$0xe];
	[sflag:s13] =	ssyncadd.s32 $0xFFFFEC00;
	s13 =	simm.s32 $0x9  }
0x15b: {  	[hbm4b:s14+s2] =	stream.linear.scatter [tilespmem:s7], [sflag:$0x15], $0x1400, $0x38;
	[tilespmem:$0x19E60] =	vst v63  }
0x15c: {  	_ =	swait.ge [sflag:s13], $0x1400  }
0x15d: {  	[sflag:s13] =	ssyncset.done $0x0  }
0x15e: {  	s14 =	rddreg [dreg:$0xf];
	[sflag:s13] =	ssyncadd.s32 $0xFFFFEC00;
	s13 =	simm.s32 $0xA  }
0x15f: {  	[hbm4b:s14+s2] =	stream.linear.scatter [tilespmem:s5], [sflag:$0x15], $0x1400, $0x38;
	[tilespmem:$0x19E60] =	vst v63  }
0x160: {  	_ =	swait.ge [sflag:s13], $0x1400  }
0x161: {  	[sflag:s13] =	ssyncset.done $0x0  }
0x162: {  	s14 =	rddreg [dreg:$0x10];
	[sflag:s13] =	ssyncadd.s32 $0xFFFFEC00;
	s13 =	simm.s32 $0xB  }
0x163: {  	[hbm4b:s14+s2] =	stream.linear.scatter [tilespmem:s11], [sflag:$0x15], $0x1400, $0x38;
	[tilespmem:$0x19E60] =	vst v63  }
0x164: {  	_ =	swait.ge [sflag:s13], $0x1400  }
0x165: {  	[sflag:s13] =	ssyncset.done $0x0  }
0x166: {  	s14 =	rddreg [dreg:$0x11];
	[sflag:s13] =	ssyncadd.s32 $0xFFFFEC00;
	s13 =	simm.s32 $0xC  }
0x167: {  	[hbm4b:s14+s2] =	stream.linear.scatter [tilespmem:s10], [sflag:$0x15], $0x1400, $0x38;
	[tilespmem:$0x19E60] =	vst v63  }
0x168: {  	_ =	swait.ge [sflag:s13], $0x1400  }
0x169: {  	[sflag:s13] =	ssyncset.done $0x0  }
0x16a: {  	s14 =	rddreg [dreg:$0x12];
	[sflag:s13] =	ssyncadd.s32 $0xFFFFEC00;
	s13 =	simm.s32 $0xD  }
0x16b: {  	[hbm4b:s14+s2] =	stream.linear.scatter [tilespmem:s9], [sflag:$0x15], $0x1400, $0x38;
	[tilespmem:$0x19E60] =	vst v63  }
0x16c: {  	_ =	swait.ge [sflag:s13], $0x1400  }
0x16d: {  	[sflag:s13] =	ssyncset.done $0x0  }
0x16e: {  	s14 =	rddreg [dreg:$0x13];
	[sflag:s13] =	ssyncadd.s32 $0xFFFFEC00;
	s13 =	simm.s32 $0xE  }
0x16f: {  	[hbm4b:s14+s2] =	stream.linear.scatter [tilespmem:s15], [sflag:$0x15], $0x1400, $0x38;
	[tilespmem:$0x19E60] =	vst v63  }
0x170: {  	_ =	swait.ge [sflag:s13], $0x1400  }
0x171: {  	[sflag:s13] =	ssyncset.done $0x0  }
0x172: {  	s14 =	rddreg [dreg:$0x14];
	[sflag:s13] =	ssyncadd.s32 $0xFFFFEC00;
	s13 =	simm.s32 $0xF  }
0x173: {  	[hbm4b:s14+s2] =	stream.linear.scatter [tilespmem:s23], [sflag:$0x15], $0x1400, $0x38;
	[tilespmem:$0x19E60] =	vst v63  }
0x174: {  	_ =	swait.ge [sflag:s13], $0x1400  }
0x175: {  	[sflag:s13] =	ssyncset.done $0x0  }
0x176: {  	s14 =	rddreg [dreg:$0x15];
	[sflag:s13] =	ssyncadd.s32 $0xFFFFEC00;
	s13 =	simm.s32 $0x10  }
0x177: {  	[hbm4b:s14+s2] =	stream.linear.scatter [tilespmem:s30], [sflag:$0x15], $0x1400, $0x38;
	[tilespmem:$0x19E60] =	vst v63  }
0x178: {  	_ =	swait.ge [sflag:s13], $0x1400  }
0x179: {  	[sflag:s13] =	ssyncset.done $0x0  }
0x17a: {  	s14 =	rddreg [dreg:$0x16];
	[sflag:s13] =	ssyncadd.s32 $0xFFFFEC00  }
0x17b: {  	[hbm4b:s14+s2] =	stream.linear.scatter [tilespmem:s20], [sflag:$0x15], $0x1400, $0x38;
	[tilespmem:$0x19E60] =	vst v63  }
0x17c: {  	s14 =	simm.s32 $0x11  }
0x17d: {  	_ =	swait.ge [sflag:s14], $0x1400  }
0x17e: {  	[sflag:s14] =	ssyncset.done $0x0  }
0x17f: {  	s13 =	rddreg [dreg:$0x17];
	[sflag:s14] =	ssyncadd.s32 $0xFFFFEC00;
	s14 =	simm.s32 $0x12  }
0x180: {  	[hbm4b:s13+s2] =	stream.linear.scatter [tilespmem:s0], [sflag:$0x15], $0x1400, $0x38;
	[tilespmem:$0x19E60] =	vst v63  }
0x181: {  	_ =	swait.ge [sflag:s14], $0x1400  }
0x182: {  	[sflag:s14] =	ssyncset.done $0x0  }
0x183: {  	s13 =	rddreg [dreg:$0x18];
	[sflag:s14] =	ssyncadd.s32 $0xFFFFEC00;
	s14 =	simm.s32 $0x13  }
0x184: {  	[hbm4b:s13+s2] =	stream.linear.scatter [tilespmem:s17], [sflag:$0x15], $0x1400, $0x38;
	[tilespmem:$0x19E60] =	vst v63  }
0x185: {  	_ =	swait.ge [sflag:s14], $0x1400  }
0x186: {  	[sflag:s14] =	ssyncset.done $0x0  }
0x187: {  	s7 =	simm.s32 $0x14;
	s20 =	rddreg [dreg:$0x19];
	[sflag:s14] =	ssyncadd.s32 $0xFFFFEC00  }
0x188: {  	[hbm4b:s20+s2] =	stream.linear.scatter [tilespmem:s8], [sflag:$0x15], $0x1400, $0x38;
	[tilespmem:$0x19E60] =	vst v63  }
0x189: {  	_ =	swait.ge [sflag:s7], $0x1400  }
0x18a: {  	[sflag:s7] =	ssyncset.done $0x0  }
0x18b: {  	s14 =	simm.s32 $0x16;
	s13 =	rddreg [dreg:$0x1a];
	[sflag:s7] =	ssyncadd.s32 $0xFFFFEC00  }
0x18c: {  	[hbm4b:s13+s2] =	stream.linear.scatter [tilespmem:s24], [sflag:$0x15], $0x1400, $0x38;
	[tilespmem:$0x19E60] =	vst v63  }
0x18d: {  	_ =	swait.ge [sflag:s14], $0x800  }
0x18e: {  	[sflag:s14] =	ssyncset.done $0x0  }
0x18f: {  	s20 =	rddreg [dreg:$0x1b];
	[sflag:s14] =	ssyncadd.s32 $0xFFFFF800  }
0x190: {  	[hbm4b:s20+s2] =	stream.linear.scatter [tilespmem:s31], [sflag:$0x17], $0x800, $0x38;
	[tilespmem:$0x19E60] =	vst v63  }
0x191: {  	_ =	swait.ge [sflag:s3], $0x800  }
0x192: {  	[sflag:s3] =	ssyncset.done $0x0  }
0x193: {  	[sflag:s3] =	ssyncadd.s32 $0xFFFFF800  }
0x194: {  	_ =	swait.ge [sflag:s4], $0x1400  }
0x195: {  	[sflag:s4] =	ssyncset.done $0x0  }
0x196: {  	[sflag:s4] =	ssyncadd.s32 $0xFFFFEC00  }
0x197: {  	_ =	swait.ge [sflag:s4], $0x1400  }
0x198: {  	[sflag:s4] =	ssyncset.done $0x0  }
0x199: {  	[sflag:s4] =	ssyncadd.s32 $0xFFFFEC00  }
0x19a: {  	_ =	swait.ge [sflag:s4], $0x1400  }
0x19b: {  	[sflag:s4] =	ssyncset.done $0x0  }
0x19c: {  	[sflag:s4] =	ssyncadd.s32 $0xFFFFEC00  }
0x19d: {  	_ =	swait.ge [sflag:s4], $0x1400  }
0x19e: {  	[sflag:s4] =	ssyncset.done $0x0  }
0x19f: {  	[sflag:s4] =	ssyncadd.s32 $0xFFFFEC00  }
0x1a0: {  	_ =	swait.ge [sflag:s4], $0x1400  }
0x1a1: {  	[sflag:s4] =	ssyncset.done $0x0  }
0x1a2: {  	[sflag:s4] =	ssyncadd.s32 $0xFFFFEC00  }
0x1a3: {  	_ =	swait.ge [sflag:s4], $0x1400  }
0x1a4: {  	[sflag:s4] =	ssyncset.done $0x0  }
0x1a5: {  	[sflag:s4] =	ssyncadd.s32 $0xFFFFEC00  }
0x1a6: {  	_ =	swait.ge [sflag:s4], $0x1400  }
0x1a7: {  	[sflag:s4] =	ssyncset.done $0x0  }
0x1a8: {  	[sflag:s4] =	ssyncadd.s32 $0xFFFFEC00  }
0x1a9: {  	_ =	swait.ge [sflag:s4], $0x1400  }
0x1aa: {  	[sflag:s4] =	ssyncset.done $0x0  }
0x1ab: {  	[sflag:s4] =	ssyncadd.s32 $0xFFFFEC00  }
0x1ac: {  	_ =	swait.ge [sflag:s4], $0x1400  }
0x1ad: {  	[sflag:s4] =	ssyncset.done $0x0  }
0x1ae: {  	[sflag:s4] =	ssyncadd.s32 $0xFFFFEC00  }
0x1af: {  	_ =	swait.ge [sflag:s4], $0x1400  }
0x1b0: {  	[sflag:s4] =	ssyncset.done $0x0  }
0x1b1: {  	[sflag:s4] =	ssyncadd.s32 $0xFFFFEC00  }
0x1b2: {  	_ =	swait.ge [sflag:s4], $0x1400  }
0x1b3: {  	[sflag:s4] =	ssyncset.done $0x0  }
0x1b4: {  	[sflag:s4] =	ssyncadd.s32 $0xFFFFEC00  }
0x1b5: {  	_ =	swait.ge [sflag:s4], $0x1400  }
0x1b6: {  	[sflag:s4] =	ssyncset.done $0x0  }
0x1b7: {  	[sflag:s4] =	ssyncadd.s32 $0xFFFFEC00  }
0x1b8: {  	_ =	swait.ge [sflag:s4], $0x1400  }
0x1b9: {  	[sflag:s4] =	ssyncset.done $0x0  }
0x1ba: {  	[sflag:s4] =	ssyncadd.s32 $0xFFFFEC00  }
0x1bb: {  	_ =	swait.ge [sflag:s4], $0x1400  }
0x1bc: {  	[sflag:s4] =	ssyncset.done $0x0  }
0x1bd: {  	[sflag:s4] =	ssyncadd.s32 $0xFFFFEC00  }
0x1be: {  	_ =	swait.ge [sflag:s4], $0x1400  }
0x1bf: {  	[sflag:s4] =	ssyncset.done $0x0  }
0x1c0: {  	[sflag:s4] =	ssyncadd.s32 $0xFFFFEC00  }
0x1c1: {  	_ =	swait.ge [sflag:s4], $0x1400  }
0x1c2: {  	[sflag:s4] =	ssyncset.done $0x0  }
0x1c3: {  	[sflag:s4] =	ssyncadd.s32 $0xFFFFEC00  }
0x1c4: {  	_ =	swait.ge [sflag:s4], $0x1400  }
0x1c5: {  	[sflag:s4] =	ssyncset.done $0x0  }
0x1c6: {  	[sflag:s4] =	ssyncadd.s32 $0xFFFFEC00  }
0x1c7: {  	_ =	swait.ge [sflag:s4], $0x1400  }
0x1c8: {  	p1 =	sne.s32 s25, $0x1;
	[sflag:s4] =	ssyncset.done $0x0  }
.Ltmp2:
0x1c9: {  	[sflag:s4] =	ssyncadd.s32 $0xFFFFEC00;
	(pc) =	sbr.rel @p1 .LBB2_3-.Ltmp2, $4  }
0x1ca: {  	_ =	swait.ge [sflag:s4], $0x1400  }
0x1cb: {  	[sflag:s4] =	ssyncset.done $0x0  }
0x1cc: {  	[sflag:s4] =	ssyncadd.s32 $0xFFFFEC00  }
0x1cd: {  	s25 =	sadd.s32 $0xFFFFFFFF, s25;
	s5 =	simm.s32 $0x9240;
	_ =	swait.ge [sflag:s4], $0x1400  }
0x1ce: {  	s29 =	simm.s32 $0x1A40  }
0x1cf: {  	s24 =	simm.s32 $0x16E40;
	s17 =	simm.s32 $0x14640;
	s20 =	simm.s32 $0x11E40  }
0x1d0: {  	s23 =	simm.s32 $0xF640;
	s7 =	simm.s32 $0xE240;
	s30 =	simm.s32 $0xCE40  }
0x1d1: {  	s31 =	simm.s32 $0xBA40;
	s8 =	simm.s32 $0x7E40;
	s9 =	simm.s32 $0x6A40  }
0x1d2: {  	s10 =	simm.s32 $0x5640;
	s11 =	simm.s32 $0x4240;
	s12 =	simm.s32 $0x2E40  }
0x1d3: {  	s15 =	simm.s32 $0x6;
	s16 =	simm.s32 $0x5;
	s18 =	simm.s32 $0x4  }
0x1d4: {  	s19 =	simm.s32 $0x3;
	s21 =	simm.s32 $0x2;
	s22 =	simm.s32 $0x1  }
.LBB2_5:
0x1d5: {  	[sflag:s4] =	ssyncset.done @p0 $0x0  }
0x1d6: {  	s25 =	rddreg [dreg:$0x5];
	[sflag:s4] =	ssyncadd.s32 @p0 $0xFFFFEC00  }
0x1d7: {  	[tilespmem:s2], [sflag:$0x17] =	stream.linear.gather [hbm4b:s25+s2], $0x640, $0x38;
	[tilespmem:$0x19E60] =	vst v63  }
0x1d8: {  	_ =	swait.ge [sflag:s3], $0x640  }
0x1d9: {  	[sflag:s3] =	ssyncset.done $0x0  }
0x1da: {  	s13 =	simm.s32 $0x640;
	[sflag:s3] =	ssyncadd.s32 $0xFFFFF9C0  }
0x1db: {  	[tilespmem:s13], [sflag:$0x1] =	stream.indirect.gather [hbm4b:s1+s6], $0x40, s2, s6, $0xb8;
	[tilespmem:$0x19E60] =	vst v63  }
0x1dc: {  	s14 =	rddreg [dreg:$0x1c]  }
0x1dd: {  	[tilespmem:s29], [sflag:$0x2] =	stream.indirect.gather [hbm4b:s1+s6], $0x40, s6, s6, $0xb8;
	[tilespmem:$0x19E60] =	vst v63  }
0x1de: {  	s28 =	rddreg [dreg:$0x1d]  }
0x1df: {  	[tilespmem:s12], [sflag:$0x3] =	stream.indirect.gather [hbm4b:s1+s6], $0x40, s14, s6, $0xb8;
	[tilespmem:$0x19E60] =	vst v63  }
0x1e0: {  	s26 =	rddreg [dreg:$0x1e]  }
0x1e1: {  	[tilespmem:s11], [sflag:$0x4] =	stream.indirect.gather [hbm4b:s1+s6], $0x40, s28, s6, $0xb8;
	[tilespmem:$0x19E60] =	vst v63  }
0x1e2: {  	s29 =	rddreg [dreg:$0x1f]  }
0x1e3: {  	[tilespmem:s10], [sflag:$0x5] =	stream.indirect.gather [hbm4b:s1+s6], $0x40, s26, s6, $0xb8;
	[tilespmem:$0x19E60] =	vst v63  }
0x1e4: {  	s11 =	sld [smem:$0x7EF]  }
0x1e5: {  	[tilespmem:s9], [sflag:$0x6] =	stream.indirect.gather [hbm4b:s1+s6], $0x40, s29, s6, $0xb8;
	[tilespmem:$0x19E60] =	vst v63  }
0x1e6: {  	s12 =	sld [smem:$0x7F0]  }
0x1e7: {  	[tilespmem:s8], [sflag:$0x7] =	stream.indirect.gather [hbm4b:s1+s6], $0x40, s11, s6, $0xb8;
	[tilespmem:$0x19E60] =	vst v63  }
0x1e8: {  	s25 =	sld [smem:$0x7F1]  }
0x1e9: {  	[tilespmem:s5], [sflag:$0x8] =	stream.indirect.gather [hbm4b:s1+s6], $0x40, s12, s6, $0xb8;
	[tilespmem:$0x19E60] =	vst v63  }
0x1ea: {  	s14 =	sld [smem:$0x7F2];
	s8 =	simm.s32 $0xA640  }
0x1eb: {  	[tilespmem:s8], [sflag:$0x9] =	stream.indirect.gather [hbm4b:s1+s6], $0x40, s25, s6, $0xb8;
	[tilespmem:$0x19E60] =	vst v63  }
0x1ec: {  	s25 =	sld [smem:$0x7F3]  }
0x1ed: {  	[tilespmem:s31], [sflag:$0xA] =	stream.indirect.gather [hbm4b:s1+s6], $0x40, s14, s6, $0xb8;
	[tilespmem:$0x19E60] =	vst v63  }
0x1ee: {  	s14 =	sld [smem:$0x7F4]  }
0x1ef: {  	[tilespmem:s30], [sflag:$0xB] =	stream.indirect.gather [hbm4b:s1+s6], $0x40, s25, s6, $0xb8;
	[tilespmem:$0x19E60] =	vst v63  }
0x1f0: {  	s31 =	sld [smem:$0x7F5]  }
0x1f1: {  	[tilespmem:s7], [sflag:$0xC] =	stream.indirect.gather [hbm4b:s1+s6], $0x40, s14, s6, $0xb8;
	[tilespmem:$0x19E60] =	vst v63  }
0x1f2: {  	s14 =	sld [smem:$0x7F6]  }
0x1f3: {  	[tilespmem:s23], [sflag:$0xD] =	stream.indirect.gather [hbm4b:s1+s6], $0x40, s31, s6, $0xb8;
	[tilespmem:$0x19E60] =	vst v63  }
0x1f4: {  	s25 =	sld [smem:$0x7F7];
	s23 =	simm.s32 $0x10A40  }
0x1f5: {  	[tilespmem:s23], [sflag:$0xE] =	stream.indirect.gather [hbm4b:s1+s6], $0x40, s14, s6, $0xb8;
	[tilespmem:$0x19E60] =	vst v63  }
0x1f6: {  	s14 =	sld [smem:$0x7F8]  }
0x1f7: {  	[tilespmem:s20], [sflag:$0xF] =	stream.indirect.gather [hbm4b:s1+s6], $0x40, s25, s6, $0xb8;
	[tilespmem:$0x19E60] =	vst v63  }
0x1f8: {  	s25 =	sld [smem:$0x7F9];
	s20 =	simm.s32 $0x13240  }
0x1f9: {  	[tilespmem:s20], [sflag:$0x10] =	stream.indirect.gather [hbm4b:s1+s6], $0x40, s14, s6, $0xb8;
	[tilespmem:$0x19E60] =	vst v63  }
0x1fa: {  	s14 =	sld [smem:$0x7FA]  }
0x1fb: {  	[tilespmem:s17], [sflag:$0x11] =	stream.indirect.gather [hbm4b:s1+s6], $0x40, s25, s6, $0xb8;
	[tilespmem:$0x19E60] =	vst v63  }
0x1fc: {  	s25 =	sld [smem:$0x7FB];
	s17 =	simm.s32 $0x15A40  }
0x1fd: {  	[tilespmem:s17], [sflag:$0x12] =	stream.indirect.gather [hbm4b:s1+s6], $0x40, s14, s6, $0xb8;
	[tilespmem:$0x19E60] =	vst v63  }
0x1fe: {  	s14 =	sld [smem:$0x7FC]  }
0x1ff: {  	[tilespmem:s24], [sflag:$0x13] =	stream.indirect.gather [hbm4b:s1+s6], $0x40, s25, s6, $0xb8;
	[tilespmem:$0x19E60] =	vst v63  }
0x200: {  	s24 =	simm.s32 $0x18240  }
0x201: {  	[tilespmem:s24], [sflag:$0x14] =	stream.indirect.gather [hbm4b:s1+s6], $0x40, s14, s6, $0xb8;
	[tilespmem:$0x19E60] =	vst v63  }
0x202: {  	s25 =	rddreg [dreg:$0x6];
	s14 =	simm.s32 $0x19640  }
0x203: {  	[tilespmem:s14], [sflag:$0x17] =	stream.linear.gather [hbm4b:s25+s2], $0x20, $0x38;
	[tilespmem:$0x19E60] =	vst v63  }
0x204: {  	_ =	swait.ge [sflag:s3], $0x20  }
0x205: {  	s25 =	sld [smem:$0x7FD]  }
0x206: {  	[sflag:s3] =	ssyncset.done $0x0  }
0x207: {  	s0 =	simm.s32 $0x19660;
	s6 =	rddreg [dreg:$0x4];
	[sflag:s3] =	ssyncadd.s32 $0xFFFFFFE0  }
0x208: {  	[tilespmem:s0], [sflag:$0x16] =	stream.indirect.gather [hbm4b:s6+s25], $0x40, s14, s25, $0xb8;
	[tilespmem:$0x19E60] =	vst v63  }
0x209: {  	_ =	swait.ge [sflag:s22], $0x1400  }
0x20a: {  	[sflag:s22] =	ssyncset.done $0x0  }
0x20b: {  	s14 =	rddreg [dreg:$0x7];
	[sflag:s22] =	ssyncadd.s32 $0xFFFFEC00  }
0x20c: {  	[hbm4b:s14+s2] =	stream.linear.scatter [tilespmem:s13], [sflag:$0x15], $0x1400, $0x38;
	[tilespmem:$0x19E60] =	vst v63  }
0x20d: {  	_ =	swait.ge [sflag:s21], $0x1400  }
0x20e: {  	[sflag:s21] =	ssyncset.done $0x0  }
0x20f: {  	s5 =	simm.s32 $0x1A40;
	s25 =	rddreg [dreg:$0x8];
	[sflag:s21] =	ssyncadd.s32 $0xFFFFEC00  }
0x210: {  	[hbm4b:s25+s2] =	stream.linear.scatter [tilespmem:s5], [sflag:$0x15], $0x1400, $0x38;
	[tilespmem:$0x19E60] =	vst v63  }
0x211: {  	_ =	swait.ge [sflag:s19], $0x1400  }
0x212: {  	[sflag:s19] =	ssyncset.done $0x0  }
0x213: {  	s12 =	simm.s32 $0x2E40;
	s0 =	rddreg [dreg:$0x9];
	[sflag:s19] =	ssyncadd.s32 $0xFFFFEC00  }
0x214: {  	[hbm4b:s0+s2] =	stream.linear.scatter [tilespmem:s12], [sflag:$0x15], $0x1400, $0x38;
	[tilespmem:$0x19E60] =	vst v63  }
0x215: {  	_ =	swait.ge [sflag:s18], $0x1400  }
0x216: {  	[sflag:s18] =	ssyncset.done $0x0  }
0x217: {  	s11 =	simm.s32 $0x4240;
	s5 =	rddreg [dreg:$0xa];
	[sflag:s18] =	ssyncadd.s32 $0xFFFFEC00  }
0x218: {  	[hbm4b:s5+s2] =	stream.linear.scatter [tilespmem:s11], [sflag:$0x15], $0x1400, $0x38;
	[tilespmem:$0x19E60] =	vst v63  }
0x219: {  	_ =	swait.ge [sflag:s16], $0x1400  }
0x21a: {  	[sflag:s16] =	ssyncset.done $0x0  }
0x21b: {  	s10 =	simm.s32 $0x5640;
	s12 =	rddreg [dreg:$0xb];
	[sflag:s16] =	ssyncadd.s32 $0xFFFFEC00  }
0x21c: {  	[hbm4b:s12+s2] =	stream.linear.scatter [tilespmem:s10], [sflag:$0x15], $0x1400, $0x38;
	[tilespmem:$0x19E60] =	vst v63  }
0x21d: {  	_ =	swait.ge [sflag:s15], $0x1400  }
0x21e: {  	s28 =	simm.s32 $0x7;
	[sflag:s15] =	ssyncset.done $0x0  }
0x21f: {  	s9 =	simm.s32 $0x6A40;
	s13 =	rddreg [dreg:$0xc];
	[sflag:s15] =	ssyncadd.s32 $0xFFFFEC00  }
0x220: {  	[hbm4b:s13+s2] =	stream.linear.scatter [tilespmem:s9], [sflag:$0x15], $0x1400, $0x38;
	[tilespmem:$0x19E60] =	vst v63  }
0x221: {  	_ =	swait.ge [sflag:s28], $0x1400  }
0x222: {  	s26 =	simm.s32 $0x7E40;
	[sflag:s28] =	ssyncset.done $0x0  }
0x223: {  	s15 =	simm.s32 $0x8;
	s14 =	rddreg [dreg:$0xd];
	[sflag:s28] =	ssyncadd.s32 $0xFFFFEC00  }
0x224: {  	[hbm4b:s14+s2] =	stream.linear.scatter [tilespmem:s26], [sflag:$0x15], $0x1400, $0x38;
	[tilespmem:$0x19E60] =	vst v63  }
0x225: {  	_ =	swait.ge [sflag:s15], $0x1400  }
0x226: {  	s19 =	simm.s32 $0x9;
	[sflag:s15] =	ssyncset.done $0x0  }
0x227: {  	s18 =	simm.s32 $0x9240;
	s16 =	rddreg [dreg:$0xe];
	[sflag:s15] =	ssyncadd.s32 $0xFFFFEC00  }
0x228: {  	[hbm4b:s16+s2] =	stream.linear.scatter [tilespmem:s18], [sflag:$0x15], $0x1400, $0x38;
	[tilespmem:$0x19E60] =	vst v63  }
0x229: {  	_ =	swait.ge [sflag:s19], $0x1400  }
0x22a: {  	[sflag:s19] =	ssyncset.done $0x0  }
0x22b: {  	s22 =	simm.s32 $0xA;
	s21 =	rddreg [dreg:$0xf];
	[sflag:s19] =	ssyncadd.s32 $0xFFFFEC00  }
0x22c: {  	[hbm4b:s21+s2] =	stream.linear.scatter [tilespmem:s8], [sflag:$0x15], $0x1400, $0x38;
	[tilespmem:$0x19E60] =	vst v63  }
0x22d: {  	_ =	swait.ge [sflag:s22], $0x1400  }
0x22e: {  	s7 =	simm.s32 $0xBA40;
	[sflag:s22] =	ssyncset.done $0x0  }
0x22f: {  	s26 =	simm.s32 $0xB;
	s25 =	rddreg [dreg:$0x10];
	[sflag:s22] =	ssyncadd.s32 $0xFFFFEC00  }
0x230: {  	[hbm4b:s25+s2] =	stream.linear.scatter [tilespmem:s7], [sflag:$0x15], $0x1400, $0x38;
	[tilespmem:$0x19E60] =	vst v63  }
0x231: {  	_ =	swait.ge [sflag:s26], $0x1400  }
0x232: {  	s30 =	simm.s32 $0xCE40;
	[sflag:s26] =	ssyncset.done $0x0  }
0x233: {  	s1 =	simm.s32 $0xC;
	s28 =	rddreg [dreg:$0x11];
	[sflag:s26] =	ssyncadd.s32 $0xFFFFEC00  }
0x234: {  	[hbm4b:s28+s2] =	stream.linear.scatter [tilespmem:s30], [sflag:$0x15], $0x1400, $0x38;
	[tilespmem:$0x19E60] =	vst v63  }
0x235: {  	_ =	swait.ge [sflag:s1], $0x1400  }
0x236: {  	s31 =	simm.s32 $0xE240;
	[sflag:s1] =	ssyncset.done $0x0  }
0x237: {  	s7 =	simm.s32 $0xD;
	s5 =	rddreg [dreg:$0x12];
	[sflag:s1] =	ssyncadd.s32 $0xFFFFEC00  }
0x238: {  	[hbm4b:s5+s2] =	stream.linear.scatter [tilespmem:s31], [sflag:$0x15], $0x1400, $0x38;
	[tilespmem:$0x19E60] =	vst v63  }
0x239: {  	_ =	swait.ge [sflag:s7], $0x1400  }
0x23a: {  	s10 =	simm.s32 $0xE;
	[sflag:s7] =	ssyncset.done $0x0  }
0x23b: {  	s9 =	simm.s32 $0xF640;
	s8 =	rddreg [dreg:$0x13];
	[sflag:s7] =	ssyncadd.s32 $0xFFFFEC00  }
0x23c: {  	[hbm4b:s8+s2] =	stream.linear.scatter [tilespmem:s9], [sflag:$0x15], $0x1400, $0x38;
	[tilespmem:$0x19E60] =	vst v63  }
0x23d: {  	_ =	swait.ge [sflag:s10], $0x1400  }
0x23e: {  	[sflag:s10] =	ssyncset.done $0x0  }
0x23f: {  	s12 =	simm.s32 $0xF;
	s11 =	rddreg [dreg:$0x14];
	[sflag:s10] =	ssyncadd.s32 $0xFFFFEC00  }
0x240: {  	[hbm4b:s11+s2] =	stream.linear.scatter [tilespmem:s23], [sflag:$0x15], $0x1400, $0x38;
	[tilespmem:$0x19E60] =	vst v63  }
0x241: {  	_ =	swait.ge [sflag:s12], $0x1400  }
0x242: {  	s14 =	simm.s32 $0x11E40;
	[sflag:s12] =	ssyncset.done $0x0  }
0x243: {  	s15 =	simm.s32 $0x10;
	s13 =	rddreg [dreg:$0x15];
	[sflag:s12] =	ssyncadd.s32 $0xFFFFEC00  }
0x244: {  	[hbm4b:s13+s2] =	stream.linear.scatter [tilespmem:s14], [sflag:$0x15], $0x1400, $0x38;
	[tilespmem:$0x19E60] =	vst v63  }
0x245: {  	_ =	swait.ge [sflag:s15], $0x1400  }
0x246: {  	[sflag:s15] =	ssyncset.done $0x0  }
0x247: {  	s18 =	simm.s32 $0x11;
	s16 =	rddreg [dreg:$0x16];
	[sflag:s15] =	ssyncadd.s32 $0xFFFFEC00  }
0x248: {  	[hbm4b:s16+s2] =	stream.linear.scatter [tilespmem:s20], [sflag:$0x15], $0x1400, $0x38;
	[tilespmem:$0x19E60] =	vst v63  }
0x249: {  	_ =	swait.ge [sflag:s18], $0x1400  }
0x24a: {  	s21 =	simm.s32 $0x12;
	[sflag:s18] =	ssyncset.done $0x0  }
0x24b: {  	s20 =	simm.s32 $0x14640;
	s19 =	rddreg [dreg:$0x17];
	[sflag:s18] =	ssyncadd.s32 $0xFFFFEC00  }
0x24c: {  	[hbm4b:s19+s2] =	stream.linear.scatter [tilespmem:s20], [sflag:$0x15], $0x1400, $0x38;
	[tilespmem:$0x19E60] =	vst v63  }
0x24d: {  	_ =	swait.ge [sflag:s21], $0x1400  }
0x24e: {  	[sflag:s21] =	ssyncset.done $0x0  }
0x24f: {  	s23 =	simm.s32 $0x13;
	s22 =	rddreg [dreg:$0x18];
	[sflag:s21] =	ssyncadd.s32 $0xFFFFEC00  }
0x250: {  	[hbm4b:s22+s2] =	stream.linear.scatter [tilespmem:s17], [sflag:$0x15], $0x1400, $0x38;
	[tilespmem:$0x19E60] =	vst v63  }
0x251: {  	_ =	swait.ge [sflag:s23], $0x1400  }
0x252: {  	s29 =	simm.s32 $0x14;
	[sflag:s23] =	ssyncset.done $0x0  }
0x253: {  	s26 =	simm.s32 $0x16E40;
	s25 =	rddreg [dreg:$0x19];
	[sflag:s23] =	ssyncadd.s32 $0xFFFFEC00  }
0x254: {  	[hbm4b:s25+s2] =	stream.linear.scatter [tilespmem:s26], [sflag:$0x15], $0x1400, $0x38;
	[tilespmem:$0x19E60] =	vst v63  }
0x255: {  	_ =	swait.ge [sflag:s29], $0x1400  }
0x256: {  	[sflag:s29] =	ssyncset.done $0x0  }
0x257: {  	s28 =	rddreg [dreg:$0x1a];
	[sflag:s29] =	ssyncadd.s32 $0xFFFFEC00;
	s29 =	simm.s32 $0x16  }
0x258: {  	[hbm4b:s28+s2] =	stream.linear.scatter [tilespmem:s24], [sflag:$0x15], $0x1400, $0x38;
	[tilespmem:$0x19E60] =	vst v63  }
0x259: {  	_ =	swait.ge [sflag:s29], $0x800  }
0x25a: {  	[sflag:s29] =	ssyncset.done $0x0  }
0x25b: {  	s6 =	simm.s32 $0x19660;
	s30 =	rddreg [dreg:$0x1b];
	[sflag:s29] =	ssyncadd.s32 $0xFFFFF800  }
0x25c: {  	[hbm4b:s30+s2] =	stream.linear.scatter [tilespmem:s6], [sflag:$0x17], $0x800, $0x38;
	[tilespmem:$0x19E60] =	vst v63  }
0x25d: {  	_ =	swait.ge [sflag:s3], $0x800  }
0x25e: {  	[sflag:s3] =	ssyncset.done $0x0  }
0x25f: {  	[sflag:s3] =	ssyncadd.s32 $0xFFFFF800  }
0x260: {  	_ =	swait.ge [sflag:s4], $0x1400  }
0x261: {  	[sflag:s4] =	ssyncset.done $0x0  }
0x262: {  	[sflag:s4] =	ssyncadd.s32 $0xFFFFEC00  }
0x263: {  	_ =	swait.ge [sflag:s4], $0x1400  }
0x264: {  	[sflag:s4] =	ssyncset.done $0x0  }
0x265: {  	[sflag:s4] =	ssyncadd.s32 $0xFFFFEC00  }
0x266: {  	_ =	swait.ge [sflag:s4], $0x1400  }
0x267: {  	[sflag:s4] =	ssyncset.done $0x0  }
0x268: {  	[sflag:s4] =	ssyncadd.s32 $0xFFFFEC00  }
0x269: {  	_ =	swait.ge [sflag:s4], $0x1400  }
0x26a: {  	[sflag:s4] =	ssyncset.done $0x0  }
0x26b: {  	[sflag:s4] =	ssyncadd.s32 $0xFFFFEC00  }
0x26c: {  	_ =	swait.ge [sflag:s4], $0x1400  }
0x26d: {  	[sflag:s4] =	ssyncset.done $0x0  }
0x26e: {  	[sflag:s4] =	ssyncadd.s32 $0xFFFFEC00  }
0x26f: {  	_ =	swait.ge [sflag:s4], $0x1400  }
0x270: {  	[sflag:s4] =	ssyncset.done $0x0  }
0x271: {  	[sflag:s4] =	ssyncadd.s32 $0xFFFFEC00  }
0x272: {  	_ =	swait.ge [sflag:s4], $0x1400  }
0x273: {  	[sflag:s4] =	ssyncset.done $0x0  }
0x274: {  	[sflag:s4] =	ssyncadd.s32 $0xFFFFEC00  }
0x275: {  	_ =	swait.ge [sflag:s4], $0x1400  }
0x276: {  	[sflag:s4] =	ssyncset.done $0x0  }
0x277: {  	[sflag:s4] =	ssyncadd.s32 $0xFFFFEC00  }
0x278: {  	_ =	swait.ge [sflag:s4], $0x1400  }
0x279: {  	[sflag:s4] =	ssyncset.done $0x0  }
0x27a: {  	[sflag:s4] =	ssyncadd.s32 $0xFFFFEC00  }
0x27b: {  	_ =	swait.ge [sflag:s4], $0x1400  }
0x27c: {  	[sflag:s4] =	ssyncset.done $0x0  }
0x27d: {  	[sflag:s4] =	ssyncadd.s32 $0xFFFFEC00  }
0x27e: {  	_ =	swait.ge [sflag:s4], $0x1400  }
0x27f: {  	[sflag:s4] =	ssyncset.done $0x0  }
0x280: {  	[sflag:s4] =	ssyncadd.s32 $0xFFFFEC00  }
0x281: {  	_ =	swait.ge [sflag:s4], $0x1400  }
0x282: {  	[sflag:s4] =	ssyncset.done $0x0  }
0x283: {  	[sflag:s4] =	ssyncadd.s32 $0xFFFFEC00  }
0x284: {  	_ =	swait.ge [sflag:s4], $0x1400  }
0x285: {  	[sflag:s4] =	ssyncset.done $0x0  }
0x286: {  	[sflag:s4] =	ssyncadd.s32 $0xFFFFEC00  }
0x287: {  	_ =	swait.ge [sflag:s4], $0x1400  }
0x288: {  	[sflag:s4] =	ssyncset.done $0x0  }
0x289: {  	[sflag:s4] =	ssyncadd.s32 $0xFFFFEC00  }
0x28a: {  	_ =	swait.ge [sflag:s4], $0x1400  }
0x28b: {  	[sflag:s4] =	ssyncset.done $0x0  }
0x28c: {  	[sflag:s4] =	ssyncadd.s32 $0xFFFFEC00  }
0x28d: {  	_ =	swait.ge [sflag:s4], $0x1400  }
0x28e: {  	[sflag:s4] =	ssyncset.done $0x0  }
0x28f: {  	[sflag:s4] =	ssyncadd.s32 $0xFFFFEC00  }
0x290: {  	_ =	swait.ge [sflag:s4], $0x1400  }
0x291: {  	[sflag:s4] =	ssyncset.done $0x0  }
0x292: {  	[sflag:s4] =	ssyncadd.s32 $0xFFFFEC00  }
0x293: {  	_ =	swait.ge [sflag:s4], $0x1400  }
0x294: {  	[sflag:s4] =	ssyncset.done $0x0  }
0x295: {  	[sflag:s4] =	ssyncadd.s32 $0xFFFFEC00  }
0x296: {  	_ =	swait.ge [sflag:s4], $0x1400  }
0x297: {  	[sflag:s4] =	ssyncset.done $0x0  }
0x298: {  	[sflag:s4] =	ssyncadd.s32 $0xFFFFEC00  }
0x299: {  	_ =	swait.ge [sflag:s4], $0x1400  }
0x29a: {  	[sflag:s4] =	ssyncset.done $0x0  }
0x29b: {  	[sflag:s4] =	ssyncadd.s32 $0xFFFFEC00  }
0x29c: {  	_ =	sfence.sel $0x180000  }
0x29d: {  	[bflag:$0x0] =	sbarrier.arrive $0xFFFF  }
0x29e: {  	_ =	strace $0x90000047  }
0x29f: {  	s31 =	stileid.u32;
	[bflag:$0x2] =	sbarrier.arrive $0xFFFF  }
0x2a0: {  	p0 =	sne.s32 s31, $0x0;
	s0 =	rddreg [dreg:$0x3]  }
0x2a1: {  	s0 =	sadd.s32 @!p0 $0x100000, s0  }
0x2a2: {  	[sflag:s0] =	ssyncadd.tile.s32 @!p0 $0x1;
	_ =	shalt  }
.LBB2_6:
0x2a3: {  	s29 =	simm.s32 $0x1A40;
	s24 =	simm.s32 $0x16E40  }
0x2a4: {  	s17 =	simm.s32 $0x14640;
	s20 =	simm.s32 $0x11E40;
	s23 =	simm.s32 $0xF640  }
.Ltmp3:
0x2a5: {  	s7 =	simm.s32 $0xE240;
	s30 =	simm.s32 $0xCE40;
	(pc) =	sbr.rel .LBB2_5-.Ltmp3, $4  }
0x2a6: {  	s31 =	simm.s32 $0xBA40;
	s8 =	simm.s32 $0x7E40;
	s9 =	simm.s32 $0x6A40  }
0x2a7: {  	s10 =	simm.s32 $0x5640;
	s11 =	simm.s32 $0x4240;
	s12 =	simm.s32 $0x2E40  }
0x2a8: {  	s15 =	simm.s32 $0x6;
	s16 =	simm.s32 $0x5;
	s18 =	simm.s32 $0x4  }
0x2a9: {  	s19 =	simm.s32 $0x3;
	s21 =	simm.s32 $0x2;
	s22 =	simm.s32 $0x1  }
.Lfunc_end2:
_tile_overlayer_lowered:
.L_overlay_start_2:
0x2aa: {  	(tag) =	ssettag $0x2  }
0x2ab: {  	s0 =	rddreg [dreg:$0x0];
	s2 =	stileid.u32  }
0x2ac: {  	s1 =	rddreg [dreg:$0x1];
	p0 =	sne.s32 s2, $0x0  }
0x2ad: {  	s3 =	rddreg [dreg:$0x2];
	[bflag:$0x3] =	sbarrier.arrive $0xFFFF;
	s2 =	simm.s32 @!p0 $0x1C17  }
0x2ae: {  	[timem:s3], [sflag:s2] =	dma.local @!p0 [hbm:s0], s1  }
0x2af: {  	s0 =	simm.s32 @!p0 $0x17  }
0x2b0: {  	_ =	swait.ge @!p0 [sflag:s0], s1  }
0x2b1: {  	s1 =	ssub.s32 @!p0 $0x0, s1;
	[sflag:s0] =	ssyncset.done @!p0 $0x0  }
0x2b2: {  	[sflag:s0] =	ssyncadd.s32 @!p0 s1  }
0x2b3: {  	[bflag:$0x3] =	sbarrier.arrive $0xFFFF  }
0x2b4: {  	_ =	shalt  }

</sc_bundles>
